<compile_context>
chip_gen: v7x
topology: tpu7x:2x2x1
jax: 0.10.2.dev20260603
libtpu: 0.0.44.dev20260713+nightly
codegen_flags: <defaults>
</compile_context>

<pallas_src>
import functools

import jax
import jax.numpy as jnp
from jax import lax
from jax.experimental import pallas as pl
from jax.experimental.pallas import tpu as pltpu
from jax.experimental.pallas import tpu_sc as plsc

BATCH = 1024
MEM_LEN = 200
POS_DIM = 128
MAX_SEQ_LEN = 48

ROWS = BATCH * MEM_LEN
NUM_WORKERS = 32
ROWS_PER_WORKER = ROWS // NUM_WORKERS
CHUNK = 320
NUM_CHUNKS = ROWS_PER_WORKER // CHUNK
NBUF = 3


def _sc_body(x_hbm, idx_hbm, tab_hbm, out_hbm, tab_sh,
             idx_bufs, x_bufs, sems_in, sems_add, sems_out):
    cid = lax.axis_index("c")
    sid = lax.axis_index("s")
    wid = sid * 2 + cid
    w_base = wid * ROWS_PER_WORKER

    def issue_in(ci, b):
        base = w_base + ci * CHUNK
        d1 = pltpu.async_copy(idx_hbm.at[pl.ds(base, CHUNK)], idx_bufs[b],
                              sems_in[b])
        d2 = pltpu.async_copy(x_hbm.at[pl.ds(base, CHUNK), :], x_bufs[b],
                              sems_in[b])
        return (d1, d2)

    def issue_add(b):
        return pltpu.async_copy(tab_sh.at[idx_bufs[b]], x_bufs[b],
                                sems_add[b], add=True)

    def issue_out(ci, b):
        base = w_base + ci * CHUNK
        return pltpu.async_copy(x_bufs[b], out_hbm.at[pl.ds(base, CHUNK), :],
                                sems_out[b])

    pend_in = [None] * NBUF
    pend_add = [None] * NBUF
    pend_out = [None] * NBUF

    pend_in[0] = issue_in(0, 0)
    if NUM_CHUNKS > 1:
        pend_in[1] = issue_in(1, 1)

    @pl.when(sid == 0)
    def _stage_table():
        pltpu.sync_copy(tab_hbm, tab_sh)

    plsc.subcore_barrier()

    for ci in range(NUM_CHUNKS):
        b = ci % NBUF
        for d in pend_in[b]:
            d.wait()
        pend_in[b] = None
        pend_add[b] = issue_add(b)
        if ci >= 1:
            pb = (ci - 1) % NBUF
            pend_add[pb].wait()
            pend_add[pb] = None
            pend_out[pb] = issue_out(ci - 1, pb)
        if ci + 2 < NUM_CHUNKS:
            nb = (ci + 2) % NBUF
            if pend_out[nb] is not None:
                pend_out[nb].wait()
                pend_out[nb] = None
            pend_in[nb] = issue_in(ci + 2, nb)

    lb = (NUM_CHUNKS - 1) % NBUF
    pend_add[lb].wait()
    pend_out[lb] = issue_out(NUM_CHUNKS - 1, lb)
    for b in range(NBUF):
        if pend_out[b] is not None:
            pend_out[b].wait()


@jax.jit
def _run(x_flat, idx_flat, table):
    mesh = plsc.VectorSubcoreMesh(core_axis_name="c", subcore_axis_name="s")

    def body(x_hbm, idx_hbm, tab_hbm, out_hbm, tab_sh, *rest):
        idx_bufs = rest[0:NBUF]
        x_bufs = rest[NBUF:2 * NBUF]
        sems_in = rest[2 * NBUF:3 * NBUF]
        sems_add = rest[3 * NBUF:4 * NBUF]
        sems_out = rest[4 * NBUF:5 * NBUF]
        _sc_body(x_hbm, idx_hbm, tab_hbm, out_hbm, tab_sh,
                 idx_bufs, x_bufs, sems_in, sems_add, sems_out)

    scratch = [pltpu.VMEM_SHARED((MAX_SEQ_LEN, POS_DIM), jnp.float32)]
    scratch += [pltpu.VMEM((CHUNK,), jnp.int32) for _ in range(NBUF)]
    scratch += [pltpu.VMEM((CHUNK, POS_DIM), jnp.float32) for _ in range(NBUF)]
    scratch += [pltpu.SemaphoreType.DMA for _ in range(3 * NBUF)]

    return pl.kernel(
        body,
        out_type=jax.ShapeDtypeStruct((ROWS, POS_DIM), jnp.float32),
        mesh=mesh,
        scratch_types=scratch,
    )(x_flat, idx_flat, table)


def kernel(x, pos_idx, embedding_weight):
    x_flat = x.reshape(ROWS, POS_DIM)
    idx_flat = pos_idx.reshape(ROWS).astype(jnp.int32)
    out = _run(x_flat, idx_flat, embedding_weight)
    return out.reshape(BATCH, MEM_LEN, POS_DIM)

# --- scband reference (transcript-rebuilt; emitter-appended) ---
"""Pipeline reference for scband-adaptive-cross-attn-history-positional-encoding-35596688949639 (READ-ONLY COPY).

The authoritative reference and input builder live on the scoring server;
editing this copy changes nothing except your own understanding.
"""

import jax, jax.numpy as jnp
import numpy as np

BATCH = 1024
MEM_LEN = 200
POS_DIM = 128
MAX_SEQ_LEN = 48


def setup_inputs(seed: int = 0) -> dict:
    key = jax.random.key(seed)
    k1, k2, k3 = jax.random.split(key, 3)
    x = jax.random.normal(k1, (BATCH, MEM_LEN, POS_DIM), dtype=jnp.float32)
    pos_idx = jax.random.randint(k2, (BATCH, MEM_LEN), 0, MAX_SEQ_LEN)
    # embedding table, initialized uniform(-0.1, 0.1) as in the torch module
    embedding_weight = jax.random.uniform(
        k3, (MAX_SEQ_LEN, POS_DIM), minval=-0.1, maxval=0.1, dtype=jnp.float32
    )
    return {"x": x, "pos_idx": pos_idx, "embedding_weight": embedding_weight}


def reference(x, pos_idx, embedding_weight):
    # init_batch_pos_embs: pos_embs = self.embedding(pos_matrices)
    # (pos_matrix construction is integer bookkeeping; values are clamped into
    #  [0, max_seq_len-1], which pos_idx already satisfies)
    pos_embs = jnp.take(embedding_weight, pos_idx, axis=0)
    # forward: return x + self.pos_embs
    return x + pos_embs

if __name__ == "__main__":
    import jax
    _d = setup_inputs()
    print(jax.jit(kernel)(*tuple(_d.values())))

</pallas_src>

<mosaic_0001>
#map = affine_map<(d0, d1) -> (0, 0)>
#map1 = affine_map<(d0, d1) -> (0)>
module attributes {stable_mosaic.version = 14 : i64} {
  func.func @body(%arg0: i32, %arg1: i32, %arg2: memref<204800x128xf32, #tpu.memory_space<hbm>>, %arg3: memref<204800xi32, #tpu.memory_space<hbm>>, %arg4: memref<48x128xf32, #tpu.memory_space<hbm>>, %arg5: memref<204800x128xf32, #tpu.memory_space<hbm>>, %arg6: memref<48x128xf32, #tpu.memory_space<vmem_shared>>, %arg7: memref<320xi32, #tpu.memory_space<vmem>>, %arg8: memref<320xi32, #tpu.memory_space<vmem>>, %arg9: memref<320xi32, #tpu.memory_space<vmem>>, %arg10: memref<320x128xf32, #tpu.memory_space<vmem>>, %arg11: memref<320x128xf32, #tpu.memory_space<vmem>>, %arg12: memref<320x128xf32, #tpu.memory_space<vmem>>, %arg13: memref<!tpu.dma_semaphore, #tpu.memory_space<semaphore_mem>>, %arg14: memref<!tpu.dma_semaphore, #tpu.memory_space<semaphore_mem>>, %arg15: memref<!tpu.dma_semaphore, #tpu.memory_space<semaphore_mem>>, %arg16: memref<!tpu.dma_semaphore, #tpu.memory_space<semaphore_mem>>, %arg17: memref<!tpu.dma_semaphore, #tpu.memory_space<semaphore_mem>>, %arg18: memref<!tpu.dma_semaphore, #tpu.memory_space<semaphore_mem>>, %arg19: memref<!tpu.dma_semaphore, #tpu.memory_space<semaphore_mem>>, %arg20: memref<!tpu.dma_semaphore, #tpu.memory_space<semaphore_mem>>, %arg21: memref<!tpu.dma_semaphore, #tpu.memory_space<semaphore_mem>>) attributes {dimension_semantics = [#tpu.dimension_semantics<core_parallel>, #tpu.dimension_semantics<subcore_parallel>], iteration_bounds = array<i64: 2, 16>, scalar_prefetch = 0 : i64, scratch_operands = 16 : i64, tpu.core_type = #tpu.core_type<sc_vector_subcore>, window_params = [{transform_indices = #map}, {transform_indices = #map1}, {transform_indices = #map}, {transform_indices = #map}]} {
    %mul3A = arith.constant 2 : i32
    %mul3A_0 = arith.muli %arg1, %mul3A : i32
    %add3A = arith.addi %mul3A_0, %arg0 : i32
    %mul3A_1 = arith.constant 6400 : i32
    %mul3A_2 = arith.muli %add3A, %mul3A_1 : i32
    %add3A_3 = arith.constant 0 : i32
    %add3A_4 = arith.addi %mul3A_2, %add3A_3 : i32
    %dma_start3A = tpu.memref_slice %arg3[%add3A_4] : memref<204800xi32, #tpu.memory_space<hbm>> -> memref<320xi32, #tpu.memory_space<hbm>>
    %dma_start3A_5 = tpu.memref_slice %arg3[%add3A_4] : memref<204800xi32, #tpu.memory_space<hbm>> -> memref<320xi32, #tpu.memory_space<hbm>>
    tpu.enqueue_dma source(%dma_start3A_5 : memref<320xi32, #tpu.memory_space<hbm>>) target(%arg7 : memref<320xi32, #tpu.memory_space<vmem>>) target_semaphore(%arg13 : memref<!tpu.dma_semaphore, #tpu.memory_space<semaphore_mem>>)
    %dma_start3A_6 = arith.constant 0 : i32
    %dma_start3A_7 = tpu.memref_slice %arg2[%add3A_4, %dma_start3A_6] : memref<204800x128xf32, #tpu.memory_space<hbm>> -> memref<320x128xf32, #tpu.memory_space<hbm>>
    %dma_start3A_8 = arith.constant 0 : i32
    %dma_start3A_9 = tpu.memref_slice %arg2[%add3A_4, %dma_start3A_8] : memref<204800x128xf32, #tpu.memory_space<hbm>> -> memref<320x128xf32, #tpu.memory_space<hbm>>
    tpu.enqueue_dma source(%dma_start3A_9 : memref<320x128xf32, #tpu.memory_space<hbm>>) target(%arg10 : memref<320x128xf32, #tpu.memory_space<vmem>>) target_semaphore(%arg13 : memref<!tpu.dma_semaphore, #tpu.memory_space<semaphore_mem>>)
    %add3A_10 = arith.constant 320 : i32
    %add3A_11 = arith.addi %mul3A_2, %add3A_10 : i32
    %dma_start3A_12 = tpu.memref_slice %arg3[%add3A_11] : memref<204800xi32, #tpu.memory_space<hbm>> -> memref<320xi32, #tpu.memory_space<hbm>>
    %dma_start3A_13 = tpu.memref_slice %arg3[%add3A_11] : memref<204800xi32, #tpu.memory_space<hbm>> -> memref<320xi32, #tpu.memory_space<hbm>>
    tpu.enqueue_dma source(%dma_start3A_13 : memref<320xi32, #tpu.memory_space<hbm>>) target(%arg8 : memref<320xi32, #tpu.memory_space<vmem>>) target_semaphore(%arg14 : memref<!tpu.dma_semaphore, #tpu.memory_space<semaphore_mem>>)
    %dma_start3A_14 = arith.constant 0 : i32
    %dma_start3A_15 = tpu.memref_slice %arg2[%add3A_11, %dma_start3A_14] : memref<204800x128xf32, #tpu.memory_space<hbm>> -> memref<320x128xf32, #tpu.memory_space<hbm>>
    %dma_start3A_16 = arith.constant 0 : i32
    %dma_start3A_17 = tpu.memref_slice %arg2[%add3A_11, %dma_start3A_16] : memref<204800x128xf32, #tpu.memory_space<hbm>> -> memref<320x128xf32, #tpu.memory_space<hbm>>
    tpu.enqueue_dma source(%dma_start3A_17 : memref<320x128xf32, #tpu.memory_space<hbm>>) target(%arg11 : memref<320x128xf32, #tpu.memory_space<vmem>>) target_semaphore(%arg14 : memref<!tpu.dma_semaphore, #tpu.memory_space<semaphore_mem>>)
    %eq3A = arith.constant 0 : i32
    %eq3A_18 = arith.cmpi eq, %arg1, %eq3A : i32
    %convert_element_type3A = arith.extui %eq3A_18 : i1 to i32
    %cond3A = arith.constant 0 : i32
    %cond3A_19 = arith.cmpi ne, %convert_element_type3A, %cond3A : i32
    scf.if %cond3A_19 {
      "tpu.region"() ({
        %run_scoped3A = tpu.sem_alloc : memref<!tpu.dma_semaphore, #tpu.memory_space<semaphore_mem>>
        tpu.enqueue_dma source(%arg4 : memref<48x128xf32, #tpu.memory_space<hbm>>) target(%arg6 : memref<48x128xf32, #tpu.memory_space<vmem_shared>>) target_semaphore(%run_scoped3A : memref<!tpu.dma_semaphore, #tpu.memory_space<semaphore_mem>>)
        tpu.wait_dma2 semaphore(%run_scoped3A : memref<!tpu.dma_semaphore, #tpu.memory_space<semaphore_mem>>) src(%arg4 : memref<48x128xf32, #tpu.memory_space<hbm>>) dst(%arg6 : memref<48x128xf32, #tpu.memory_space<vmem_shared>>)
        tpu.yield
      }) : () -> ()
    } else {
    }
    %barrier3A = arith.constant 0 : index
    tpu.barrier barrier_id(%barrier3A)
    %dma_wait3A = tpu.memref_slice %arg3[%add3A_4] : memref<204800xi32, #tpu.memory_space<hbm>> -> memref<320xi32, #tpu.memory_space<hbm>>
    %dma_wait3A_20 = tpu.memref_slice %arg3[%add3A_4] : memref<204800xi32, #tpu.memory_space<hbm>> -> memref<320xi32, #tpu.memory_space<hbm>>
    tpu.wait_dma2 semaphore(%arg13 : memref<!tpu.dma_semaphore, #tpu.memory_space<semaphore_mem>>) src(%dma_wait3A_20 : memref<320xi32, #tpu.memory_space<hbm>>) dst(%arg7 : memref<320xi32, #tpu.memory_space<vmem>>)
    %dma_wait3A_21 = arith.constant 0 : i32
    %dma_wait3A_22 = tpu.memref_slice %arg2[%add3A_4, %dma_wait3A_21] : memref<204800x128xf32, #tpu.memory_space<hbm>> -> memref<320x128xf32, #tpu.memory_space<hbm>>
    %dma_wait3A_23 = arith.constant 0 : i32
    %dma_wait3A_24 = tpu.memref_slice %arg2[%add3A_4, %dma_wait3A_23] : memref<204800x128xf32, #tpu.memory_space<hbm>> -> memref<320x128xf32, #tpu.memory_space<hbm>>
    tpu.wait_dma2 semaphore(%arg13 : memref<!tpu.dma_semaphore, #tpu.memory_space<semaphore_mem>>) src(%dma_wait3A_24 : memref<320x128xf32, #tpu.memory_space<hbm>>) dst(%arg10 : memref<320x128xf32, #tpu.memory_space<vmem>>)
    %dma_start3A_25 = arith.constant 0 : i32
    %dma_start3A_26 = arith.constant 0 : i32
    %dma_start3A_27 = tpu.memref_slice %arg6[%dma_start3A_25, %dma_start3A_26] : memref<48x128xf32, #tpu.memory_space<vmem_shared>> -> memref<48x128xf32, #tpu.memory_space<vmem_shared>>
    tpu.enqueue_indirect_dma source(%dma_start3A_27 : memref<48x128xf32, #tpu.memory_space<vmem_shared>>) target(%arg10 : memref<320x128xf32, #tpu.memory_space<vmem>>) offsets(%arg7 : memref<320xi32, #tpu.memory_space<vmem>>) semaphore(%arg16 : memref<!tpu.dma_semaphore, #tpu.memory_space<semaphore_mem>>) {add = true}
    %add3A_28 = arith.constant 640 : i32
    %add3A_29 = arith.addi %mul3A_2, %add3A_28 : i32
    %dma_start3A_30 = tpu.memref_slice %arg3[%add3A_29] : memref<204800xi32, #tpu.memory_space<hbm>> -> memref<320xi32, #tpu.memory_space<hbm>>
    %dma_start3A_31 = tpu.memref_slice %arg3[%add3A_29] : memref<204800xi32, #tpu.memory_space<hbm>> -> memref<320xi32, #tpu.memory_space<hbm>>
    tpu.enqueue_dma source(%dma_start3A_31 : memref<320xi32, #tpu.memory_space<hbm>>) target(%arg9 : memref<320xi32, #tpu.memory_space<vmem>>) target_semaphore(%arg15 : memref<!tpu.dma_semaphore, #tpu.memory_space<semaphore_mem>>)
    %dma_start3A_32 = arith.constant 0 : i32
    %dma_start3A_33 = tpu.memref_slice %arg2[%add3A_29, %dma_start3A_32] : memref<204800x128xf32, #tpu.memory_space<hbm>> -> memref<320x128xf32, #tpu.memory_space<hbm>>
    %dma_start3A_34 = arith.constant 0 : i32
    %dma_start3A_35 = tpu.memref_slice %arg2[%add3A_29, %dma_start3A_34] : memref<204800x128xf32, #tpu.memory_space<hbm>> -> memref<320x128xf32, #tpu.memory_space<hbm>>
    tpu.enqueue_dma source(%dma_start3A_35 : memref<320x128xf32, #tpu.memory_space<hbm>>) target(%arg12 : memref<320x128xf32, #tpu.memory_space<vmem>>) target_semaphore(%arg15 : memref<!tpu.dma_semaphore, #tpu.memory_space<semaphore_mem>>)
    %dma_wait3A_36 = tpu.memref_slice %arg3[%add3A_11] : memref<204800xi32, #tpu.memory_space<hbm>> -> memref<320xi32, #tpu.memory_space<hbm>>
    %dma_wait3A_37 = tpu.memref_slice %arg3[%add3A_11] : memref<204800xi32, #tpu.memory_space<hbm>> -> memref<320xi32, #tpu.memory_space<hbm>>
    tpu.wait_dma2 semaphore(%arg14 : memref<!tpu.dma_semaphore, #tpu.memory_space<semaphore_mem>>) src(%dma_wait3A_37 : memref<320xi32, #tpu.memory_space<hbm>>) dst(%arg8 : memref<320xi32, #tpu.memory_space<vmem>>)
    %dma_wait3A_38 = arith.constant 0 : i32
    %dma_wait3A_39 = tpu.memref_slice %arg2[%add3A_11, %dma_wait3A_38] : memref<204800x128xf32, #tpu.memory_space<hbm>> -> memref<320x128xf32, #tpu.memory_space<hbm>>
    %dma_wait3A_40 = arith.constant 0 : i32
    %dma_wait3A_41 = tpu.memref_slice %arg2[%add3A_11, %dma_wait3A_40] : memref<204800x128xf32, #tpu.memory_space<hbm>> -> memref<320x128xf32, #tpu.memory_space<hbm>>
    tpu.wait_dma2 semaphore(%arg14 : memref<!tpu.dma_semaphore, #tpu.memory_space<semaphore_mem>>) src(%dma_wait3A_41 : memref<320x128xf32, #tpu.memory_space<hbm>>) dst(%arg11 : memref<320x128xf32, #tpu.memory_space<vmem>>)
    %dma_start3A_42 = arith.constant 0 : i32
    %dma_start3A_43 = arith.constant 0 : i32
    %dma_start3A_44 = tpu.memref_slice %arg6[%dma_start3A_42, %dma_start3A_43] : memref<48x128xf32, #tpu.memory_space<vmem_shared>> -> memref<48x128xf32, #tpu.memory_space<vmem_shared>>
    tpu.enqueue_indirect_dma source(%dma_start3A_44 : memref<48x128xf32, #tpu.memory_space<vmem_shared>>) target(%arg11 : memref<320x128xf32, #tpu.memory_space<vmem>>) offsets(%arg8 : memref<320xi32, #tpu.memory_space<vmem>>) semaphore(%arg17 : memref<!tpu.dma_semaphore, #tpu.memory_space<semaphore_mem>>) {add = true}
    %dma_wait3A_45 = arith.constant 0 : i32
    %dma_wait3A_46 = arith.constant 0 : i32
    %dma_wait3A_47 = tpu.memref_slice %arg6[%dma_wait3A_45, %dma_wait3A_46] : memref<48x128xf32, #tpu.memory_space<vmem_shared>> -> memref<48x128xf32, #tpu.memory_space<vmem_shared>>
    tpu.wait_indirect_dma semaphore(%arg16 : memref<!tpu.dma_semaphore, #tpu.memory_space<semaphore_mem>>) src(%dma_wait3A_47 : memref<48x128xf32, #tpu.memory_space<vmem_shared>>) dst(%arg10 : memref<320x128xf32, #tpu.memory_space<vmem>>)
    %add3A_48 = arith.constant 0 : i32
    %add3A_49 = arith.addi %mul3A_2, %add3A_48 : i32
    %dma_start3A_50 = arith.constant 0 : i32
    %dma_start3A_51 = tpu.memref_slice %arg5[%add3A_49, %dma_start3A_50] : memref<204800x128xf32, #tpu.memory_space<hbm>> -> memref<320x128xf32, #tpu.memory_space<hbm>>
    %dma_start3A_52 = arith.constant 0 : i32
    %dma_start3A_53 = tpu.memref_slice %arg5[%add3A_49, %dma_start3A_52] : memref<204800x128xf32, #tpu.memory_space<hbm>> -> memref<320x128xf32, #tpu.memory_space<hbm>>
    tpu.enqueue_dma source(%arg10 : memref<320x128xf32, #tpu.memory_space<vmem>>) target(%dma_start3A_53 : memref<320x128xf32, #tpu.memory_space<hbm>>) target_semaphore(%arg19 : memref<!tpu.dma_semaphore, #tpu.memory_space<semaphore_mem>>)
    %dma_wait3A_54 = arith.constant 0 : i32
    %dma_wait3A_55 = tpu.memref_slice %arg5[%add3A_49, %dma_wait3A_54] : memref<204800x128xf32, #tpu.memory_space<hbm>> -> memref<320x128xf32, #tpu.memory_space<hbm>>
    %dma_wait3A_56 = arith.constant 0 : i32
    %dma_wait3A_57 = tpu.memref_slice %arg5[%add3A_49, %dma_wait3A_56] : memref<204800x128xf32, #tpu.memory_space<hbm>> -> memref<320x128xf32, #tpu.memory_space<hbm>>
    tpu.wait_dma2 semaphore(%arg19 : memref<!tpu.dma_semaphore, #tpu.memory_space<semaphore_mem>>) src(%arg10 : memref<320x128xf32, #tpu.memory_space<vmem>>) dst(%dma_wait3A_57 : memref<320x128xf32, #tpu.memory_space<hbm>>)
    %add3A_58 = arith.constant 960 : i32
    %add3A_59 = arith.addi %mul3A_2, %add3A_58 : i32
    %dma_start3A_60 = tpu.memref_slice %arg3[%add3A_59] : memref<204800xi32, #tpu.memory_space<hbm>> -> memref<320xi32, #tpu.memory_space<hbm>>
    %dma_start3A_61 = tpu.memref_slice %arg3[%add3A_59] : memref<204800xi32, #tpu.memory_space<hbm>> -> memref<320xi32, #tpu.memory_space<hbm>>
    tpu.enqueue_dma source(%dma_start3A_61 : memref<320xi32, #tpu.memory_space<hbm>>) target(%arg7 : memref<320xi32, #tpu.memory_space<vmem>>) target_semaphore(%arg13 : memref<!tpu.dma_semaphore, #tpu.memory_space<semaphore_mem>>)
    %dma_start3A_62 = arith.constant 0 : i32
    %dma_start3A_63 = tpu.memref_slice %arg2[%add3A_59, %dma_start3A_62] : memref<204800x128xf32, #tpu.memory_space<hbm>> -> memref<320x128xf32, #tpu.memory_space<hbm>>
    %dma_start3A_64 = arith.constant 0 : i32
    %dma_start3A_65 = tpu.memref_slice %arg2[%add3A_59, %dma_start3A_64] : memref<204800x128xf32, #tpu.memory_space<hbm>> -> memref<320x128xf32, #tpu.memory_space<hbm>>
    tpu.enqueue_dma source(%dma_start3A_65 : memref<320x128xf32, #tpu.memory_space<hbm>>) target(%arg10 : memref<320x128xf32, #tpu.memory_space<vmem>>) target_semaphore(%arg13 : memref<!tpu.dma_semaphore, #tpu.memory_space<semaphore_mem>>)
    %dma_wait3A_66 = tpu.memref_slice %arg3[%add3A_29] : memref<204800xi32, #tpu.memory_space<hbm>> -> memref<320xi32, #tpu.memory_space<hbm>>
    %dma_wait3A_67 = tpu.memref_slice %arg3[%add3A_29] : memref<204800xi32, #tpu.memory_space<hbm>> -> memref<320xi32, #tpu.memory_space<hbm>>
    tpu.wait_dma2 semaphore(%arg15 : memref<!tpu.dma_semaphore, #tpu.memory_space<semaphore_mem>>) src(%dma_wait3A_67 : memref<320xi32, #tpu.memory_space<hbm>>) dst(%arg9 : memref<320xi32, #tpu.memory_space<vmem>>)
    %dma_wait3A_68 = arith.constant 0 : i32
    %dma_wait3A_69 = tpu.memref_slice %arg2[%add3A_29, %dma_wait3A_68] : memref<204800x128xf32, #tpu.memory_space<hbm>> -> memref<320x128xf32, #tpu.memory_space<hbm>>
    %dma_wait3A_70 = arith.constant 0 : i32
    %dma_wait3A_71 = tpu.memref_slice %arg2[%add3A_29, %dma_wait3A_70] : memref<204800x128xf32, #tpu.memory_space<hbm>> -> memref<320x128xf32, #tpu.memory_space<hbm>>
    tpu.wait_dma2 semaphore(%arg15 : memref<!tpu.dma_semaphore, #tpu.memory_space<semaphore_mem>>) src(%dma_wait3A_71 : memref<320x128xf32, #tpu.memory_space<hbm>>) dst(%arg12 : memref<320x128xf32, #tpu.memory_space<vmem>>)
    %dma_start3A_72 = arith.constant 0 : i32
    %dma_start3A_73 = arith.constant 0 : i32
    %dma_start3A_74 = tpu.memref_slice %arg6[%dma_start3A_72, %dma_start3A_73] : memref<48x128xf32, #tpu.memory_space<vmem_shared>> -> memref<48x128xf32, #tpu.memory_space<vmem_shared>>
    tpu.enqueue_indirect_dma source(%dma_start3A_74 : memref<48x128xf32, #tpu.memory_space<vmem_shared>>) target(%arg12 : memref<320x128xf32, #tpu.memory_space<vmem>>) offsets(%arg9 : memref<320xi32, #tpu.memory_space<vmem>>) semaphore(%arg18 : memref<!tpu.dma_semaphore, #tpu.memory_space<semaphore_mem>>) {add = true}
    %dma_wait3A_75 = arith.constant 0 : i32
    %dma_wait3A_76 = arith.constant 0 : i32
    %dma_wait3A_77 = tpu.memref_slice %arg6[%dma_wait3A_75, %dma_wait3A_76] : memref<48x128xf32, #tpu.memory_space<vmem_shared>> -> memref<48x128xf32, #tpu.memory_space<vmem_shared>>
    tpu.wait_indirect_dma semaphore(%arg17 : memref<!tpu.dma_semaphore, #tpu.memory_space<semaphore_mem>>) src(%dma_wait3A_77 : memref<48x128xf32, #tpu.memory_space<vmem_shared>>) dst(%arg11 : memref<320x128xf32, #tpu.memory_space<vmem>>)
    %add3A_78 = arith.constant 320 : i32
    %add3A_79 = arith.addi %mul3A_2, %add3A_78 : i32
    %dma_start3A_80 = arith.constant 0 : i32
    %dma_start3A_81 = tpu.memref_slice %arg5[%add3A_79, %dma_start3A_80] : memref<204800x128xf32, #tpu.memory_space<hbm>> -> memref<320x128xf32, #tpu.memory_space<hbm>>
    %dma_start3A_82 = arith.constant 0 : i32
    %dma_start3A_83 = tpu.memref_slice %arg5[%add3A_79, %dma_start3A_82] : memref<204800x128xf32, #tpu.memory_space<hbm>> -> memref<320x128xf32, #tpu.memory_space<hbm>>
    tpu.enqueue_dma source(%arg11 : memref<320x128xf32, #tpu.memory_space<vmem>>) target(%dma_start3A_83 : memref<320x128xf32, #tpu.memory_space<hbm>>) target_semaphore(%arg20 : memref<!tpu.dma_semaphore, #tpu.memory_space<semaphore_mem>>)
    %dma_wait3A_84 = arith.constant 0 : i32
    %dma_wait3A_85 = tpu.memref_slice %arg5[%add3A_79, %dma_wait3A_84] : memref<204800x128xf32, #tpu.memory_space<hbm>> -> memref<320x128xf32, #tpu.memory_space<hbm>>
    %dma_wait3A_86 = arith.constant 0 : i32
    %dma_wait3A_87 = tpu.memref_slice %arg5[%add3A_79, %dma_wait3A_86] : memref<204800x128xf32, #tpu.memory_space<hbm>> -> memref<320x128xf32, #tpu.memory_space<hbm>>
    tpu.wait_dma2 semaphore(%arg20 : memref<!tpu.dma_semaphore, #tpu.memory_space<semaphore_mem>>) src(%arg11 : memref<320x128xf32, #tpu.memory_space<vmem>>) dst(%dma_wait3A_87 : memref<320x128xf32, #tpu.memory_space<hbm>>)
    %add3A_88 = arith.constant 1280 : i32
    %add3A_89 = arith.addi %mul3A_2, %add3A_88 : i32
    %dma_start3A_90 = tpu.memref_slice %arg3[%add3A_89] : memref<204800xi32, #tpu.memory_space<hbm>> -> memref<320xi32, #tpu.memory_space<hbm>>
    %dma_start3A_91 = tpu.memref_slice %arg3[%add3A_89] : memref<204800xi32, #tpu.memory_space<hbm>> -> memref<320xi32, #tpu.memory_space<hbm>>
    tpu.enqueue_dma source(%dma_start3A_91 : memref<320xi32, #tpu.memory_space<hbm>>) target(%arg8 : memref<320xi32, #tpu.memory_space<vmem>>) target_semaphore(%arg14 : memref<!tpu.dma_semaphore, #tpu.memory_space<semaphore_mem>>)
    %dma_start3A_92 = arith.constant 0 : i32
    %dma_start3A_93 = tpu.memref_slice %arg2[%add3A_89, %dma_start3A_92] : memref<204800x128xf32, #tpu.memory_space<hbm>> -> memref<320x128xf32, #tpu.memory_space<hbm>>
    %dma_start3A_94 = arith.constant 0 : i32
    %dma_start3A_95 = tpu.memref_slice %arg2[%add3A_89, %dma_start3A_94] : memref<204800x128xf32, #tpu.memory_space<hbm>> -> memref<320x128xf32, #tpu.memory_space<hbm>>
    tpu.enqueue_dma source(%dma_start3A_95 : memref<320x128xf32, #tpu.memory_space<hbm>>) target(%arg11 : memref<320x128xf32, #tpu.memory_space<vmem>>) target_semaphore(%arg14 : memref<!tpu.dma_semaphore, #tpu.memory_space<semaphore_mem>>)
    %dma_wait3A_96 = tpu.memref_slice %arg3[%add3A_59] : memref<204800xi32, #tpu.memory_space<hbm>> -> memref<320xi32, #tpu.memory_space<hbm>>
    %dma_wait3A_97 = tpu.memref_slice %arg3[%add3A_59] : memref<204800xi32, #tpu.memory_space<hbm>> -> memref<320xi32, #tpu.memory_space<hbm>>
    tpu.wait_dma2 semaphore(%arg13 : memref<!tpu.dma_semaphore, #tpu.memory_space<semaphore_mem>>) src(%dma_wait3A_97 : memref<320xi32, #tpu.memory_space<hbm>>) dst(%arg7 : memref<320xi32, #tpu.memory_space<vmem>>)
    %dma_wait3A_98 = arith.constant 0 : i32
    %dma_wait3A_99 = tpu.memref_slice %arg2[%add3A_59, %dma_wait3A_98] : memref<204800x128xf32, #tpu.memory_space<hbm>> -> memref<320x128xf32, #tpu.memory_space<hbm>>
    %dma_wait3A_100 = arith.constant 0 : i32
    %dma_wait3A_101 = tpu.memref_slice %arg2[%add3A_59, %dma_wait3A_100] : memref<204800x128xf32, #tpu.memory_space<hbm>> -> memref<320x128xf32, #tpu.memory_space<hbm>>
    tpu.wait_dma2 semaphore(%arg13 : memref<!tpu.dma_semaphore, #tpu.memory_space<semaphore_mem>>) src(%dma_wait3A_101 : memref<320x128xf32, #tpu.memory_space<hbm>>) dst(%arg10 : memref<320x128xf32, #tpu.memory_space<vmem>>)
    %dma_start3A_102 = arith.constant 0 : i32
    %dma_start3A_103 = arith.constant 0 : i32
    %dma_start3A_104 = tpu.memref_slice %arg6[%dma_start3A_102, %dma_start3A_103] : memref<48x128xf32, #tpu.memory_space<vmem_shared>> -> memref<48x128xf32, #tpu.memory_space<vmem_shared>>
    tpu.enqueue_indirect_dma source(%dma_start3A_104 : memref<48x128xf32, #tpu.memory_space<vmem_shared>>) target(%arg10 : memref<320x128xf32, #tpu.memory_space<vmem>>) offsets(%arg7 : memref<320xi32, #tpu.memory_space<vmem>>) semaphore(%arg16 : memref<!tpu.dma_semaphore, #tpu.memory_space<semaphore_mem>>) {add = true}
    %dma_wait3A_105 = arith.constant 0 : i32
    %dma_wait3A_106 = arith.constant 0 : i32
    %dma_wait3A_107 = tpu.memref_slice %arg6[%dma_wait3A_105, %dma_wait3A_106] : memref<48x128xf32, #tpu.memory_space<vmem_shared>> -> memref<48x128xf32, #tpu.memory_space<vmem_shared>>
    tpu.wait_indirect_dma semaphore(%arg18 : memref<!tpu.dma_semaphore, #tpu.memory_space<semaphore_mem>>) src(%dma_wait3A_107 : memref<48x128xf32, #tpu.memory_space<vmem_shared>>) dst(%arg12 : memref<320x128xf32, #tpu.memory_space<vmem>>)
    %add3A_108 = arith.constant 640 : i32
    %add3A_109 = arith.addi %mul3A_2, %add3A_108 : i32
    %dma_start3A_110 = arith.constant 0 : i32
    %dma_start3A_111 = tpu.memref_slice %arg5[%add3A_109, %dma_start3A_110] : memref<204800x128xf32, #tpu.memory_space<hbm>> -> memref<320x128xf32, #tpu.memory_space<hbm>>
    %dma_start3A_112 = arith.constant 0 : i32
    %dma_start3A_113 = tpu.memref_slice %arg5[%add3A_109, %dma_start3A_112] : memref<204800x128xf32, #tpu.memory_space<hbm>> -> memref<320x128xf32, #tpu.memory_space<hbm>>
    tpu.enqueue_dma source(%arg12 : memref<320x128xf32, #tpu.memory_space<vmem>>) target(%dma_start3A_113 : memref<320x128xf32, #tpu.memory_space<hbm>>) target_semaphore(%arg21 : memref<!tpu.dma_semaphore, #tpu.memory_space<semaphore_mem>>)
    %dma_wait3A_114 = arith.constant 0 : i32
    %dma_wait3A_115 = tpu.memref_slice %arg5[%add3A_109, %dma_wait3A_114] : memref<204800x128xf32, #tpu.memory_space<hbm>> -> memref<320x128xf32, #tpu.memory_space<hbm>>
    %dma_wait3A_116 = arith.constant 0 : i32
    %dma_wait3A_117 = tpu.memref_slice %arg5[%add3A_109, %dma_wait3A_116] : memref<204800x128xf32, #tpu.memory_space<hbm>> -> memref<320x128xf32, #tpu.memory_space<hbm>>
    tpu.wait_dma2 semaphore(%arg21 : memref<!tpu.dma_semaphore, #tpu.memory_space<semaphore_mem>>) src(%arg12 : memref<320x128xf32, #tpu.memory_space<vmem>>) dst(%dma_wait3A_117 : memref<320x128xf32, #tpu.memory_space<hbm>>)
    %add3A_118 = arith.constant 1600 : i32
    %add3A_119 = arith.addi %mul3A_2, %add3A_118 : i32
    %dma_start3A_120 = tpu.memref_slice %arg3[%add3A_119] : memref<204800xi32, #tpu.memory_space<hbm>> -> memref<320xi32, #tpu.memory_space<hbm>>
    %dma_start3A_121 = tpu.memref_slice %arg3[%add3A_119] : memref<204800xi32, #tpu.memory_space<hbm>> -> memref<320xi32, #tpu.memory_space<hbm>>
    tpu.enqueue_dma source(%dma_start3A_121 : memref<320xi32, #tpu.memory_space<hbm>>) target(%arg9 : memref<320xi32, #tpu.memory_space<vmem>>) target_semaphore(%arg15 : memref<!tpu.dma_semaphore, #tpu.memory_space<semaphore_mem>>)
    %dma_start3A_122 = arith.constant 0 : i32
    %dma_start3A_123 = tpu.memref_slice %arg2[%add3A_119, %dma_start3A_122] : memref<204800x128xf32, #tpu.memory_space<hbm>> -> memref<320x128xf32, #tpu.memory_space<hbm>>
    %dma_start3A_124 = arith.constant 0 : i32
    %dma_start3A_125 = tpu.memref_slice %arg2[%add3A_119, %dma_start3A_124] : memref<204800x128xf32, #tpu.memory_space<hbm>> -> memref<320x128xf32, #tpu.memory_space<hbm>>
    tpu.enqueue_dma source(%dma_start3A_125 : memref<320x128xf32, #tpu.memory_space<hbm>>) target(%arg12 : memref<320x128xf32, #tpu.memory_space<vmem>>) target_semaphore(%arg15 : memref<!tpu.dma_semaphore, #tpu.memory_space<semaphore_mem>>)
    %dma_wait3A_126 = tpu.memref_slice %arg3[%add3A_89] : memref<204800xi32, #tpu.memory_space<hbm>> -> memref<320xi32, #tpu.memory_space<hbm>>
    %dma_wait3A_127 = tpu.memref_slice %arg3[%add3A_89] : memref<204800xi32, #tpu.memory_space<hbm>> -> memref<320xi32, #tpu.memory_space<hbm>>
    tpu.wait_dma2 semaphore(%arg14 : memref<!tpu.dma_semaphore, #tpu.memory_space<semaphore_mem>>) src(%dma_wait3A_127 : memref<320xi32, #tpu.memory_space<hbm>>) dst(%arg8 : memref<320xi32, #tpu.memory_space<vmem>>)
    %dma_wait3A_128 = arith.constant 0 : i32
    %dma_wait3A_129 = tpu.memref_slice %arg2[%add3A_89, %dma_wait3A_128] : memref<204800x128xf32, #tpu.memory_space<hbm>> -> memref<320x128xf32, #tpu.memory_space<hbm>>
    %dma_wait3A_130 = arith.constant 0 : i32
    %dma_wait3A_131 = tpu.memref_slice %arg2[%add3A_89, %dma_wait3A_130] : memref<204800x128xf32, #tpu.memory_space<hbm>> -> memref<320x128xf32, #tpu.memory_space<hbm>>
    tpu.wait_dma2 semaphore(%arg14 : memref<!tpu.dma_semaphore, #tpu.memory_space<semaphore_mem>>) src(%dma_wait3A_131 : memref<320x128xf32, #tpu.memory_space<hbm>>) dst(%arg11 : memref<320x128xf32, #tpu.memory_space<vmem>>)
    %dma_start3A_132 = arith.constant 0 : i32
    %dma_start3A_133 = arith.constant 0 : i32
    %dma_start3A_134 = tpu.memref_slice %arg6[%dma_start3A_132, %dma_start3A_133] : memref<48x128xf32, #tpu.memory_space<vmem_shared>> -> memref<48x128xf32, #tpu.memory_space<vmem_shared>>
    tpu.enqueue_indirect_dma source(%dma_start3A_134 : memref<48x128xf32, #tpu.memory_space<vmem_shared>>) target(%arg11 : memref<320x128xf32, #tpu.memory_space<vmem>>) offsets(%arg8 : memref<320xi32, #tpu.memory_space<vmem>>) semaphore(%arg17 : memref<!tpu.dma_semaphore, #tpu.memory_space<semaphore_mem>>) {add = true}
    %dma_wait3A_135 = arith.constant 0 : i32
    %dma_wait3A_136 = arith.constant 0 : i32
    %dma_wait3A_137 = tpu.memref_slice %arg6[%dma_wait3A_135, %dma_wait3A_136] : memref<48x128xf32, #tpu.memory_space<vmem_shared>> -> memref<48x128xf32, #tpu.memory_space<vmem_shared>>
    tpu.wait_indirect_dma semaphore(%arg16 : memref<!tpu.dma_semaphore, #tpu.memory_space<semaphore_mem>>) src(%dma_wait3A_137 : memref<48x128xf32, #tpu.memory_space<vmem_shared>>) dst(%arg10 : memref<320x128xf32, #tpu.memory_space<vmem>>)
    %add3A_138 = arith.constant 960 : i32
    %add3A_139 = arith.addi %mul3A_2, %add3A_138 : i32
    %dma_start3A_140 = arith.constant 0 : i32
    %dma_start3A_141 = tpu.memref_slice %arg5[%add3A_139, %dma_start3A_140] : memref<204800x128xf32, #tpu.memory_space<hbm>> -> memref<320x128xf32, #tpu.memory_space<hbm>>
    %dma_start3A_142 = arith.constant 0 : i32
    %dma_start3A_143 = tpu.memref_slice %arg5[%add3A_139, %dma_start3A_142] : memref<204800x128xf32, #tpu.memory_space<hbm>> -> memref<320x128xf32, #tpu.memory_space<hbm>>
    tpu.enqueue_dma source(%arg10 : memref<320x128xf32, #tpu.memory_space<vmem>>) target(%dma_start3A_143 : memref<320x128xf32, #tpu.memory_space<hbm>>) target_semaphore(%arg19 : memref<!tpu.dma_semaphore, #tpu.memory_space<semaphore_mem>>)
    %dma_wait3A_144 = arith.constant 0 : i32
    %dma_wait3A_145 = tpu.memref_slice %arg5[%add3A_139, %dma_wait3A_144] : memref<204800x128xf32, #tpu.memory_space<hbm>> -> memref<320x128xf32, #tpu.memory_space<hbm>>
    %dma_wait3A_146 = arith.constant 0 : i32
    %dma_wait3A_147 = tpu.memref_slice %arg5[%add3A_139, %dma_wait3A_146] : memref<204800x128xf32, #tpu.memory_space<hbm>> -> memref<320x128xf32, #tpu.memory_space<hbm>>
    tpu.wait_dma2 semaphore(%arg19 : memref<!tpu.dma_semaphore, #tpu.memory_space<semaphore_mem>>) src(%arg10 : memref<320x128xf32, #tpu.memory_space<vmem>>) dst(%dma_wait3A_147 : memref<320x128xf32, #tpu.memory_space<hbm>>)
    %add3A_148 = arith.constant 1920 : i32
    %add3A_149 = arith.addi %mul3A_2, %add3A_148 : i32
    %dma_start3A_150 = tpu.memref_slice %arg3[%add3A_149] : memref<204800xi32, #tpu.memory_space<hbm>> -> memref<320xi32, #tpu.memory_space<hbm>>
    %dma_start3A_151 = tpu.memref_slice %arg3[%add3A_149] : memref<204800xi32, #tpu.memory_space<hbm>> -> memref<320xi32, #tpu.memory_space<hbm>>
    tpu.enqueue_dma source(%dma_start3A_151 : memref<320xi32, #tpu.memory_space<hbm>>) target(%arg7 : memref<320xi32, #tpu.memory_space<vmem>>) target_semaphore(%arg13 : memref<!tpu.dma_semaphore, #tpu.memory_space<semaphore_mem>>)
    %dma_start3A_152 = arith.constant 0 : i32
    %dma_start3A_153 = tpu.memref_slice %arg2[%add3A_149, %dma_start3A_152] : memref<204800x128xf32, #tpu.memory_space<hbm>> -> memref<320x128xf32, #tpu.memory_space<hbm>>
    %dma_start3A_154 = arith.constant 0 : i32
    %dma_start3A_155 = tpu.memref_slice %arg2[%add3A_149, %dma_start3A_154] : memref<204800x128xf32, #tpu.memory_space<hbm>> -> memref<320x128xf32, #tpu.memory_space<hbm>>
    tpu.enqueue_dma source(%dma_start3A_155 : memref<320x128xf32, #tpu.memory_space<hbm>>) target(%arg10 : memref<320x128xf32, #tpu.memory_space<vmem>>) target_semaphore(%arg13 : memref<!tpu.dma_semaphore, #tpu.memory_space<semaphore_mem>>)
    %dma_wait3A_156 = tpu.memref_slice %arg3[%add3A_119] : memref<204800xi32, #tpu.memory_space<hbm>> -> memref<320xi32, #tpu.memory_space<hbm>>
    %dma_wait3A_157 = tpu.memref_slice %arg3[%add3A_119] : memref<204800xi32, #tpu.memory_space<hbm>> -> memref<320xi32, #tpu.memory_space<hbm>>
    tpu.wait_dma2 semaphore(%arg15 : memref<!tpu.dma_semaphore, #tpu.memory_space<semaphore_mem>>) src(%dma_wait3A_157 : memref<320xi32, #tpu.memory_space<hbm>>) dst(%arg9 : memref<320xi32, #tpu.memory_space<vmem>>)
    %dma_wait3A_158 = arith.constant 0 : i32
    %dma_wait3A_159 = tpu.memref_slice %arg2[%add3A_119, %dma_wait3A_158] : memref<204800x128xf32, #tpu.memory_space<hbm>> -> memref<320x128xf32, #tpu.memory_space<hbm>>
    %dma_wait3A_160 = arith.constant 0 : i32
    %dma_wait3A_161 = tpu.memref_slice %arg2[%add3A_119, %dma_wait3A_160] : memref<204800x128xf32, #tpu.memory_space<hbm>> -> memref<320x128xf32, #tpu.memory_space<hbm>>
    tpu.wait_dma2 semaphore(%arg15 : memref<!tpu.dma_semaphore, #tpu.memory_space<semaphore_mem>>) src(%dma_wait3A_161 : memref<320x128xf32, #tpu.memory_space<hbm>>) dst(%arg12 : memref<320x128xf32, #tpu.memory_space<vmem>>)
    %dma_start3A_162 = arith.constant 0 : i32
    %dma_start3A_163 = arith.constant 0 : i32
    %dma_start3A_164 = tpu.memref_slice %arg6[%dma_start3A_162, %dma_start3A_163] : memref<48x128xf32, #tpu.memory_space<vmem_shared>> -> memref<48x128xf32, #tpu.memory_space<vmem_shared>>
    tpu.enqueue_indirect_dma source(%dma_start3A_164 : memref<48x128xf32, #tpu.memory_space<vmem_shared>>) target(%arg12 : memref<320x128xf32, #tpu.memory_space<vmem>>) offsets(%arg9 : memref<320xi32, #tpu.memory_space<vmem>>) semaphore(%arg18 : memref<!tpu.dma_semaphore, #tpu.memory_space<semaphore_mem>>) {add = true}
    %dma_wait3A_165 = arith.constant 0 : i32
    %dma_wait3A_166 = arith.constant 0 : i32
    %dma_wait3A_167 = tpu.memref_slice %arg6[%dma_wait3A_165, %dma_wait3A_166] : memref<48x128xf32, #tpu.memory_space<vmem_shared>> -> memref<48x128xf32, #tpu.memory_space<vmem_shared>>
    tpu.wait_indirect_dma semaphore(%arg17 : memref<!tpu.dma_semaphore, #tpu.memory_space<semaphore_mem>>) src(%dma_wait3A_167 : memref<48x128xf32, #tpu.memory_space<vmem_shared>>) dst(%arg11 : memref<320x128xf32, #tpu.memory_space<vmem>>)
    %add3A_168 = arith.constant 1280 : i32
    %add3A_169 = arith.addi %mul3A_2, %add3A_168 : i32
    %dma_start3A_170 = arith.constant 0 : i32
    %dma_start3A_171 = tpu.memref_slice %arg5[%add3A_169, %dma_start3A_170] : memref<204800x128xf32, #tpu.memory_space<hbm>> -> memref<320x128xf32, #tpu.memory_space<hbm>>
    %dma_start3A_172 = arith.constant 0 : i32
    %dma_start3A_173 = tpu.memref_slice %arg5[%add3A_169, %dma_start3A_172] : memref<204800x128xf32, #tpu.memory_space<hbm>> -> memref<320x128xf32, #tpu.memory_space<hbm>>
    tpu.enqueue_dma source(%arg11 : memref<320x128xf32, #tpu.memory_space<vmem>>) target(%dma_start3A_173 : memref<320x128xf32, #tpu.memory_space<hbm>>) target_semaphore(%arg20 : memref<!tpu.dma_semaphore, #tpu.memory_space<semaphore_mem>>)
    %dma_wait3A_174 = arith.constant 0 : i32
    %dma_wait3A_175 = tpu.memref_slice %arg5[%add3A_169, %dma_wait3A_174] : memref<204800x128xf32, #tpu.memory_space<hbm>> -> memref<320x128xf32, #tpu.memory_space<hbm>>
    %dma_wait3A_176 = arith.constant 0 : i32
    %dma_wait3A_177 = tpu.memref_slice %arg5[%add3A_169, %dma_wait3A_176] : memref<204800x128xf32, #tpu.memory_space<hbm>> -> memref<320x128xf32, #tpu.memory_space<hbm>>
    tpu.wait_dma2 semaphore(%arg20 : memref<!tpu.dma_semaphore, #tpu.memory_space<semaphore_mem>>) src(%arg11 : memref<320x128xf32, #tpu.memory_space<vmem>>) dst(%dma_wait3A_177 : memref<320x128xf32, #tpu.memory_space<hbm>>)
    %add3A_178 = arith.constant 2240 : i32
    %add3A_179 = arith.addi %mul3A_2, %add3A_178 : i32
    %dma_start3A_180 = tpu.memref_slice %arg3[%add3A_179] : memref<204800xi32, #tpu.memory_space<hbm>> -> memref<320xi32, #tpu.memory_space<hbm>>
    %dma_start3A_181 = tpu.memref_slice %arg3[%add3A_179] : memref<204800xi32, #tpu.memory_space<hbm>> -> memref<320xi32, #tpu.memory_space<hbm>>
    tpu.enqueue_dma source(%dma_start3A_181 : memref<320xi32, #tpu.memory_space<hbm>>) target(%arg8 : memref<320xi32, #tpu.memory_space<vmem>>) target_semaphore(%arg14 : memref<!tpu.dma_semaphore, #tpu.memory_space<semaphore_mem>>)
    %dma_start3A_182 = arith.constant 0 : i32
    %dma_start3A_183 = tpu.memref_slice %arg2[%add3A_179, %dma_start3A_182] : memref<204800x128xf32, #tpu.memory_space<hbm>> -> memref<320x128xf32, #tpu.memory_space<hbm>>
    %dma_start3A_184 = arith.constant 0 : i32
    %dma_start3A_185 = tpu.memref_slice %arg2[%add3A_179, %dma_start3A_184] : memref<204800x128xf32, #tpu.memory_space<hbm>> -> memref<320x128xf32, #tpu.memory_space<hbm>>
    tpu.enqueue_dma source(%dma_start3A_185 : memref<320x128xf32, #tpu.memory_space<hbm>>) target(%arg11 : memref<320x128xf32, #tpu.memory_space<vmem>>) target_semaphore(%arg14 : memref<!tpu.dma_semaphore, #tpu.memory_space<semaphore_mem>>)
    %dma_wait3A_186 = tpu.memref_slice %arg3[%add3A_149] : memref<204800xi32, #tpu.memory_space<hbm>> -> memref<320xi32, #tpu.memory_space<hbm>>
    %dma_wait3A_187 = tpu.memref_slice %arg3[%add3A_149] : memref<204800xi32, #tpu.memory_space<hbm>> -> memref<320xi32, #tpu.memory_space<hbm>>
    tpu.wait_dma2 semaphore(%arg13 : memref<!tpu.dma_semaphore, #tpu.memory_space<semaphore_mem>>) src(%dma_wait3A_187 : memref<320xi32, #tpu.memory_space<hbm>>) dst(%arg7 : memref<320xi32, #tpu.memory_space<vmem>>)
    %dma_wait3A_188 = arith.constant 0 : i32
    %dma_wait3A_189 = tpu.memref_slice %arg2[%add3A_149, %dma_wait3A_188] : memref<204800x128xf32, #tpu.memory_space<hbm>> -> memref<320x128xf32, #tpu.memory_space<hbm>>
    %dma_wait3A_190 = arith.constant 0 : i32
    %dma_wait3A_191 = tpu.memref_slice %arg2[%add3A_149, %dma_wait3A_190] : memref<204800x128xf32, #tpu.memory_space<hbm>> -> memref<320x128xf32, #tpu.memory_space<hbm>>
    tpu.wait_dma2 semaphore(%arg13 : memref<!tpu.dma_semaphore, #tpu.memory_space<semaphore_mem>>) src(%dma_wait3A_191 : memref<320x128xf32, #tpu.memory_space<hbm>>) dst(%arg10 : memref<320x128xf32, #tpu.memory_space<vmem>>)
    %dma_start3A_192 = arith.constant 0 : i32
    %dma_start3A_193 = arith.constant 0 : i32
    %dma_start3A_194 = tpu.memref_slice %arg6[%dma_start3A_192, %dma_start3A_193] : memref<48x128xf32, #tpu.memory_space<vmem_shared>> -> memref<48x128xf32, #tpu.memory_space<vmem_shared>>
    tpu.enqueue_indirect_dma source(%dma_start3A_194 : memref<48x128xf32, #tpu.memory_space<vmem_shared>>) target(%arg10 : memref<320x128xf32, #tpu.memory_space<vmem>>) offsets(%arg7 : memref<320xi32, #tpu.memory_space<vmem>>) semaphore(%arg16 : memref<!tpu.dma_semaphore, #tpu.memory_space<semaphore_mem>>) {add = true}
    %dma_wait3A_195 = arith.constant 0 : i32
    %dma_wait3A_196 = arith.constant 0 : i32
    %dma_wait3A_197 = tpu.memref_slice %arg6[%dma_wait3A_195, %dma_wait3A_196] : memref<48x128xf32, #tpu.memory_space<vmem_shared>> -> memref<48x128xf32, #tpu.memory_space<vmem_shared>>
    tpu.wait_indirect_dma semaphore(%arg18 : memref<!tpu.dma_semaphore, #tpu.memory_space<semaphore_mem>>) src(%dma_wait3A_197 : memref<48x128xf32, #tpu.memory_space<vmem_shared>>) dst(%arg12 : memref<320x128xf32, #tpu.memory_space<vmem>>)
    %add3A_198 = arith.constant 1600 : i32
    %add3A_199 = arith.addi %mul3A_2, %add3A_198 : i32
    %dma_start3A_200 = arith.constant 0 : i32
    %dma_start3A_201 = tpu.memref_slice %arg5[%add3A_199, %dma_start3A_200] : memref<204800x128xf32, #tpu.memory_space<hbm>> -> memref<320x128xf32, #tpu.memory_space<hbm>>
    %dma_start3A_202 = arith.constant 0 : i32
    %dma_start3A_203 = tpu.memref_slice %arg5[%add3A_199, %dma_start3A_202] : memref<204800x128xf32, #tpu.memory_space<hbm>> -> memref<320x128xf32, #tpu.memory_space<hbm>>
    tpu.enqueue_dma source(%arg12 : memref<320x128xf32, #tpu.memory_space<vmem>>) target(%dma_start3A_203 : memref<320x128xf32, #tpu.memory_space<hbm>>) target_semaphore(%arg21 : memref<!tpu.dma_semaphore, #tpu.memory_space<semaphore_mem>>)
    %dma_wait3A_204 = arith.constant 0 : i32
    %dma_wait3A_205 = tpu.memref_slice %arg5[%add3A_199, %dma_wait3A_204] : memref<204800x128xf32, #tpu.memory_space<hbm>> -> memref<320x128xf32, #tpu.memory_space<hbm>>
    %dma_wait3A_206 = arith.constant 0 : i32
    %dma_wait3A_207 = tpu.memref_slice %arg5[%add3A_199, %dma_wait3A_206] : memref<204800x128xf32, #tpu.memory_space<hbm>> -> memref<320x128xf32, #tpu.memory_space<hbm>>
    tpu.wait_dma2 semaphore(%arg21 : memref<!tpu.dma_semaphore, #tpu.memory_space<semaphore_mem>>) src(%arg12 : memref<320x128xf32, #tpu.memory_space<vmem>>) dst(%dma_wait3A_207 : memref<320x128xf32, #tpu.memory_space<hbm>>)
    %add3A_208 = arith.constant 2560 : i32
    %add3A_209 = arith.addi %mul3A_2, %add3A_208 : i32
    %dma_start3A_210 = tpu.memref_slice %arg3[%add3A_209] : memref<204800xi32, #tpu.memory_space<hbm>> -> memref<320xi32, #tpu.memory_space<hbm>>
    %dma_start3A_211 = tpu.memref_slice %arg3[%add3A_209] : memref<204800xi32, #tpu.memory_space<hbm>> -> memref<320xi32, #tpu.memory_space<hbm>>
    tpu.enqueue_dma source(%dma_start3A_211 : memref<320xi32, #tpu.memory_space<hbm>>) target(%arg9 : memref<320xi32, #tpu.memory_space<vmem>>) target_semaphore(%arg15 : memref<!tpu.dma_semaphore, #tpu.memory_space<semaphore_mem>>)
    %dma_start3A_212 = arith.constant 0 : i32
    %dma_start3A_213 = tpu.memref_slice %arg2[%add3A_209, %dma_start3A_212] : memref<204800x128xf32, #tpu.memory_space<hbm>> -> memref<320x128xf32, #tpu.memory_space<hbm>>
    %dma_start3A_214 = arith.constant 0 : i32
    %dma_start3A_215 = tpu.memref_slice %arg2[%add3A_209, %dma_start3A_214] : memref<204800x128xf32, #tpu.memory_space<hbm>> -> memref<320x128xf32, #tpu.memory_space<hbm>>
    tpu.enqueue_dma source(%dma_start3A_215 : memref<320x128xf32, #tpu.memory_space<hbm>>) target(%arg12 : memref<320x128xf32, #tpu.memory_space<vmem>>) target_semaphore(%arg15 : memref<!tpu.dma_semaphore, #tpu.memory_space<semaphore_mem>>)
    %dma_wait3A_216 = tpu.memref_slice %arg3[%add3A_179] : memref<204800xi32, #tpu.memory_space<hbm>> -> memref<320xi32, #tpu.memory_space<hbm>>
    %dma_wait3A_217 = tpu.memref_slice %arg3[%add3A_179] : memref<204800xi32, #tpu.memory_space<hbm>> -> memref<320xi32, #tpu.memory_space<hbm>>
    tpu.wait_dma2 semaphore(%arg14 : memref<!tpu.dma_semaphore, #tpu.memory_space<semaphore_mem>>) src(%dma_wait3A_217 : memref<320xi32, #tpu.memory_space<hbm>>) dst(%arg8 : memref<320xi32, #tpu.memory_space<vmem>>)
    %dma_wait3A_218 = arith.constant 0 : i32
    %dma_wait3A_219 = tpu.memref_slice %arg2[%add3A_179, %dma_wait3A_218] : memref<204800x128xf32, #tpu.memory_space<hbm>> -> memref<320x128xf32, #tpu.memory_space<hbm>>
    %dma_wait3A_220 = arith.constant 0 : i32
    %dma_wait3A_221 = tpu.memref_slice %arg2[%add3A_179, %dma_wait3A_220] : memref<204800x128xf32, #tpu.memory_space<hbm>> -> memref<320x128xf32, #tpu.memory_space<hbm>>
    tpu.wait_dma2 semaphore(%arg14 : memref<!tpu.dma_semaphore, #tpu.memory_space<semaphore_mem>>) src(%dma_wait3A_221 : memref<320x128xf32, #tpu.memory_space<hbm>>) dst(%arg11 : memref<320x128xf32, #tpu.memory_space<vmem>>)
    %dma_start3A_222 = arith.constant 0 : i32
    %dma_start3A_223 = arith.constant 0 : i32
    %dma_start3A_224 = tpu.memref_slice %arg6[%dma_start3A_222, %dma_start3A_223] : memref<48x128xf32, #tpu.memory_space<vmem_shared>> -> memref<48x128xf32, #tpu.memory_space<vmem_shared>>
    tpu.enqueue_indirect_dma source(%dma_start3A_224 : memref<48x128xf32, #tpu.memory_space<vmem_shared>>) target(%arg11 : memref<320x128xf32, #tpu.memory_space<vmem>>) offsets(%arg8 : memref<320xi32, #tpu.memory_space<vmem>>) semaphore(%arg17 : memref<!tpu.dma_semaphore, #tpu.memory_space<semaphore_mem>>) {add = true}
    %dma_wait3A_225 = arith.constant 0 : i32
    %dma_wait3A_226 = arith.constant 0 : i32
    %dma_wait3A_227 = tpu.memref_slice %arg6[%dma_wait3A_225, %dma_wait3A_226] : memref<48x128xf32, #tpu.memory_space<vmem_shared>> -> memref<48x128xf32, #tpu.memory_space<vmem_shared>>
    tpu.wait_indirect_dma semaphore(%arg16 : memref<!tpu.dma_semaphore, #tpu.memory_space<semaphore_mem>>) src(%dma_wait3A_227 : memref<48x128xf32, #tpu.memory_space<vmem_shared>>) dst(%arg10 : memref<320x128xf32, #tpu.memory_space<vmem>>)
    %add3A_228 = arith.constant 1920 : i32
    %add3A_229 = arith.addi %mul3A_2, %add3A_228 : i32
    %dma_start3A_230 = arith.constant 0 : i32
    %dma_start3A_231 = tpu.memref_slice %arg5[%add3A_229, %dma_start3A_230] : memref<204800x128xf32, #tpu.memory_space<hbm>> -> memref<320x128xf32, #tpu.memory_space<hbm>>
    %dma_start3A_232 = arith.constant 0 : i32
    %dma_start3A_233 = tpu.memref_slice %arg5[%add3A_229, %dma_start3A_232] : memref<204800x128xf32, #tpu.memory_space<hbm>> -> memref<320x128xf32, #tpu.memory_space<hbm>>
    tpu.enqueue_dma source(%arg10 : memref<320x128xf32, #tpu.memory_space<vmem>>) target(%dma_start3A_233 : memref<320x128xf32, #tpu.memory_space<hbm>>) target_semaphore(%arg19 : memref<!tpu.dma_semaphore, #tpu.memory_space<semaphore_mem>>)
    %dma_wait3A_234 = arith.constant 0 : i32
    %dma_wait3A_235 = tpu.memref_slice %arg5[%add3A_229, %dma_wait3A_234] : memref<204800x128xf32, #tpu.memory_space<hbm>> -> memref<320x128xf32, #tpu.memory_space<hbm>>
    %dma_wait3A_236 = arith.constant 0 : i32
    %dma_wait3A_237 = tpu.memref_slice %arg5[%add3A_229, %dma_wait3A_236] : memref<204800x128xf32, #tpu.memory_space<hbm>> -> memref<320x128xf32, #tpu.memory_space<hbm>>
    tpu.wait_dma2 semaphore(%arg19 : memref<!tpu.dma_semaphore, #tpu.memory_space<semaphore_mem>>) src(%arg10 : memref<320x128xf32, #tpu.memory_space<vmem>>) dst(%dma_wait3A_237 : memref<320x128xf32, #tpu.memory_space<hbm>>)
    %add3A_238 = arith.constant 2880 : i32
    %add3A_239 = arith.addi %mul3A_2, %add3A_238 : i32
    %dma_start3A_240 = tpu.memref_slice %arg3[%add3A_239] : memref<204800xi32, #tpu.memory_space<hbm>> -> memref<320xi32, #tpu.memory_space<hbm>>
    %dma_start3A_241 = tpu.memref_slice %arg3[%add3A_239] : memref<204800xi32, #tpu.memory_space<hbm>> -> memref<320xi32, #tpu.memory_space<hbm>>
    tpu.enqueue_dma source(%dma_start3A_241 : memref<320xi32, #tpu.memory_space<hbm>>) target(%arg7 : memref<320xi32, #tpu.memory_space<vmem>>) target_semaphore(%arg13 : memref<!tpu.dma_semaphore, #tpu.memory_space<semaphore_mem>>)
    %dma_start3A_242 = arith.constant 0 : i32
    %dma_start3A_243 = tpu.memref_slice %arg2[%add3A_239, %dma_start3A_242] : memref<204800x128xf32, #tpu.memory_space<hbm>> -> memref<320x128xf32, #tpu.memory_space<hbm>>
    %dma_start3A_244 = arith.constant 0 : i32
    %dma_start3A_245 = tpu.memref_slice %arg2[%add3A_239, %dma_start3A_244] : memref<204800x128xf32, #tpu.memory_space<hbm>> -> memref<320x128xf32, #tpu.memory_space<hbm>>
    tpu.enqueue_dma source(%dma_start3A_245 : memref<320x128xf32, #tpu.memory_space<hbm>>) target(%arg10 : memref<320x128xf32, #tpu.memory_space<vmem>>) target_semaphore(%arg13 : memref<!tpu.dma_semaphore, #tpu.memory_space<semaphore_mem>>)
    %dma_wait3A_246 = tpu.memref_slice %arg3[%add3A_209] : memref<204800xi32, #tpu.memory_space<hbm>> -> memref<320xi32, #tpu.memory_space<hbm>>
    %dma_wait3A_247 = tpu.memref_slice %arg3[%add3A_209] : memref<204800xi32, #tpu.memory_space<hbm>> -> memref<320xi32, #tpu.memory_space<hbm>>
    tpu.wait_dma2 semaphore(%arg15 : memref<!tpu.dma_semaphore, #tpu.memory_space<semaphore_mem>>) src(%dma_wait3A_247 : memref<320xi32, #tpu.memory_space<hbm>>) dst(%arg9 : memref<320xi32, #tpu.memory_space<vmem>>)
    %dma_wait3A_248 = arith.constant 0 : i32
    %dma_wait3A_249 = tpu.memref_slice %arg2[%add3A_209, %dma_wait3A_248] : memref<204800x128xf32, #tpu.memory_space<hbm>> -> memref<320x128xf32, #tpu.memory_space<hbm>>
    %dma_wait3A_250 = arith.constant 0 : i32
    %dma_wait3A_251 = tpu.memref_slice %arg2[%add3A_209, %dma_wait3A_250] : memref<204800x128xf32, #tpu.memory_space<hbm>> -> memref<320x128xf32, #tpu.memory_space<hbm>>
    tpu.wait_dma2 semaphore(%arg15 : memref<!tpu.dma_semaphore, #tpu.memory_space<semaphore_mem>>) src(%dma_wait3A_251 : memref<320x128xf32, #tpu.memory_space<hbm>>) dst(%arg12 : memref<320x128xf32, #tpu.memory_space<vmem>>)
    %dma_start3A_252 = arith.constant 0 : i32
    %dma_start3A_253 = arith.constant 0 : i32
    %dma_start3A_254 = tpu.memref_slice %arg6[%dma_start3A_252, %dma_start3A_253] : memref<48x128xf32, #tpu.memory_space<vmem_shared>> -> memref<48x128xf32, #tpu.memory_space<vmem_shared>>
    tpu.enqueue_indirect_dma source(%dma_start3A_254 : memref<48x128xf32, #tpu.memory_space<vmem_shared>>) target(%arg12 : memref<320x128xf32, #tpu.memory_space<vmem>>) offsets(%arg9 : memref<320xi32, #tpu.memory_space<vmem>>) semaphore(%arg18 : memref<!tpu.dma_semaphore, #tpu.memory_space<semaphore_mem>>) {add = true}
    %dma_wait3A_255 = arith.constant 0 : i32
    %dma_wait3A_256 = arith.constant 0 : i32
    %dma_wait3A_257 = tpu.memref_slice %arg6[%dma_wait3A_255, %dma_wait3A_256] : memref<48x128xf32, #tpu.memory_space<vmem_shared>> -> memref<48x128xf32, #tpu.memory_space<vmem_shared>>
    tpu.wait_indirect_dma semaphore(%arg17 : memref<!tpu.dma_semaphore, #tpu.memory_space<semaphore_mem>>) src(%dma_wait3A_257 : memref<48x128xf32, #tpu.memory_space<vmem_shared>>) dst(%arg11 : memref<320x128xf32, #tpu.memory_space<vmem>>)
    %add3A_258 = arith.constant 2240 : i32
    %add3A_259 = arith.addi %mul3A_2, %add3A_258 : i32
    %dma_start3A_260 = arith.constant 0 : i32
    %dma_start3A_261 = tpu.memref_slice %arg5[%add3A_259, %dma_start3A_260] : memref<204800x128xf32, #tpu.memory_space<hbm>> -> memref<320x128xf32, #tpu.memory_space<hbm>>
    %dma_start3A_262 = arith.constant 0 : i32
    %dma_start3A_263 = tpu.memref_slice %arg5[%add3A_259, %dma_start3A_262] : memref<204800x128xf32, #tpu.memory_space<hbm>> -> memref<320x128xf32, #tpu.memory_space<hbm>>
    tpu.enqueue_dma source(%arg11 : memref<320x128xf32, #tpu.memory_space<vmem>>) target(%dma_start3A_263 : memref<320x128xf32, #tpu.memory_space<hbm>>) target_semaphore(%arg20 : memref<!tpu.dma_semaphore, #tpu.memory_space<semaphore_mem>>)
    %dma_wait3A_264 = arith.constant 0 : i32
    %dma_wait3A_265 = tpu.memref_slice %arg5[%add3A_259, %dma_wait3A_264] : memref<204800x128xf32, #tpu.memory_space<hbm>> -> memref<320x128xf32, #tpu.memory_space<hbm>>
    %dma_wait3A_266 = arith.constant 0 : i32
    %dma_wait3A_267 = tpu.memref_slice %arg5[%add3A_259, %dma_wait3A_266] : memref<204800x128xf32, #tpu.memory_space<hbm>> -> memref<320x128xf32, #tpu.memory_space<hbm>>
    tpu.wait_dma2 semaphore(%arg20 : memref<!tpu.dma_semaphore, #tpu.memory_space<semaphore_mem>>) src(%arg11 : memref<320x128xf32, #tpu.memory_space<vmem>>) dst(%dma_wait3A_267 : memref<320x128xf32, #tpu.memory_space<hbm>>)
    %add3A_268 = arith.constant 3200 : i32
    %add3A_269 = arith.addi %mul3A_2, %add3A_268 : i32
    %dma_start3A_270 = tpu.memref_slice %arg3[%add3A_269] : memref<204800xi32, #tpu.memory_space<hbm>> -> memref<320xi32, #tpu.memory_space<hbm>>
    %dma_start3A_271 = tpu.memref_slice %arg3[%add3A_269] : memref<204800xi32, #tpu.memory_space<hbm>> -> memref<320xi32, #tpu.memory_space<hbm>>
    tpu.enqueue_dma source(%dma_start3A_271 : memref<320xi32, #tpu.memory_space<hbm>>) target(%arg8 : memref<320xi32, #tpu.memory_space<vmem>>) target_semaphore(%arg14 : memref<!tpu.dma_semaphore, #tpu.memory_space<semaphore_mem>>)
    %dma_start3A_272 = arith.constant 0 : i32
    %dma_start3A_273 = tpu.memref_slice %arg2[%add3A_269, %dma_start3A_272] : memref<204800x128xf32, #tpu.memory_space<hbm>> -> memref<320x128xf32, #tpu.memory_space<hbm>>
    %dma_start3A_274 = arith.constant 0 : i32
    %dma_start3A_275 = tpu.memref_slice %arg2[%add3A_269, %dma_start3A_274] : memref<204800x128xf32, #tpu.memory_space<hbm>> -> memref<320x128xf32, #tpu.memory_space<hbm>>
    tpu.enqueue_dma source(%dma_start3A_275 : memref<320x128xf32, #tpu.memory_space<hbm>>) target(%arg11 : memref<320x128xf32, #tpu.memory_space<vmem>>) target_semaphore(%arg14 : memref<!tpu.dma_semaphore, #tpu.memory_space<semaphore_mem>>)
    %dma_wait3A_276 = tpu.memref_slice %arg3[%add3A_239] : memref<204800xi32, #tpu.memory_space<hbm>> -> memref<320xi32, #tpu.memory_space<hbm>>
    %dma_wait3A_277 = tpu.memref_slice %arg3[%add3A_239] : memref<204800xi32, #tpu.memory_space<hbm>> -> memref<320xi32, #tpu.memory_space<hbm>>
    tpu.wait_dma2 semaphore(%arg13 : memref<!tpu.dma_semaphore, #tpu.memory_space<semaphore_mem>>) src(%dma_wait3A_277 : memref<320xi32, #tpu.memory_space<hbm>>) dst(%arg7 : memref<320xi32, #tpu.memory_space<vmem>>)
    %dma_wait3A_278 = arith.constant 0 : i32
    %dma_wait3A_279 = tpu.memref_slice %arg2[%add3A_239, %dma_wait3A_278] : memref<204800x128xf32, #tpu.memory_space<hbm>> -> memref<320x128xf32, #tpu.memory_space<hbm>>
    %dma_wait3A_280 = arith.constant 0 : i32
    %dma_wait3A_281 = tpu.memref_slice %arg2[%add3A_239, %dma_wait3A_280] : memref<204800x128xf32, #tpu.memory_space<hbm>> -> memref<320x128xf32, #tpu.memory_space<hbm>>
    tpu.wait_dma2 semaphore(%arg13 : memref<!tpu.dma_semaphore, #tpu.memory_space<semaphore_mem>>) src(%dma_wait3A_281 : memref<320x128xf32, #tpu.memory_space<hbm>>) dst(%arg10 : memref<320x128xf32, #tpu.memory_space<vmem>>)
    %dma_start3A_282 = arith.constant 0 : i32
    %dma_start3A_283 = arith.constant 0 : i32
    %dma_start3A_284 = tpu.memref_slice %arg6[%dma_start3A_282, %dma_start3A_283] : memref<48x128xf32, #tpu.memory_space<vmem_shared>> -> memref<48x128xf32, #tpu.memory_space<vmem_shared>>
    tpu.enqueue_indirect_dma source(%dma_start3A_284 : memref<48x128xf32, #tpu.memory_space<vmem_shared>>) target(%arg10 : memref<320x128xf32, #tpu.memory_space<vmem>>) offsets(%arg7 : memref<320xi32, #tpu.memory_space<vmem>>) semaphore(%arg16 : memref<!tpu.dma_semaphore, #tpu.memory_space<semaphore_mem>>) {add = true}
    %dma_wait3A_285 = arith.constant 0 : i32
    %dma_wait3A_286 = arith.constant 0 : i32
    %dma_wait3A_287 = tpu.memref_slice %arg6[%dma_wait3A_285, %dma_wait3A_286] : memref<48x128xf32, #tpu.memory_space<vmem_shared>> -> memref<48x128xf32, #tpu.memory_space<vmem_shared>>
    tpu.wait_indirect_dma semaphore(%arg18 : memref<!tpu.dma_semaphore, #tpu.memory_space<semaphore_mem>>) src(%dma_wait3A_287 : memref<48x128xf32, #tpu.memory_space<vmem_shared>>) dst(%arg12 : memref<320x128xf32, #tpu.memory_space<vmem>>)
    %add3A_288 = arith.constant 2560 : i32
    %add3A_289 = arith.addi %mul3A_2, %add3A_288 : i32
    %dma_start3A_290 = arith.constant 0 : i32
    %dma_start3A_291 = tpu.memref_slice %arg5[%add3A_289, %dma_start3A_290] : memref<204800x128xf32, #tpu.memory_space<hbm>> -> memref<320x128xf32, #tpu.memory_space<hbm>>
    %dma_start3A_292 = arith.constant 0 : i32
    %dma_start3A_293 = tpu.memref_slice %arg5[%add3A_289, %dma_start3A_292] : memref<204800x128xf32, #tpu.memory_space<hbm>> -> memref<320x128xf32, #tpu.memory_space<hbm>>
    tpu.enqueue_dma source(%arg12 : memref<320x128xf32, #tpu.memory_space<vmem>>) target(%dma_start3A_293 : memref<320x128xf32, #tpu.memory_space<hbm>>) target_semaphore(%arg21 : memref<!tpu.dma_semaphore, #tpu.memory_space<semaphore_mem>>)
    %dma_wait3A_294 = arith.constant 0 : i32
    %dma_wait3A_295 = tpu.memref_slice %arg5[%add3A_289, %dma_wait3A_294] : memref<204800x128xf32, #tpu.memory_space<hbm>> -> memref<320x128xf32, #tpu.memory_space<hbm>>
    %dma_wait3A_296 = arith.constant 0 : i32
    %dma_wait3A_297 = tpu.memref_slice %arg5[%add3A_289, %dma_wait3A_296] : memref<204800x128xf32, #tpu.memory_space<hbm>> -> memref<320x128xf32, #tpu.memory_space<hbm>>
    tpu.wait_dma2 semaphore(%arg21 : memref<!tpu.dma_semaphore, #tpu.memory_space<semaphore_mem>>) src(%arg12 : memref<320x128xf32, #tpu.memory_space<vmem>>) dst(%dma_wait3A_297 : memref<320x128xf32, #tpu.memory_space<hbm>>)
    %add3A_298 = arith.constant 3520 : i32
    %add3A_299 = arith.addi %mul3A_2, %add3A_298 : i32
    %dma_start3A_300 = tpu.memref_slice %arg3[%add3A_299] : memref<204800xi32, #tpu.memory_space<hbm>> -> memref<320xi32, #tpu.memory_space<hbm>>
    %dma_start3A_301 = tpu.memref_slice %arg3[%add3A_299] : memref<204800xi32, #tpu.memory_space<hbm>> -> memref<320xi32, #tpu.memory_space<hbm>>
    tpu.enqueue_dma source(%dma_start3A_301 : memref<320xi32, #tpu.memory_space<hbm>>) target(%arg9 : memref<320xi32, #tpu.memory_space<vmem>>) target_semaphore(%arg15 : memref<!tpu.dma_semaphore, #tpu.memory_space<semaphore_mem>>)
    %dma_start3A_302 = arith.constant 0 : i32
    %dma_start3A_303 = tpu.memref_slice %arg2[%add3A_299, %dma_start3A_302] : memref<204800x128xf32, #tpu.memory_space<hbm>> -> memref<320x128xf32, #tpu.memory_space<hbm>>
    %dma_start3A_304 = arith.constant 0 : i32
    %dma_start3A_305 = tpu.memref_slice %arg2[%add3A_299, %dma_start3A_304] : memref<204800x128xf32, #tpu.memory_space<hbm>> -> memref<320x128xf32, #tpu.memory_space<hbm>>
    tpu.enqueue_dma source(%dma_start3A_305 : memref<320x128xf32, #tpu.memory_space<hbm>>) target(%arg12 : memref<320x128xf32, #tpu.memory_space<vmem>>) target_semaphore(%arg15 : memref<!tpu.dma_semaphore, #tpu.memory_space<semaphore_mem>>)
    %dma_wait3A_306 = tpu.memref_slice %arg3[%add3A_269] : memref<204800xi32, #tpu.memory_space<hbm>> -> memref<320xi32, #tpu.memory_space<hbm>>
    %dma_wait3A_307 = tpu.memref_slice %arg3[%add3A_269] : memref<204800xi32, #tpu.memory_space<hbm>> -> memref<320xi32, #tpu.memory_space<hbm>>
    tpu.wait_dma2 semaphore(%arg14 : memref<!tpu.dma_semaphore, #tpu.memory_space<semaphore_mem>>) src(%dma_wait3A_307 : memref<320xi32, #tpu.memory_space<hbm>>) dst(%arg8 : memref<320xi32, #tpu.memory_space<vmem>>)
    %dma_wait3A_308 = arith.constant 0 : i32
    %dma_wait3A_309 = tpu.memref_slice %arg2[%add3A_269, %dma_wait3A_308] : memref<204800x128xf32, #tpu.memory_space<hbm>> -> memref<320x128xf32, #tpu.memory_space<hbm>>
    %dma_wait3A_310 = arith.constant 0 : i32
    %dma_wait3A_311 = tpu.memref_slice %arg2[%add3A_269, %dma_wait3A_310] : memref<204800x128xf32, #tpu.memory_space<hbm>> -> memref<320x128xf32, #tpu.memory_space<hbm>>
    tpu.wait_dma2 semaphore(%arg14 : memref<!tpu.dma_semaphore, #tpu.memory_space<semaphore_mem>>) src(%dma_wait3A_311 : memref<320x128xf32, #tpu.memory_space<hbm>>) dst(%arg11 : memref<320x128xf32, #tpu.memory_space<vmem>>)
    %dma_start3A_312 = arith.constant 0 : i32
    %dma_start3A_313 = arith.constant 0 : i32
    %dma_start3A_314 = tpu.memref_slice %arg6[%dma_start3A_312, %dma_start3A_313] : memref<48x128xf32, #tpu.memory_space<vmem_shared>> -> memref<48x128xf32, #tpu.memory_space<vmem_shared>>
    tpu.enqueue_indirect_dma source(%dma_start3A_314 : memref<48x128xf32, #tpu.memory_space<vmem_shared>>) target(%arg11 : memref<320x128xf32, #tpu.memory_space<vmem>>) offsets(%arg8 : memref<320xi32, #tpu.memory_space<vmem>>) semaphore(%arg17 : memref<!tpu.dma_semaphore, #tpu.memory_space<semaphore_mem>>) {add = true}
    %dma_wait3A_315 = arith.constant 0 : i32
    %dma_wait3A_316 = arith.constant 0 : i32
    %dma_wait3A_317 = tpu.memref_slice %arg6[%dma_wait3A_315, %dma_wait3A_316] : memref<48x128xf32, #tpu.memory_space<vmem_shared>> -> memref<48x128xf32, #tpu.memory_space<vmem_shared>>
    tpu.wait_indirect_dma semaphore(%arg16 : memref<!tpu.dma_semaphore, #tpu.memory_space<semaphore_mem>>) src(%dma_wait3A_317 : memref<48x128xf32, #tpu.memory_space<vmem_shared>>) dst(%arg10 : memref<320x128xf32, #tpu.memory_space<vmem>>)
    %add3A_318 = arith.constant 2880 : i32
    %add3A_319 = arith.addi %mul3A_2, %add3A_318 : i32
    %dma_start3A_320 = arith.constant 0 : i32
    %dma_start3A_321 = tpu.memref_slice %arg5[%add3A_319, %dma_start3A_320] : memref<204800x128xf32, #tpu.memory_space<hbm>> -> memref<320x128xf32, #tpu.memory_space<hbm>>
    %dma_start3A_322 = arith.constant 0 : i32
    %dma_start3A_323 = tpu.memref_slice %arg5[%add3A_319, %dma_start3A_322] : memref<204800x128xf32, #tpu.memory_space<hbm>> -> memref<320x128xf32, #tpu.memory_space<hbm>>
    tpu.enqueue_dma source(%arg10 : memref<320x128xf32, #tpu.memory_space<vmem>>) target(%dma_start3A_323 : memref<320x128xf32, #tpu.memory_space<hbm>>) target_semaphore(%arg19 : memref<!tpu.dma_semaphore, #tpu.memory_space<semaphore_mem>>)
    %dma_wait3A_324 = arith.constant 0 : i32
    %dma_wait3A_325 = tpu.memref_slice %arg5[%add3A_319, %dma_wait3A_324] : memref<204800x128xf32, #tpu.memory_space<hbm>> -> memref<320x128xf32, #tpu.memory_space<hbm>>
    %dma_wait3A_326 = arith.constant 0 : i32
    %dma_wait3A_327 = tpu.memref_slice %arg5[%add3A_319, %dma_wait3A_326] : memref<204800x128xf32, #tpu.memory_space<hbm>> -> memref<320x128xf32, #tpu.memory_space<hbm>>
    tpu.wait_dma2 semaphore(%arg19 : memref<!tpu.dma_semaphore, #tpu.memory_space<semaphore_mem>>) src(%arg10 : memref<320x128xf32, #tpu.memory_space<vmem>>) dst(%dma_wait3A_327 : memref<320x128xf32, #tpu.memory_space<hbm>>)
    %add3A_328 = arith.constant 3840 : i32
    %add3A_329 = arith.addi %mul3A_2, %add3A_328 : i32
    %dma_start3A_330 = tpu.memref_slice %arg3[%add3A_329] : memref<204800xi32, #tpu.memory_space<hbm>> -> memref<320xi32, #tpu.memory_space<hbm>>
    %dma_start3A_331 = tpu.memref_slice %arg3[%add3A_329] : memref<204800xi32, #tpu.memory_space<hbm>> -> memref<320xi32, #tpu.memory_space<hbm>>
    tpu.enqueue_dma source(%dma_start3A_331 : memref<320xi32, #tpu.memory_space<hbm>>) target(%arg7 : memref<320xi32, #tpu.memory_space<vmem>>) target_semaphore(%arg13 : memref<!tpu.dma_semaphore, #tpu.memory_space<semaphore_mem>>)
    %dma_start3A_332 = arith.constant 0 : i32
    %dma_start3A_333 = tpu.memref_slice %arg2[%add3A_329, %dma_start3A_332] : memref<204800x128xf32, #tpu.memory_space<hbm>> -> memref<320x128xf32, #tpu.memory_space<hbm>>
    %dma_start3A_334 = arith.constant 0 : i32
    %dma_start3A_335 = tpu.memref_slice %arg2[%add3A_329, %dma_start3A_334] : memref<204800x128xf32, #tpu.memory_space<hbm>> -> memref<320x128xf32, #tpu.memory_space<hbm>>
    tpu.enqueue_dma source(%dma_start3A_335 : memref<320x128xf32, #tpu.memory_space<hbm>>) target(%arg10 : memref<320x128xf32, #tpu.memory_space<vmem>>) target_semaphore(%arg13 : memref<!tpu.dma_semaphore, #tpu.memory_space<semaphore_mem>>)
    %dma_wait3A_336 = tpu.memref_slice %arg3[%add3A_299] : memref<204800xi32, #tpu.memory_space<hbm>> -> memref<320xi32, #tpu.memory_space<hbm>>
    %dma_wait3A_337 = tpu.memref_slice %arg3[%add3A_299] : memref<204800xi32, #tpu.memory_space<hbm>> -> memref<320xi32, #tpu.memory_space<hbm>>
    tpu.wait_dma2 semaphore(%arg15 : memref<!tpu.dma_semaphore, #tpu.memory_space<semaphore_mem>>) src(%dma_wait3A_337 : memref<320xi32, #tpu.memory_space<hbm>>) dst(%arg9 : memref<320xi32, #tpu.memory_space<vmem>>)
    %dma_wait3A_338 = arith.constant 0 : i32
    %dma_wait3A_339 = tpu.memref_slice %arg2[%add3A_299, %dma_wait3A_338] : memref<204800x128xf32, #tpu.memory_space<hbm>> -> memref<320x128xf32, #tpu.memory_space<hbm>>
    %dma_wait3A_340 = arith.constant 0 : i32
    %dma_wait3A_341 = tpu.memref_slice %arg2[%add3A_299, %dma_wait3A_340] : memref<204800x128xf32, #tpu.memory_space<hbm>> -> memref<320x128xf32, #tpu.memory_space<hbm>>
    tpu.wait_dma2 semaphore(%arg15 : memref<!tpu.dma_semaphore, #tpu.memory_space<semaphore_mem>>) src(%dma_wait3A_341 : memref<320x128xf32, #tpu.memory_space<hbm>>) dst(%arg12 : memref<320x128xf32, #tpu.memory_space<vmem>>)
    %dma_start3A_342 = arith.constant 0 : i32
    %dma_start3A_343 = arith.constant 0 : i32
    %dma_start3A_344 = tpu.memref_slice %arg6[%dma_start3A_342, %dma_start3A_343] : memref<48x128xf32, #tpu.memory_space<vmem_shared>> -> memref<48x128xf32, #tpu.memory_space<vmem_shared>>
    tpu.enqueue_indirect_dma source(%dma_start3A_344 : memref<48x128xf32, #tpu.memory_space<vmem_shared>>) target(%arg12 : memref<320x128xf32, #tpu.memory_space<vmem>>) offsets(%arg9 : memref<320xi32, #tpu.memory_space<vmem>>) semaphore(%arg18 : memref<!tpu.dma_semaphore, #tpu.memory_space<semaphore_mem>>) {add = true}
    %dma_wait3A_345 = arith.constant 0 : i32
    %dma_wait3A_346 = arith.constant 0 : i32
    %dma_wait3A_347 = tpu.memref_slice %arg6[%dma_wait3A_345, %dma_wait3A_346] : memref<48x128xf32, #tpu.memory_space<vmem_shared>> -> memref<48x128xf32, #tpu.memory_space<vmem_shared>>
    tpu.wait_indirect_dma semaphore(%arg17 : memref<!tpu.dma_semaphore, #tpu.memory_space<semaphore_mem>>) src(%dma_wait3A_347 : memref<48x128xf32, #tpu.memory_space<vmem_shared>>) dst(%arg11 : memref<320x128xf32, #tpu.memory_space<vmem>>)
    %add3A_348 = arith.constant 3200 : i32
    %add3A_349 = arith.addi %mul3A_2, %add3A_348 : i32
    %dma_start3A_350 = arith.constant 0 : i32
    %dma_start3A_351 = tpu.memref_slice %arg5[%add3A_349, %dma_start3A_350] : memref<204800x128xf32, #tpu.memory_space<hbm>> -> memref<320x128xf32, #tpu.memory_space<hbm>>
    %dma_start3A_352 = arith.constant 0 : i32
    %dma_start3A_353 = tpu.memref_slice %arg5[%add3A_349, %dma_start3A_352] : memref<204800x128xf32, #tpu.memory_space<hbm>> -> memref<320x128xf32, #tpu.memory_space<hbm>>
    tpu.enqueue_dma source(%arg11 : memref<320x128xf32, #tpu.memory_space<vmem>>) target(%dma_start3A_353 : memref<320x128xf32, #tpu.memory_space<hbm>>) target_semaphore(%arg20 : memref<!tpu.dma_semaphore, #tpu.memory_space<semaphore_mem>>)
    %dma_wait3A_354 = arith.constant 0 : i32
    %dma_wait3A_355 = tpu.memref_slice %arg5[%add3A_349, %dma_wait3A_354] : memref<204800x128xf32, #tpu.memory_space<hbm>> -> memref<320x128xf32, #tpu.memory_space<hbm>>
    %dma_wait3A_356 = arith.constant 0 : i32
    %dma_wait3A_357 = tpu.memref_slice %arg5[%add3A_349, %dma_wait3A_356] : memref<204800x128xf32, #tpu.memory_space<hbm>> -> memref<320x128xf32, #tpu.memory_space<hbm>>
    tpu.wait_dma2 semaphore(%arg20 : memref<!tpu.dma_semaphore, #tpu.memory_space<semaphore_mem>>) src(%arg11 : memref<320x128xf32, #tpu.memory_space<vmem>>) dst(%dma_wait3A_357 : memref<320x128xf32, #tpu.memory_space<hbm>>)
    %add3A_358 = arith.constant 4160 : i32
    %add3A_359 = arith.addi %mul3A_2, %add3A_358 : i32
    %dma_start3A_360 = tpu.memref_slice %arg3[%add3A_359] : memref<204800xi32, #tpu.memory_space<hbm>> -> memref<320xi32, #tpu.memory_space<hbm>>
    %dma_start3A_361 = tpu.memref_slice %arg3[%add3A_359] : memref<204800xi32, #tpu.memory_space<hbm>> -> memref<320xi32, #tpu.memory_space<hbm>>
    tpu.enqueue_dma source(%dma_start3A_361 : memref<320xi32, #tpu.memory_space<hbm>>) target(%arg8 : memref<320xi32, #tpu.memory_space<vmem>>) target_semaphore(%arg14 : memref<!tpu.dma_semaphore, #tpu.memory_space<semaphore_mem>>)
    %dma_start3A_362 = arith.constant 0 : i32
    %dma_start3A_363 = tpu.memref_slice %arg2[%add3A_359, %dma_start3A_362] : memref<204800x128xf32, #tpu.memory_space<hbm>> -> memref<320x128xf32, #tpu.memory_space<hbm>>
    %dma_start3A_364 = arith.constant 0 : i32
    %dma_start3A_365 = tpu.memref_slice %arg2[%add3A_359, %dma_start3A_364] : memref<204800x128xf32, #tpu.memory_space<hbm>> -> memref<320x128xf32, #tpu.memory_space<hbm>>
    tpu.enqueue_dma source(%dma_start3A_365 : memref<320x128xf32, #tpu.memory_space<hbm>>) target(%arg11 : memref<320x128xf32, #tpu.memory_space<vmem>>) target_semaphore(%arg14 : memref<!tpu.dma_semaphore, #tpu.memory_space<semaphore_mem>>)
    %dma_wait3A_366 = tpu.memref_slice %arg3[%add3A_329] : memref<204800xi32, #tpu.memory_space<hbm>> -> memref<320xi32, #tpu.memory_space<hbm>>
    %dma_wait3A_367 = tpu.memref_slice %arg3[%add3A_329] : memref<204800xi32, #tpu.memory_space<hbm>> -> memref<320xi32, #tpu.memory_space<hbm>>
    tpu.wait_dma2 semaphore(%arg13 : memref<!tpu.dma_semaphore, #tpu.memory_space<semaphore_mem>>) src(%dma_wait3A_367 : memref<320xi32, #tpu.memory_space<hbm>>) dst(%arg7 : memref<320xi32, #tpu.memory_space<vmem>>)
    %dma_wait3A_368 = arith.constant 0 : i32
    %dma_wait3A_369 = tpu.memref_slice %arg2[%add3A_329, %dma_wait3A_368] : memref<204800x128xf32, #tpu.memory_space<hbm>> -> memref<320x128xf32, #tpu.memory_space<hbm>>
    %dma_wait3A_370 = arith.constant 0 : i32
    %dma_wait3A_371 = tpu.memref_slice %arg2[%add3A_329, %dma_wait3A_370] : memref<204800x128xf32, #tpu.memory_space<hbm>> -> memref<320x128xf32, #tpu.memory_space<hbm>>
    tpu.wait_dma2 semaphore(%arg13 : memref<!tpu.dma_semaphore, #tpu.memory_space<semaphore_mem>>) src(%dma_wait3A_371 : memref<320x128xf32, #tpu.memory_space<hbm>>) dst(%arg10 : memref<320x128xf32, #tpu.memory_space<vmem>>)
    %dma_start3A_372 = arith.constant 0 : i32
    %dma_start3A_373 = arith.constant 0 : i32
    %dma_start3A_374 = tpu.memref_slice %arg6[%dma_start3A_372, %dma_start3A_373] : memref<48x128xf32, #tpu.memory_space<vmem_shared>> -> memref<48x128xf32, #tpu.memory_space<vmem_shared>>
    tpu.enqueue_indirect_dma source(%dma_start3A_374 : memref<48x128xf32, #tpu.memory_space<vmem_shared>>) target(%arg10 : memref<320x128xf32, #tpu.memory_space<vmem>>) offsets(%arg7 : memref<320xi32, #tpu.memory_space<vmem>>) semaphore(%arg16 : memref<!tpu.dma_semaphore, #tpu.memory_space<semaphore_mem>>) {add = true}
    %dma_wait3A_375 = arith.constant 0 : i32
    %dma_wait3A_376 = arith.constant 0 : i32
    %dma_wait3A_377 = tpu.memref_slice %arg6[%dma_wait3A_375, %dma_wait3A_376] : memref<48x128xf32, #tpu.memory_space<vmem_shared>> -> memref<48x128xf32, #tpu.memory_space<vmem_shared>>
    tpu.wait_indirect_dma semaphore(%arg18 : memref<!tpu.dma_semaphore, #tpu.memory_space<semaphore_mem>>) src(%dma_wait3A_377 : memref<48x128xf32, #tpu.memory_space<vmem_shared>>) dst(%arg12 : memref<320x128xf32, #tpu.memory_space<vmem>>)
    %add3A_378 = arith.constant 3520 : i32
    %add3A_379 = arith.addi %mul3A_2, %add3A_378 : i32
    %dma_start3A_380 = arith.constant 0 : i32
    %dma_start3A_381 = tpu.memref_slice %arg5[%add3A_379, %dma_start3A_380] : memref<204800x128xf32, #tpu.memory_space<hbm>> -> memref<320x128xf32, #tpu.memory_space<hbm>>
    %dma_start3A_382 = arith.constant 0 : i32
    %dma_start3A_383 = tpu.memref_slice %arg5[%add3A_379, %dma_start3A_382] : memref<204800x128xf32, #tpu.memory_space<hbm>> -> memref<320x128xf32, #tpu.memory_space<hbm>>
    tpu.enqueue_dma source(%arg12 : memref<320x128xf32, #tpu.memory_space<vmem>>) target(%dma_start3A_383 : memref<320x128xf32, #tpu.memory_space<hbm>>) target_semaphore(%arg21 : memref<!tpu.dma_semaphore, #tpu.memory_space<semaphore_mem>>)
    %dma_wait3A_384 = arith.constant 0 : i32
    %dma_wait3A_385 = tpu.memref_slice %arg5[%add3A_379, %dma_wait3A_384] : memref<204800x128xf32, #tpu.memory_space<hbm>> -> memref<320x128xf32, #tpu.memory_space<hbm>>
    %dma_wait3A_386 = arith.constant 0 : i32
    %dma_wait3A_387 = tpu.memref_slice %arg5[%add3A_379, %dma_wait3A_386] : memref<204800x128xf32, #tpu.memory_space<hbm>> -> memref<320x128xf32, #tpu.memory_space<hbm>>
    tpu.wait_dma2 semaphore(%arg21 : memref<!tpu.dma_semaphore, #tpu.memory_space<semaphore_mem>>) src(%arg12 : memref<320x128xf32, #tpu.memory_space<vmem>>) dst(%dma_wait3A_387 : memref<320x128xf32, #tpu.memory_space<hbm>>)
    %add3A_388 = arith.constant 4480 : i32
    %add3A_389 = arith.addi %mul3A_2, %add3A_388 : i32
    %dma_start3A_390 = tpu.memref_slice %arg3[%add3A_389] : memref<204800xi32, #tpu.memory_space<hbm>> -> memref<320xi32, #tpu.memory_space<hbm>>
    %dma_start3A_391 = tpu.memref_slice %arg3[%add3A_389] : memref<204800xi32, #tpu.memory_space<hbm>> -> memref<320xi32, #tpu.memory_space<hbm>>
    tpu.enqueue_dma source(%dma_start3A_391 : memref<320xi32, #tpu.memory_space<hbm>>) target(%arg9 : memref<320xi32, #tpu.memory_space<vmem>>) target_semaphore(%arg15 : memref<!tpu.dma_semaphore, #tpu.memory_space<semaphore_mem>>)
    %dma_start3A_392 = arith.constant 0 : i32
    %dma_start3A_393 = tpu.memref_slice %arg2[%add3A_389, %dma_start3A_392] : memref<204800x128xf32, #tpu.memory_space<hbm>> -> memref<320x128xf32, #tpu.memory_space<hbm>>
    %dma_start3A_394 = arith.constant 0 : i32
    %dma_start3A_395 = tpu.memref_slice %arg2[%add3A_389, %dma_start3A_394] : memref<204800x128xf32, #tpu.memory_space<hbm>> -> memref<320x128xf32, #tpu.memory_space<hbm>>
    tpu.enqueue_dma source(%dma_start3A_395 : memref<320x128xf32, #tpu.memory_space<hbm>>) target(%arg12 : memref<320x128xf32, #tpu.memory_space<vmem>>) target_semaphore(%arg15 : memref<!tpu.dma_semaphore, #tpu.memory_space<semaphore_mem>>)
    %dma_wait3A_396 = tpu.memref_slice %arg3[%add3A_359] : memref<204800xi32, #tpu.memory_space<hbm>> -> memref<320xi32, #tpu.memory_space<hbm>>
    %dma_wait3A_397 = tpu.memref_slice %arg3[%add3A_359] : memref<204800xi32, #tpu.memory_space<hbm>> -> memref<320xi32, #tpu.memory_space<hbm>>
    tpu.wait_dma2 semaphore(%arg14 : memref<!tpu.dma_semaphore, #tpu.memory_space<semaphore_mem>>) src(%dma_wait3A_397 : memref<320xi32, #tpu.memory_space<hbm>>) dst(%arg8 : memref<320xi32, #tpu.memory_space<vmem>>)
    %dma_wait3A_398 = arith.constant 0 : i32
    %dma_wait3A_399 = tpu.memref_slice %arg2[%add3A_359, %dma_wait3A_398] : memref<204800x128xf32, #tpu.memory_space<hbm>> -> memref<320x128xf32, #tpu.memory_space<hbm>>
    %dma_wait3A_400 = arith.constant 0 : i32
    %dma_wait3A_401 = tpu.memref_slice %arg2[%add3A_359, %dma_wait3A_400] : memref<204800x128xf32, #tpu.memory_space<hbm>> -> memref<320x128xf32, #tpu.memory_space<hbm>>
    tpu.wait_dma2 semaphore(%arg14 : memref<!tpu.dma_semaphore, #tpu.memory_space<semaphore_mem>>) src(%dma_wait3A_401 : memref<320x128xf32, #tpu.memory_space<hbm>>) dst(%arg11 : memref<320x128xf32, #tpu.memory_space<vmem>>)
    %dma_start3A_402 = arith.constant 0 : i32
    %dma_start3A_403 = arith.constant 0 : i32
    %dma_start3A_404 = tpu.memref_slice %arg6[%dma_start3A_402, %dma_start3A_403] : memref<48x128xf32, #tpu.memory_space<vmem_shared>> -> memref<48x128xf32, #tpu.memory_space<vmem_shared>>
    tpu.enqueue_indirect_dma source(%dma_start3A_404 : memref<48x128xf32, #tpu.memory_space<vmem_shared>>) target(%arg11 : memref<320x128xf32, #tpu.memory_space<vmem>>) offsets(%arg8 : memref<320xi32, #tpu.memory_space<vmem>>) semaphore(%arg17 : memref<!tpu.dma_semaphore, #tpu.memory_space<semaphore_mem>>) {add = true}
    %dma_wait3A_405 = arith.constant 0 : i32
    %dma_wait3A_406 = arith.constant 0 : i32
    %dma_wait3A_407 = tpu.memref_slice %arg6[%dma_wait3A_405, %dma_wait3A_406] : memref<48x128xf32, #tpu.memory_space<vmem_shared>> -> memref<48x128xf32, #tpu.memory_space<vmem_shared>>
    tpu.wait_indirect_dma semaphore(%arg16 : memref<!tpu.dma_semaphore, #tpu.memory_space<semaphore_mem>>) src(%dma_wait3A_407 : memref<48x128xf32, #tpu.memory_space<vmem_shared>>) dst(%arg10 : memref<320x128xf32, #tpu.memory_space<vmem>>)
    %add3A_408 = arith.constant 3840 : i32
    %add3A_409 = arith.addi %mul3A_2, %add3A_408 : i32
    %dma_start3A_410 = arith.constant 0 : i32
    %dma_start3A_411 = tpu.memref_slice %arg5[%add3A_409, %dma_start3A_410] : memref<204800x128xf32, #tpu.memory_space<hbm>> -> memref<320x128xf32, #tpu.memory_space<hbm>>
    %dma_start3A_412 = arith.constant 0 : i32
    %dma_start3A_413 = tpu.memref_slice %arg5[%add3A_409, %dma_start3A_412] : memref<204800x128xf32, #tpu.memory_space<hbm>> -> memref<320x128xf32, #tpu.memory_space<hbm>>
    tpu.enqueue_dma source(%arg10 : memref<320x128xf32, #tpu.memory_space<vmem>>) target(%dma_start3A_413 : memref<320x128xf32, #tpu.memory_space<hbm>>) target_semaphore(%arg19 : memref<!tpu.dma_semaphore, #tpu.memory_space<semaphore_mem>>)
    %dma_wait3A_414 = arith.constant 0 : i32
    %dma_wait3A_415 = tpu.memref_slice %arg5[%add3A_409, %dma_wait3A_414] : memref<204800x128xf32, #tpu.memory_space<hbm>> -> memref<320x128xf32, #tpu.memory_space<hbm>>
    %dma_wait3A_416 = arith.constant 0 : i32
    %dma_wait3A_417 = tpu.memref_slice %arg5[%add3A_409, %dma_wait3A_416] : memref<204800x128xf32, #tpu.memory_space<hbm>> -> memref<320x128xf32, #tpu.memory_space<hbm>>
    tpu.wait_dma2 semaphore(%arg19 : memref<!tpu.dma_semaphore, #tpu.memory_space<semaphore_mem>>) src(%arg10 : memref<320x128xf32, #tpu.memory_space<vmem>>) dst(%dma_wait3A_417 : memref<320x128xf32, #tpu.memory_space<hbm>>)
    %add3A_418 = arith.constant 4800 : i32
    %add3A_419 = arith.addi %mul3A_2, %add3A_418 : i32
    %dma_start3A_420 = tpu.memref_slice %arg3[%add3A_419] : memref<204800xi32, #tpu.memory_space<hbm>> -> memref<320xi32, #tpu.memory_space<hbm>>
    %dma_start3A_421 = tpu.memref_slice %arg3[%add3A_419] : memref<204800xi32, #tpu.memory_space<hbm>> -> memref<320xi32, #tpu.memory_space<hbm>>
    tpu.enqueue_dma source(%dma_start3A_421 : memref<320xi32, #tpu.memory_space<hbm>>) target(%arg7 : memref<320xi32, #tpu.memory_space<vmem>>) target_semaphore(%arg13 : memref<!tpu.dma_semaphore, #tpu.memory_space<semaphore_mem>>)
    %dma_start3A_422 = arith.constant 0 : i32
    %dma_start3A_423 = tpu.memref_slice %arg2[%add3A_419, %dma_start3A_422] : memref<204800x128xf32, #tpu.memory_space<hbm>> -> memref<320x128xf32, #tpu.memory_space<hbm>>
    %dma_start3A_424 = arith.constant 0 : i32
    %dma_start3A_425 = tpu.memref_slice %arg2[%add3A_419, %dma_start3A_424] : memref<204800x128xf32, #tpu.memory_space<hbm>> -> memref<320x128xf32, #tpu.memory_space<hbm>>
    tpu.enqueue_dma source(%dma_start3A_425 : memref<320x128xf32, #tpu.memory_space<hbm>>) target(%arg10 : memref<320x128xf32, #tpu.memory_space<vmem>>) target_semaphore(%arg13 : memref<!tpu.dma_semaphore, #tpu.memory_space<semaphore_mem>>)
    %dma_wait3A_426 = tpu.memref_slice %arg3[%add3A_389] : memref<204800xi32, #tpu.memory_space<hbm>> -> memref<320xi32, #tpu.memory_space<hbm>>
    %dma_wait3A_427 = tpu.memref_slice %arg3[%add3A_389] : memref<204800xi32, #tpu.memory_space<hbm>> -> memref<320xi32, #tpu.memory_space<hbm>>
    tpu.wait_dma2 semaphore(%arg15 : memref<!tpu.dma_semaphore, #tpu.memory_space<semaphore_mem>>) src(%dma_wait3A_427 : memref<320xi32, #tpu.memory_space<hbm>>) dst(%arg9 : memref<320xi32, #tpu.memory_space<vmem>>)
    %dma_wait3A_428 = arith.constant 0 : i32
    %dma_wait3A_429 = tpu.memref_slice %arg2[%add3A_389, %dma_wait3A_428] : memref<204800x128xf32, #tpu.memory_space<hbm>> -> memref<320x128xf32, #tpu.memory_space<hbm>>
    %dma_wait3A_430 = arith.constant 0 : i32
    %dma_wait3A_431 = tpu.memref_slice %arg2[%add3A_389, %dma_wait3A_430] : memref<204800x128xf32, #tpu.memory_space<hbm>> -> memref<320x128xf32, #tpu.memory_space<hbm>>
    tpu.wait_dma2 semaphore(%arg15 : memref<!tpu.dma_semaphore, #tpu.memory_space<semaphore_mem>>) src(%dma_wait3A_431 : memref<320x128xf32, #tpu.memory_space<hbm>>) dst(%arg12 : memref<320x128xf32, #tpu.memory_space<vmem>>)
    %dma_start3A_432 = arith.constant 0 : i32
    %dma_start3A_433 = arith.constant 0 : i32
    %dma_start3A_434 = tpu.memref_slice %arg6[%dma_start3A_432, %dma_start3A_433] : memref<48x128xf32, #tpu.memory_space<vmem_shared>> -> memref<48x128xf32, #tpu.memory_space<vmem_shared>>
    tpu.enqueue_indirect_dma source(%dma_start3A_434 : memref<48x128xf32, #tpu.memory_space<vmem_shared>>) target(%arg12 : memref<320x128xf32, #tpu.memory_space<vmem>>) offsets(%arg9 : memref<320xi32, #tpu.memory_space<vmem>>) semaphore(%arg18 : memref<!tpu.dma_semaphore, #tpu.memory_space<semaphore_mem>>) {add = true}
    %dma_wait3A_435 = arith.constant 0 : i32
    %dma_wait3A_436 = arith.constant 0 : i32
    %dma_wait3A_437 = tpu.memref_slice %arg6[%dma_wait3A_435, %dma_wait3A_436] : memref<48x128xf32, #tpu.memory_space<vmem_shared>> -> memref<48x128xf32, #tpu.memory_space<vmem_shared>>
    tpu.wait_indirect_dma semaphore(%arg17 : memref<!tpu.dma_semaphore, #tpu.memory_space<semaphore_mem>>) src(%dma_wait3A_437 : memref<48x128xf32, #tpu.memory_space<vmem_shared>>) dst(%arg11 : memref<320x128xf32, #tpu.memory_space<vmem>>)
    %add3A_438 = arith.constant 4160 : i32
    %add3A_439 = arith.addi %mul3A_2, %add3A_438 : i32
    %dma_start3A_440 = arith.constant 0 : i32
    %dma_start3A_441 = tpu.memref_slice %arg5[%add3A_439, %dma_start3A_440] : memref<204800x128xf32, #tpu.memory_space<hbm>> -> memref<320x128xf32, #tpu.memory_space<hbm>>
    %dma_start3A_442 = arith.constant 0 : i32
    %dma_start3A_443 = tpu.memref_slice %arg5[%add3A_439, %dma_start3A_442] : memref<204800x128xf32, #tpu.memory_space<hbm>> -> memref<320x128xf32, #tpu.memory_space<hbm>>
    tpu.enqueue_dma source(%arg11 : memref<320x128xf32, #tpu.memory_space<vmem>>) target(%dma_start3A_443 : memref<320x128xf32, #tpu.memory_space<hbm>>) target_semaphore(%arg20 : memref<!tpu.dma_semaphore, #tpu.memory_space<semaphore_mem>>)
    %dma_wait3A_444 = arith.constant 0 : i32
    %dma_wait3A_445 = tpu.memref_slice %arg5[%add3A_439, %dma_wait3A_444] : memref<204800x128xf32, #tpu.memory_space<hbm>> -> memref<320x128xf32, #tpu.memory_space<hbm>>
    %dma_wait3A_446 = arith.constant 0 : i32
    %dma_wait3A_447 = tpu.memref_slice %arg5[%add3A_439, %dma_wait3A_446] : memref<204800x128xf32, #tpu.memory_space<hbm>> -> memref<320x128xf32, #tpu.memory_space<hbm>>
    tpu.wait_dma2 semaphore(%arg20 : memref<!tpu.dma_semaphore, #tpu.memory_space<semaphore_mem>>) src(%arg11 : memref<320x128xf32, #tpu.memory_space<vmem>>) dst(%dma_wait3A_447 : memref<320x128xf32, #tpu.memory_space<hbm>>)
    %add3A_448 = arith.constant 5120 : i32
    %add3A_449 = arith.addi %mul3A_2, %add3A_448 : i32
    %dma_start3A_450 = tpu.memref_slice %arg3[%add3A_449] : memref<204800xi32, #tpu.memory_space<hbm>> -> memref<320xi32, #tpu.memory_space<hbm>>
    %dma_start3A_451 = tpu.memref_slice %arg3[%add3A_449] : memref<204800xi32, #tpu.memory_space<hbm>> -> memref<320xi32, #tpu.memory_space<hbm>>
    tpu.enqueue_dma source(%dma_start3A_451 : memref<320xi32, #tpu.memory_space<hbm>>) target(%arg8 : memref<320xi32, #tpu.memory_space<vmem>>) target_semaphore(%arg14 : memref<!tpu.dma_semaphore, #tpu.memory_space<semaphore_mem>>)
    %dma_start3A_452 = arith.constant 0 : i32
    %dma_start3A_453 = tpu.memref_slice %arg2[%add3A_449, %dma_start3A_452] : memref<204800x128xf32, #tpu.memory_space<hbm>> -> memref<320x128xf32, #tpu.memory_space<hbm>>
    %dma_start3A_454 = arith.constant 0 : i32
    %dma_start3A_455 = tpu.memref_slice %arg2[%add3A_449, %dma_start3A_454] : memref<204800x128xf32, #tpu.memory_space<hbm>> -> memref<320x128xf32, #tpu.memory_space<hbm>>
    tpu.enqueue_dma source(%dma_start3A_455 : memref<320x128xf32, #tpu.memory_space<hbm>>) target(%arg11 : memref<320x128xf32, #tpu.memory_space<vmem>>) target_semaphore(%arg14 : memref<!tpu.dma_semaphore, #tpu.memory_space<semaphore_mem>>)
    %dma_wait3A_456 = tpu.memref_slice %arg3[%add3A_419] : memref<204800xi32, #tpu.memory_space<hbm>> -> memref<320xi32, #tpu.memory_space<hbm>>
    %dma_wait3A_457 = tpu.memref_slice %arg3[%add3A_419] : memref<204800xi32, #tpu.memory_space<hbm>> -> memref<320xi32, #tpu.memory_space<hbm>>
    tpu.wait_dma2 semaphore(%arg13 : memref<!tpu.dma_semaphore, #tpu.memory_space<semaphore_mem>>) src(%dma_wait3A_457 : memref<320xi32, #tpu.memory_space<hbm>>) dst(%arg7 : memref<320xi32, #tpu.memory_space<vmem>>)
    %dma_wait3A_458 = arith.constant 0 : i32
    %dma_wait3A_459 = tpu.memref_slice %arg2[%add3A_419, %dma_wait3A_458] : memref<204800x128xf32, #tpu.memory_space<hbm>> -> memref<320x128xf32, #tpu.memory_space<hbm>>
    %dma_wait3A_460 = arith.constant 0 : i32
    %dma_wait3A_461 = tpu.memref_slice %arg2[%add3A_419, %dma_wait3A_460] : memref<204800x128xf32, #tpu.memory_space<hbm>> -> memref<320x128xf32, #tpu.memory_space<hbm>>
    tpu.wait_dma2 semaphore(%arg13 : memref<!tpu.dma_semaphore, #tpu.memory_space<semaphore_mem>>) src(%dma_wait3A_461 : memref<320x128xf32, #tpu.memory_space<hbm>>) dst(%arg10 : memref<320x128xf32, #tpu.memory_space<vmem>>)
    %dma_start3A_462 = arith.constant 0 : i32
    %dma_start3A_463 = arith.constant 0 : i32
    %dma_start3A_464 = tpu.memref_slice %arg6[%dma_start3A_462, %dma_start3A_463] : memref<48x128xf32, #tpu.memory_space<vmem_shared>> -> memref<48x128xf32, #tpu.memory_space<vmem_shared>>
    tpu.enqueue_indirect_dma source(%dma_start3A_464 : memref<48x128xf32, #tpu.memory_space<vmem_shared>>) target(%arg10 : memref<320x128xf32, #tpu.memory_space<vmem>>) offsets(%arg7 : memref<320xi32, #tpu.memory_space<vmem>>) semaphore(%arg16 : memref<!tpu.dma_semaphore, #tpu.memory_space<semaphore_mem>>) {add = true}
    %dma_wait3A_465 = arith.constant 0 : i32
    %dma_wait3A_466 = arith.constant 0 : i32
    %dma_wait3A_467 = tpu.memref_slice %arg6[%dma_wait3A_465, %dma_wait3A_466] : memref<48x128xf32, #tpu.memory_space<vmem_shared>> -> memref<48x128xf32, #tpu.memory_space<vmem_shared>>
    tpu.wait_indirect_dma semaphore(%arg18 : memref<!tpu.dma_semaphore, #tpu.memory_space<semaphore_mem>>) src(%dma_wait3A_467 : memref<48x128xf32, #tpu.memory_space<vmem_shared>>) dst(%arg12 : memref<320x128xf32, #tpu.memory_space<vmem>>)
    %add3A_468 = arith.constant 4480 : i32
    %add3A_469 = arith.addi %mul3A_2, %add3A_468 : i32
    %dma_start3A_470 = arith.constant 0 : i32
    %dma_start3A_471 = tpu.memref_slice %arg5[%add3A_469, %dma_start3A_470] : memref<204800x128xf32, #tpu.memory_space<hbm>> -> memref<320x128xf32, #tpu.memory_space<hbm>>
    %dma_start3A_472 = arith.constant 0 : i32
    %dma_start3A_473 = tpu.memref_slice %arg5[%add3A_469, %dma_start3A_472] : memref<204800x128xf32, #tpu.memory_space<hbm>> -> memref<320x128xf32, #tpu.memory_space<hbm>>
    tpu.enqueue_dma source(%arg12 : memref<320x128xf32, #tpu.memory_space<vmem>>) target(%dma_start3A_473 : memref<320x128xf32, #tpu.memory_space<hbm>>) target_semaphore(%arg21 : memref<!tpu.dma_semaphore, #tpu.memory_space<semaphore_mem>>)
    %dma_wait3A_474 = arith.constant 0 : i32
    %dma_wait3A_475 = tpu.memref_slice %arg5[%add3A_469, %dma_wait3A_474] : memref<204800x128xf32, #tpu.memory_space<hbm>> -> memref<320x128xf32, #tpu.memory_space<hbm>>
    %dma_wait3A_476 = arith.constant 0 : i32
    %dma_wait3A_477 = tpu.memref_slice %arg5[%add3A_469, %dma_wait3A_476] : memref<204800x128xf32, #tpu.memory_space<hbm>> -> memref<320x128xf32, #tpu.memory_space<hbm>>
    tpu.wait_dma2 semaphore(%arg21 : memref<!tpu.dma_semaphore, #tpu.memory_space<semaphore_mem>>) src(%arg12 : memref<320x128xf32, #tpu.memory_space<vmem>>) dst(%dma_wait3A_477 : memref<320x128xf32, #tpu.memory_space<hbm>>)
    %add3A_478 = arith.constant 5440 : i32
    %add3A_479 = arith.addi %mul3A_2, %add3A_478 : i32
    %dma_start3A_480 = tpu.memref_slice %arg3[%add3A_479] : memref<204800xi32, #tpu.memory_space<hbm>> -> memref<320xi32, #tpu.memory_space<hbm>>
    %dma_start3A_481 = tpu.memref_slice %arg3[%add3A_479] : memref<204800xi32, #tpu.memory_space<hbm>> -> memref<320xi32, #tpu.memory_space<hbm>>
    tpu.enqueue_dma source(%dma_start3A_481 : memref<320xi32, #tpu.memory_space<hbm>>) target(%arg9 : memref<320xi32, #tpu.memory_space<vmem>>) target_semaphore(%arg15 : memref<!tpu.dma_semaphore, #tpu.memory_space<semaphore_mem>>)
    %dma_start3A_482 = arith.constant 0 : i32
    %dma_start3A_483 = tpu.memref_slice %arg2[%add3A_479, %dma_start3A_482] : memref<204800x128xf32, #tpu.memory_space<hbm>> -> memref<320x128xf32, #tpu.memory_space<hbm>>
    %dma_start3A_484 = arith.constant 0 : i32
    %dma_start3A_485 = tpu.memref_slice %arg2[%add3A_479, %dma_start3A_484] : memref<204800x128xf32, #tpu.memory_space<hbm>> -> memref<320x128xf32, #tpu.memory_space<hbm>>
    tpu.enqueue_dma source(%dma_start3A_485 : memref<320x128xf32, #tpu.memory_space<hbm>>) target(%arg12 : memref<320x128xf32, #tpu.memory_space<vmem>>) target_semaphore(%arg15 : memref<!tpu.dma_semaphore, #tpu.memory_space<semaphore_mem>>)
    %dma_wait3A_486 = tpu.memref_slice %arg3[%add3A_449] : memref<204800xi32, #tpu.memory_space<hbm>> -> memref<320xi32, #tpu.memory_space<hbm>>
    %dma_wait3A_487 = tpu.memref_slice %arg3[%add3A_449] : memref<204800xi32, #tpu.memory_space<hbm>> -> memref<320xi32, #tpu.memory_space<hbm>>
    tpu.wait_dma2 semaphore(%arg14 : memref<!tpu.dma_semaphore, #tpu.memory_space<semaphore_mem>>) src(%dma_wait3A_487 : memref<320xi32, #tpu.memory_space<hbm>>) dst(%arg8 : memref<320xi32, #tpu.memory_space<vmem>>)
    %dma_wait3A_488 = arith.constant 0 : i32
    %dma_wait3A_489 = tpu.memref_slice %arg2[%add3A_449, %dma_wait3A_488] : memref<204800x128xf32, #tpu.memory_space<hbm>> -> memref<320x128xf32, #tpu.memory_space<hbm>>
    %dma_wait3A_490 = arith.constant 0 : i32
    %dma_wait3A_491 = tpu.memref_slice %arg2[%add3A_449, %dma_wait3A_490] : memref<204800x128xf32, #tpu.memory_space<hbm>> -> memref<320x128xf32, #tpu.memory_space<hbm>>
    tpu.wait_dma2 semaphore(%arg14 : memref<!tpu.dma_semaphore, #tpu.memory_space<semaphore_mem>>) src(%dma_wait3A_491 : memref<320x128xf32, #tpu.memory_space<hbm>>) dst(%arg11 : memref<320x128xf32, #tpu.memory_space<vmem>>)
    %dma_start3A_492 = arith.constant 0 : i32
    %dma_start3A_493 = arith.constant 0 : i32
    %dma_start3A_494 = tpu.memref_slice %arg6[%dma_start3A_492, %dma_start3A_493] : memref<48x128xf32, #tpu.memory_space<vmem_shared>> -> memref<48x128xf32, #tpu.memory_space<vmem_shared>>
    tpu.enqueue_indirect_dma source(%dma_start3A_494 : memref<48x128xf32, #tpu.memory_space<vmem_shared>>) target(%arg11 : memref<320x128xf32, #tpu.memory_space<vmem>>) offsets(%arg8 : memref<320xi32, #tpu.memory_space<vmem>>) semaphore(%arg17 : memref<!tpu.dma_semaphore, #tpu.memory_space<semaphore_mem>>) {add = true}
    %dma_wait3A_495 = arith.constant 0 : i32
    %dma_wait3A_496 = arith.constant 0 : i32
    %dma_wait3A_497 = tpu.memref_slice %arg6[%dma_wait3A_495, %dma_wait3A_496] : memref<48x128xf32, #tpu.memory_space<vmem_shared>> -> memref<48x128xf32, #tpu.memory_space<vmem_shared>>
    tpu.wait_indirect_dma semaphore(%arg16 : memref<!tpu.dma_semaphore, #tpu.memory_space<semaphore_mem>>) src(%dma_wait3A_497 : memref<48x128xf32, #tpu.memory_space<vmem_shared>>) dst(%arg10 : memref<320x128xf32, #tpu.memory_space<vmem>>)
    %add3A_498 = arith.constant 4800 : i32
    %add3A_499 = arith.addi %mul3A_2, %add3A_498 : i32
    %dma_start3A_500 = arith.constant 0 : i32
    %dma_start3A_501 = tpu.memref_slice %arg5[%add3A_499, %dma_start3A_500] : memref<204800x128xf32, #tpu.memory_space<hbm>> -> memref<320x128xf32, #tpu.memory_space<hbm>>
    %dma_start3A_502 = arith.constant 0 : i32
    %dma_start3A_503 = tpu.memref_slice %arg5[%add3A_499, %dma_start3A_502] : memref<204800x128xf32, #tpu.memory_space<hbm>> -> memref<320x128xf32, #tpu.memory_space<hbm>>
    tpu.enqueue_dma source(%arg10 : memref<320x128xf32, #tpu.memory_space<vmem>>) target(%dma_start3A_503 : memref<320x128xf32, #tpu.memory_space<hbm>>) target_semaphore(%arg19 : memref<!tpu.dma_semaphore, #tpu.memory_space<semaphore_mem>>)
    %dma_wait3A_504 = arith.constant 0 : i32
    %dma_wait3A_505 = tpu.memref_slice %arg5[%add3A_499, %dma_wait3A_504] : memref<204800x128xf32, #tpu.memory_space<hbm>> -> memref<320x128xf32, #tpu.memory_space<hbm>>
    %dma_wait3A_506 = arith.constant 0 : i32
    %dma_wait3A_507 = tpu.memref_slice %arg5[%add3A_499, %dma_wait3A_506] : memref<204800x128xf32, #tpu.memory_space<hbm>> -> memref<320x128xf32, #tpu.memory_space<hbm>>
    tpu.wait_dma2 semaphore(%arg19 : memref<!tpu.dma_semaphore, #tpu.memory_space<semaphore_mem>>) src(%arg10 : memref<320x128xf32, #tpu.memory_space<vmem>>) dst(%dma_wait3A_507 : memref<320x128xf32, #tpu.memory_space<hbm>>)
    %add3A_508 = arith.constant 5760 : i32
    %add3A_509 = arith.addi %mul3A_2, %add3A_508 : i32
    %dma_start3A_510 = tpu.memref_slice %arg3[%add3A_509] : memref<204800xi32, #tpu.memory_space<hbm>> -> memref<320xi32, #tpu.memory_space<hbm>>
    %dma_start3A_511 = tpu.memref_slice %arg3[%add3A_509] : memref<204800xi32, #tpu.memory_space<hbm>> -> memref<320xi32, #tpu.memory_space<hbm>>
    tpu.enqueue_dma source(%dma_start3A_511 : memref<320xi32, #tpu.memory_space<hbm>>) target(%arg7 : memref<320xi32, #tpu.memory_space<vmem>>) target_semaphore(%arg13 : memref<!tpu.dma_semaphore, #tpu.memory_space<semaphore_mem>>)
    %dma_start3A_512 = arith.constant 0 : i32
    %dma_start3A_513 = tpu.memref_slice %arg2[%add3A_509, %dma_start3A_512] : memref<204800x128xf32, #tpu.memory_space<hbm>> -> memref<320x128xf32, #tpu.memory_space<hbm>>
    %dma_start3A_514 = arith.constant 0 : i32
    %dma_start3A_515 = tpu.memref_slice %arg2[%add3A_509, %dma_start3A_514] : memref<204800x128xf32, #tpu.memory_space<hbm>> -> memref<320x128xf32, #tpu.memory_space<hbm>>
    tpu.enqueue_dma source(%dma_start3A_515 : memref<320x128xf32, #tpu.memory_space<hbm>>) target(%arg10 : memref<320x128xf32, #tpu.memory_space<vmem>>) target_semaphore(%arg13 : memref<!tpu.dma_semaphore, #tpu.memory_space<semaphore_mem>>)
    %dma_wait3A_516 = tpu.memref_slice %arg3[%add3A_479] : memref<204800xi32, #tpu.memory_space<hbm>> -> memref<320xi32, #tpu.memory_space<hbm>>
    %dma_wait3A_517 = tpu.memref_slice %arg3[%add3A_479] : memref<204800xi32, #tpu.memory_space<hbm>> -> memref<320xi32, #tpu.memory_space<hbm>>
    tpu.wait_dma2 semaphore(%arg15 : memref<!tpu.dma_semaphore, #tpu.memory_space<semaphore_mem>>) src(%dma_wait3A_517 : memref<320xi32, #tpu.memory_space<hbm>>) dst(%arg9 : memref<320xi32, #tpu.memory_space<vmem>>)
    %dma_wait3A_518 = arith.constant 0 : i32
    %dma_wait3A_519 = tpu.memref_slice %arg2[%add3A_479, %dma_wait3A_518] : memref<204800x128xf32, #tpu.memory_space<hbm>> -> memref<320x128xf32, #tpu.memory_space<hbm>>
    %dma_wait3A_520 = arith.constant 0 : i32
    %dma_wait3A_521 = tpu.memref_slice %arg2[%add3A_479, %dma_wait3A_520] : memref<204800x128xf32, #tpu.memory_space<hbm>> -> memref<320x128xf32, #tpu.memory_space<hbm>>
    tpu.wait_dma2 semaphore(%arg15 : memref<!tpu.dma_semaphore, #tpu.memory_space<semaphore_mem>>) src(%dma_wait3A_521 : memref<320x128xf32, #tpu.memory_space<hbm>>) dst(%arg12 : memref<320x128xf32, #tpu.memory_space<vmem>>)
    %dma_start3A_522 = arith.constant 0 : i32
    %dma_start3A_523 = arith.constant 0 : i32
    %dma_start3A_524 = tpu.memref_slice %arg6[%dma_start3A_522, %dma_start3A_523] : memref<48x128xf32, #tpu.memory_space<vmem_shared>> -> memref<48x128xf32, #tpu.memory_space<vmem_shared>>
    tpu.enqueue_indirect_dma source(%dma_start3A_524 : memref<48x128xf32, #tpu.memory_space<vmem_shared>>) target(%arg12 : memref<320x128xf32, #tpu.memory_space<vmem>>) offsets(%arg9 : memref<320xi32, #tpu.memory_space<vmem>>) semaphore(%arg18 : memref<!tpu.dma_semaphore, #tpu.memory_space<semaphore_mem>>) {add = true}
    %dma_wait3A_525 = arith.constant 0 : i32
    %dma_wait3A_526 = arith.constant 0 : i32
    %dma_wait3A_527 = tpu.memref_slice %arg6[%dma_wait3A_525, %dma_wait3A_526] : memref<48x128xf32, #tpu.memory_space<vmem_shared>> -> memref<48x128xf32, #tpu.memory_space<vmem_shared>>
    tpu.wait_indirect_dma semaphore(%arg17 : memref<!tpu.dma_semaphore, #tpu.memory_space<semaphore_mem>>) src(%dma_wait3A_527 : memref<48x128xf32, #tpu.memory_space<vmem_shared>>) dst(%arg11 : memref<320x128xf32, #tpu.memory_space<vmem>>)
    %add3A_528 = arith.constant 5120 : i32
    %add3A_529 = arith.addi %mul3A_2, %add3A_528 : i32
    %dma_start3A_530 = arith.constant 0 : i32
    %dma_start3A_531 = tpu.memref_slice %arg5[%add3A_529, %dma_start3A_530] : memref<204800x128xf32, #tpu.memory_space<hbm>> -> memref<320x128xf32, #tpu.memory_space<hbm>>
    %dma_start3A_532 = arith.constant 0 : i32
    %dma_start3A_533 = tpu.memref_slice %arg5[%add3A_529, %dma_start3A_532] : memref<204800x128xf32, #tpu.memory_space<hbm>> -> memref<320x128xf32, #tpu.memory_space<hbm>>
    tpu.enqueue_dma source(%arg11 : memref<320x128xf32, #tpu.memory_space<vmem>>) target(%dma_start3A_533 : memref<320x128xf32, #tpu.memory_space<hbm>>) target_semaphore(%arg20 : memref<!tpu.dma_semaphore, #tpu.memory_space<semaphore_mem>>)
    %dma_wait3A_534 = arith.constant 0 : i32
    %dma_wait3A_535 = tpu.memref_slice %arg5[%add3A_529, %dma_wait3A_534] : memref<204800x128xf32, #tpu.memory_space<hbm>> -> memref<320x128xf32, #tpu.memory_space<hbm>>
    %dma_wait3A_536 = arith.constant 0 : i32
    %dma_wait3A_537 = tpu.memref_slice %arg5[%add3A_529, %dma_wait3A_536] : memref<204800x128xf32, #tpu.memory_space<hbm>> -> memref<320x128xf32, #tpu.memory_space<hbm>>
    tpu.wait_dma2 semaphore(%arg20 : memref<!tpu.dma_semaphore, #tpu.memory_space<semaphore_mem>>) src(%arg11 : memref<320x128xf32, #tpu.memory_space<vmem>>) dst(%dma_wait3A_537 : memref<320x128xf32, #tpu.memory_space<hbm>>)
    %add3A_538 = arith.constant 6080 : i32
    %add3A_539 = arith.addi %mul3A_2, %add3A_538 : i32
    %dma_start3A_540 = tpu.memref_slice %arg3[%add3A_539] : memref<204800xi32, #tpu.memory_space<hbm>> -> memref<320xi32, #tpu.memory_space<hbm>>
    %dma_start3A_541 = tpu.memref_slice %arg3[%add3A_539] : memref<204800xi32, #tpu.memory_space<hbm>> -> memref<320xi32, #tpu.memory_space<hbm>>
    tpu.enqueue_dma source(%dma_start3A_541 : memref<320xi32, #tpu.memory_space<hbm>>) target(%arg8 : memref<320xi32, #tpu.memory_space<vmem>>) target_semaphore(%arg14 : memref<!tpu.dma_semaphore, #tpu.memory_space<semaphore_mem>>)
    %dma_start3A_542 = arith.constant 0 : i32
    %dma_start3A_543 = tpu.memref_slice %arg2[%add3A_539, %dma_start3A_542] : memref<204800x128xf32, #tpu.memory_space<hbm>> -> memref<320x128xf32, #tpu.memory_space<hbm>>
    %dma_start3A_544 = arith.constant 0 : i32
    %dma_start3A_545 = tpu.memref_slice %arg2[%add3A_539, %dma_start3A_544] : memref<204800x128xf32, #tpu.memory_space<hbm>> -> memref<320x128xf32, #tpu.memory_space<hbm>>
    tpu.enqueue_dma source(%dma_start3A_545 : memref<320x128xf32, #tpu.memory_space<hbm>>) target(%arg11 : memref<320x128xf32, #tpu.memory_space<vmem>>) target_semaphore(%arg14 : memref<!tpu.dma_semaphore, #tpu.memory_space<semaphore_mem>>)
    %dma_wait3A_546 = tpu.memref_slice %arg3[%add3A_509] : memref<204800xi32, #tpu.memory_space<hbm>> -> memref<320xi32, #tpu.memory_space<hbm>>
    %dma_wait3A_547 = tpu.memref_slice %arg3[%add3A_509] : memref<204800xi32, #tpu.memory_space<hbm>> -> memref<320xi32, #tpu.memory_space<hbm>>
    tpu.wait_dma2 semaphore(%arg13 : memref<!tpu.dma_semaphore, #tpu.memory_space<semaphore_mem>>) src(%dma_wait3A_547 : memref<320xi32, #tpu.memory_space<hbm>>) dst(%arg7 : memref<320xi32, #tpu.memory_space<vmem>>)
    %dma_wait3A_548 = arith.constant 0 : i32
    %dma_wait3A_549 = tpu.memref_slice %arg2[%add3A_509, %dma_wait3A_548] : memref<204800x128xf32, #tpu.memory_space<hbm>> -> memref<320x128xf32, #tpu.memory_space<hbm>>
    %dma_wait3A_550 = arith.constant 0 : i32
    %dma_wait3A_551 = tpu.memref_slice %arg2[%add3A_509, %dma_wait3A_550] : memref<204800x128xf32, #tpu.memory_space<hbm>> -> memref<320x128xf32, #tpu.memory_space<hbm>>
    tpu.wait_dma2 semaphore(%arg13 : memref<!tpu.dma_semaphore, #tpu.memory_space<semaphore_mem>>) src(%dma_wait3A_551 : memref<320x128xf32, #tpu.memory_space<hbm>>) dst(%arg10 : memref<320x128xf32, #tpu.memory_space<vmem>>)
    %dma_start3A_552 = arith.constant 0 : i32
    %dma_start3A_553 = arith.constant 0 : i32
    %dma_start3A_554 = tpu.memref_slice %arg6[%dma_start3A_552, %dma_start3A_553] : memref<48x128xf32, #tpu.memory_space<vmem_shared>> -> memref<48x128xf32, #tpu.memory_space<vmem_shared>>
    tpu.enqueue_indirect_dma source(%dma_start3A_554 : memref<48x128xf32, #tpu.memory_space<vmem_shared>>) target(%arg10 : memref<320x128xf32, #tpu.memory_space<vmem>>) offsets(%arg7 : memref<320xi32, #tpu.memory_space<vmem>>) semaphore(%arg16 : memref<!tpu.dma_semaphore, #tpu.memory_space<semaphore_mem>>) {add = true}
    %dma_wait3A_555 = arith.constant 0 : i32
    %dma_wait3A_556 = arith.constant 0 : i32
    %dma_wait3A_557 = tpu.memref_slice %arg6[%dma_wait3A_555, %dma_wait3A_556] : memref<48x128xf32, #tpu.memory_space<vmem_shared>> -> memref<48x128xf32, #tpu.memory_space<vmem_shared>>
    tpu.wait_indirect_dma semaphore(%arg18 : memref<!tpu.dma_semaphore, #tpu.memory_space<semaphore_mem>>) src(%dma_wait3A_557 : memref<48x128xf32, #tpu.memory_space<vmem_shared>>) dst(%arg12 : memref<320x128xf32, #tpu.memory_space<vmem>>)
    %add3A_558 = arith.constant 5440 : i32
    %add3A_559 = arith.addi %mul3A_2, %add3A_558 : i32
    %dma_start3A_560 = arith.constant 0 : i32
    %dma_start3A_561 = tpu.memref_slice %arg5[%add3A_559, %dma_start3A_560] : memref<204800x128xf32, #tpu.memory_space<hbm>> -> memref<320x128xf32, #tpu.memory_space<hbm>>
    %dma_start3A_562 = arith.constant 0 : i32
    %dma_start3A_563 = tpu.memref_slice %arg5[%add3A_559, %dma_start3A_562] : memref<204800x128xf32, #tpu.memory_space<hbm>> -> memref<320x128xf32, #tpu.memory_space<hbm>>
    tpu.enqueue_dma source(%arg12 : memref<320x128xf32, #tpu.memory_space<vmem>>) target(%dma_start3A_563 : memref<320x128xf32, #tpu.memory_space<hbm>>) target_semaphore(%arg21 : memref<!tpu.dma_semaphore, #tpu.memory_space<semaphore_mem>>)
    %dma_wait3A_564 = tpu.memref_slice %arg3[%add3A_539] : memref<204800xi32, #tpu.memory_space<hbm>> -> memref<320xi32, #tpu.memory_space<hbm>>
    %dma_wait3A_565 = tpu.memref_slice %arg3[%add3A_539] : memref<204800xi32, #tpu.memory_space<hbm>> -> memref<320xi32, #tpu.memory_space<hbm>>
    tpu.wait_dma2 semaphore(%arg14 : memref<!tpu.dma_semaphore, #tpu.memory_space<semaphore_mem>>) src(%dma_wait3A_565 : memref<320xi32, #tpu.memory_space<hbm>>) dst(%arg8 : memref<320xi32, #tpu.memory_space<vmem>>)
    %dma_wait3A_566 = arith.constant 0 : i32
    %dma_wait3A_567 = tpu.memref_slice %arg2[%add3A_539, %dma_wait3A_566] : memref<204800x128xf32, #tpu.memory_space<hbm>> -> memref<320x128xf32, #tpu.memory_space<hbm>>
    %dma_wait3A_568 = arith.constant 0 : i32
    %dma_wait3A_569 = tpu.memref_slice %arg2[%add3A_539, %dma_wait3A_568] : memref<204800x128xf32, #tpu.memory_space<hbm>> -> memref<320x128xf32, #tpu.memory_space<hbm>>
    tpu.wait_dma2 semaphore(%arg14 : memref<!tpu.dma_semaphore, #tpu.memory_space<semaphore_mem>>) src(%dma_wait3A_569 : memref<320x128xf32, #tpu.memory_space<hbm>>) dst(%arg11 : memref<320x128xf32, #tpu.memory_space<vmem>>)
    %dma_start3A_570 = arith.constant 0 : i32
    %dma_start3A_571 = arith.constant 0 : i32
    %dma_start3A_572 = tpu.memref_slice %arg6[%dma_start3A_570, %dma_start3A_571] : memref<48x128xf32, #tpu.memory_space<vmem_shared>> -> memref<48x128xf32, #tpu.memory_space<vmem_shared>>
    tpu.enqueue_indirect_dma source(%dma_start3A_572 : memref<48x128xf32, #tpu.memory_space<vmem_shared>>) target(%arg11 : memref<320x128xf32, #tpu.memory_space<vmem>>) offsets(%arg8 : memref<320xi32, #tpu.memory_space<vmem>>) semaphore(%arg17 : memref<!tpu.dma_semaphore, #tpu.memory_space<semaphore_mem>>) {add = true}
    %dma_wait3A_573 = arith.constant 0 : i32
    %dma_wait3A_574 = arith.constant 0 : i32
    %dma_wait3A_575 = tpu.memref_slice %arg6[%dma_wait3A_573, %dma_wait3A_574] : memref<48x128xf32, #tpu.memory_space<vmem_shared>> -> memref<48x128xf32, #tpu.memory_space<vmem_shared>>
    tpu.wait_indirect_dma semaphore(%arg16 : memref<!tpu.dma_semaphore, #tpu.memory_space<semaphore_mem>>) src(%dma_wait3A_575 : memref<48x128xf32, #tpu.memory_space<vmem_shared>>) dst(%arg10 : memref<320x128xf32, #tpu.memory_space<vmem>>)
    %add3A_576 = arith.constant 5760 : i32
    %add3A_577 = arith.addi %mul3A_2, %add3A_576 : i32
    %dma_start3A_578 = arith.constant 0 : i32
    %dma_start3A_579 = tpu.memref_slice %arg5[%add3A_577, %dma_start3A_578] : memref<204800x128xf32, #tpu.memory_space<hbm>> -> memref<320x128xf32, #tpu.memory_space<hbm>>
    %dma_start3A_580 = arith.constant 0 : i32
    %dma_start3A_581 = tpu.memref_slice %arg5[%add3A_577, %dma_start3A_580] : memref<204800x128xf32, #tpu.memory_space<hbm>> -> memref<320x128xf32, #tpu.memory_space<hbm>>
    tpu.enqueue_dma source(%arg10 : memref<320x128xf32, #tpu.memory_space<vmem>>) target(%dma_start3A_581 : memref<320x128xf32, #tpu.memory_space<hbm>>) target_semaphore(%arg19 : memref<!tpu.dma_semaphore, #tpu.memory_space<semaphore_mem>>)
    %dma_wait3A_582 = arith.constant 0 : i32
    %dma_wait3A_583 = arith.constant 0 : i32
    %dma_wait3A_584 = tpu.memref_slice %arg6[%dma_wait3A_582, %dma_wait3A_583] : memref<48x128xf32, #tpu.memory_space<vmem_shared>> -> memref<48x128xf32, #tpu.memory_space<vmem_shared>>
    tpu.wait_indirect_dma semaphore(%arg17 : memref<!tpu.dma_semaphore, #tpu.memory_space<semaphore_mem>>) src(%dma_wait3A_584 : memref<48x128xf32, #tpu.memory_space<vmem_shared>>) dst(%arg11 : memref<320x128xf32, #tpu.memory_space<vmem>>)
    %add3A_585 = arith.constant 6080 : i32
    %add3A_586 = arith.addi %mul3A_2, %add3A_585 : i32
    %dma_start3A_587 = arith.constant 0 : i32
    %dma_start3A_588 = tpu.memref_slice %arg5[%add3A_586, %dma_start3A_587] : memref<204800x128xf32, #tpu.memory_space<hbm>> -> memref<320x128xf32, #tpu.memory_space<hbm>>
    %dma_start3A_589 = arith.constant 0 : i32
    %dma_start3A_590 = tpu.memref_slice %arg5[%add3A_586, %dma_start3A_589] : memref<204800x128xf32, #tpu.memory_space<hbm>> -> memref<320x128xf32, #tpu.memory_space<hbm>>
    tpu.enqueue_dma source(%arg11 : memref<320x128xf32, #tpu.memory_space<vmem>>) target(%dma_start3A_590 : memref<320x128xf32, #tpu.memory_space<hbm>>) target_semaphore(%arg20 : memref<!tpu.dma_semaphore, #tpu.memory_space<semaphore_mem>>)
    %dma_wait3A_591 = arith.constant 0 : i32
    %dma_wait3A_592 = tpu.memref_slice %arg5[%add3A_577, %dma_wait3A_591] : memref<204800x128xf32, #tpu.memory_space<hbm>> -> memref<320x128xf32, #tpu.memory_space<hbm>>
    %dma_wait3A_593 = arith.constant 0 : i32
    %dma_wait3A_594 = tpu.memref_slice %arg5[%add3A_577, %dma_wait3A_593] : memref<204800x128xf32, #tpu.memory_space<hbm>> -> memref<320x128xf32, #tpu.memory_space<hbm>>
    tpu.wait_dma2 semaphore(%arg19 : memref<!tpu.dma_semaphore, #tpu.memory_space<semaphore_mem>>) src(%arg10 : memref<320x128xf32, #tpu.memory_space<vmem>>) dst(%dma_wait3A_594 : memref<320x128xf32, #tpu.memory_space<hbm>>)
    %dma_wait3A_595 = arith.constant 0 : i32
    %dma_wait3A_596 = tpu.memref_slice %arg5[%add3A_586, %dma_wait3A_595] : memref<204800x128xf32, #tpu.memory_space<hbm>> -> memref<320x128xf32, #tpu.memory_space<hbm>>
    %dma_wait3A_597 = arith.constant 0 : i32
    %dma_wait3A_598 = tpu.memref_slice %arg5[%add3A_586, %dma_wait3A_597] : memref<204800x128xf32, #tpu.memory_space<hbm>> -> memref<320x128xf32, #tpu.memory_space<hbm>>
    tpu.wait_dma2 semaphore(%arg20 : memref<!tpu.dma_semaphore, #tpu.memory_space<semaphore_mem>>) src(%arg11 : memref<320x128xf32, #tpu.memory_space<vmem>>) dst(%dma_wait3A_598 : memref<320x128xf32, #tpu.memory_space<hbm>>)
    %dma_wait3A_599 = arith.constant 0 : i32
    %dma_wait3A_600 = tpu.memref_slice %arg5[%add3A_559, %dma_wait3A_599] : memref<204800x128xf32, #tpu.memory_space<hbm>> -> memref<320x128xf32, #tpu.memory_space<hbm>>
    %dma_wait3A_601 = arith.constant 0 : i32
    %dma_wait3A_602 = tpu.memref_slice %arg5[%add3A_559, %dma_wait3A_601] : memref<204800x128xf32, #tpu.memory_space<hbm>> -> memref<320x128xf32, #tpu.memory_space<hbm>>
    tpu.wait_dma2 semaphore(%arg21 : memref<!tpu.dma_semaphore, #tpu.memory_space<semaphore_mem>>) src(%arg12 : memref<320x128xf32, #tpu.memory_space<vmem>>) dst(%dma_wait3A_602 : memref<320x128xf32, #tpu.memory_space<hbm>>)
    return
  }
}

</mosaic_0001>

<sc_bundles>
// kernel: _run.3.cloned.1.call-start
scs
__scs_entry_jumppad:
0x0: {  	(pc) =	sbr.rel $0x88, $3  }
0x1: {  	(tag) =	ssettag $0x0;
	lr =	simm.s32 $0x1  }
0x2: {  	[smem:$0x3F9E] =	sst lr;
	_ =	strace $0xD0000000  }
0x3: {  	_ = 	snop  }
0x4: {  	_ = 	snop  }
0x5: {  	_ = 	snop  }
0x6: {  	_ = 	snop  }
0x7: {  	_ = 	snop  }
__scs_overlays_trampoline_lowered:
0x8: {  	[smem:$0x3FAD] =	sst s0  }
0x9: {  	[smem:$0x3FAE] =	sst s1  }
0xa: {  	[smem:$0x3FAF] =	sst s2  }
0xb: {  	[smem:$0x3FB0] =	sst s3  }
0xc: {  	[smem:$0x3FB1] =	sst s4  }
0xd: {  	[smem:$0x3FB2] =	sst s5  }
0xe: {  	[smem:$0x3FB3] =	sst s6  }
0xf: {  	[smem:$0x3FB4] =	sst s7  }
0x10: {  	[smem:$0x3FB5] =	sst s8  }
0x11: {  	[smem:$0x3FB6] =	sst s9;
	s0 =	simm.s32 @!p0 $0x0  }
0x12: {  	s1 =	sld [smem:$0x3F9C];
	s0 =	simm.s32 @p0 $0x1  }
0x13: {  	[smem:$0x3FB7] =	sst s0;
	s0 =	simm.s32 @!p1 $0x0  }
0x14: {  	s2 =	sld [smem:$0x3F9B];
	s0 =	simm.s32 @p1 $0x1  }
0x15: {  	[smem:$0x3FB8] =	sst s0;
	s0 =	simm.s32 @!p2 $0x0  }
0x16: {  	s3 =	sld [smem:$0x3FDB];
	s0 =	simm.s32 @p2 $0x1  }
0x17: {  	s4 =	simm.s32 $0x1BF5;
	[smem:$0x3FBA] =	sst s0  }
0x18: {  	s0 =	sld [smem:$0x3F9D];
	_ =	swait.ge [sflag:s4], $0x0  }
0x19: {  	s7 =	sld [smem:$0x3F9E]  }
0x1a: {  	s8 =	sadd.s32 $0xFFFFE003, lr  }
0x1b: {  	s9 =	sadd.s32 $0xFFFFFEF7, lr;
	s5 =	simm.s32 $0xFFFFFFFF;
	p2 =	slt.u32 s8, $0xFFFFF086  }
0x1c: {  	p1 =	slt.u32 s9, $0xF7A;
	s5 =	simm.s32 @!p2 $0x0  }
0x1d: {  	s5 =	simm.s32 @p1 $0x1;
	p0 =	seq.s32 s7, s2  }
0x1e: {  	s7 =	smul.u32 @!p0 $0xF7A, s2;
	p2 =	seq.s32 @!p0 s5, $0x0  }
0x1f: {  	s9 =	smul.u32 $0xF7A, s1;
	s8 =	simm.s32 @!p0 $0x1BF5;
	p2 =	por !p2, p0  }
0x20: {  	[sflag:s8] =	ssyncset.s32 @!p0 $0xFFFFF086;
	s6 =	sadd.s32 @!p0 s3, s7;
	s7 =	simm.s32 @!p0 $0x108  }
0x21: {  	s3 =	sadd.s32 s3, s9;
	s6 =	sadd.s32 @!p0 $0x88, s6;
	s7 =	simm.s32 @p2 $0x1082  }
0x22: {  	[simem:s7], [sflag:s8] =	dma.local @!p0 [hbm:s6], $0xF7A  }
0x23: {  	s9 =	sor.u32 $0xD0000000, s2;
	s6 =	simm.s32 $0x108;
	_ =	swait.ge @!p0 [sflag:s8], $0x0  }
0x24: {  	s3 =	sadd.s32 $0x88, s3;
	s6 =	simm.s32 @!p1 $0x1082;
	[sflag:s4] =	ssyncset.s32 $0xFFFFF086  }
0x25: {  	[simem:s6], [sflag:s4] =	dma.local [hbm:s3], $0xF7A  }
0x26: {  	[smem:$0x3F9E] =	sst s1;
	(tag) =	ssettag s2;
	_ =	strace s9  }
0x27: {  	s1 =	sld [smem:$0x3FAE]  }
0x28: {  	s2 =	sld [smem:$0x3FAF]  }
0x29: {  	s4 =	sld [smem:$0x3FB1]  }
0x2a: {  	p0 =	seq.s32 s5, $0x0;
	s5 =	sld [smem:$0x3FB2]  }
0x2b: {  	s6 =	sld [smem:$0x3FB3]  }
0x2c: {  	s7 =	sld [smem:$0x3FB4]  }
0x2d: {  	s3 =	simm.s32 $0x108;
	s8 =	sld [smem:$0x3FB5]  }
0x2e: {  	s3 =	simm.s32 @!p0 $0x1082;
	s9 =	sld [smem:$0x3FB6]  }
0x2f: {  	lr =	sadd.s32 s0, s3;
	s0 =	sld [smem:$0x3FAD]  }
0x30: {  	s3 =	sld [smem:$0x3FB0]  }
0x31: {  	[smem:$0x3FB9] =	sst s10  }
0x32: {  	s10 =	sld [smem:$0x3FB7];
	_ =	sdelay $0x3  }
0x33: {  	p0 =	seq.s32 s10, $0x1;
	s10 =	sld [smem:$0x3FB9];
	_ =	sdelay $0x3  }
0x34: {  	[smem:$0x3FB9] =	sst s10  }
0x35: {  	s10 =	sld [smem:$0x3FB8];
	_ =	sdelay $0x3  }
0x36: {  	p1 =	seq.s32 s10, $0x1;
	s10 =	sld [smem:$0x3FB9];
	_ =	sdelay $0x3  }
0x37: {  	[smem:$0x3FB9] =	sst s10  }
0x38: {  	s10 =	sld [smem:$0x3FBA]  }
0x39: {  	_ = 	snop;
	(pc) =	sbr.ind lr, $3  }
0x3a: {  	_ = 	snop  }
0x3b: {  	_ = 	snop  }
0x3c: {  	p2 =	seq.s32 s10, $0x1;
	s10 =	sld [smem:$0x3FB9]  }
0x3d: {  	_ =	shalt  }
0x3e: {  	_ =	shalt  }
0x3f: {  	_ =	shalt  }
0x40: {  	_ =	shalt  }
0x41: {  	_ =	shalt  }
0x42: {  	_ =	shalt  }
0x43: {  	_ =	shalt  }
0x44: {  	_ =	shalt  }
0x45: {  	_ =	shalt  }
0x46: {  	_ =	shalt  }
0x47: {  	_ =	shalt  }
0x48: {  	_ =	shalt  }
0x49: {  	_ =	shalt  }
0x4a: {  	_ =	shalt  }
0x4b: {  	_ =	shalt  }
0x4c: {  	_ =	shalt  }
0x4d: {  	_ =	shalt  }
0x4e: {  	_ =	shalt  }
0x4f: {  	_ =	shalt  }
0x50: {  	_ =	shalt  }
0x51: {  	_ =	shalt  }
0x52: {  	_ =	shalt  }
0x53: {  	_ =	shalt  }
0x54: {  	_ =	shalt  }
0x55: {  	_ =	shalt  }
0x56: {  	_ =	shalt  }
0x57: {  	_ =	shalt  }
0x58: {  	_ =	shalt  }
0x59: {  	_ =	shalt  }
0x5a: {  	_ =	shalt  }
0x5b: {  	_ =	shalt  }
0x5c: {  	_ =	shalt  }
0x5d: {  	_ =	shalt  }
0x5e: {  	_ =	shalt  }
0x5f: {  	_ =	shalt  }
0x60: {  	_ =	shalt  }
0x61: {  	_ =	shalt  }
0x62: {  	_ =	shalt  }
0x63: {  	_ =	shalt  }
0x64: {  	_ =	shalt  }
0x65: {  	_ =	shalt  }
0x66: {  	_ =	shalt  }
0x67: {  	_ =	shalt  }
0x68: {  	_ =	shalt  }
0x69: {  	_ =	shalt  }
0x6a: {  	_ =	shalt  }
0x6b: {  	_ =	shalt  }
0x6c: {  	_ =	shalt  }
0x6d: {  	_ =	shalt  }
0x6e: {  	_ =	shalt  }
0x6f: {  	_ =	shalt  }
0x70: {  	_ =	shalt  }
0x71: {  	_ =	shalt  }
0x72: {  	_ =	shalt  }
0x73: {  	_ =	shalt  }
0x74: {  	_ =	shalt  }
0x75: {  	_ =	shalt  }
0x76: {  	_ =	shalt  }
0x77: {  	_ =	shalt  }
0x78: {  	_ =	shalt  }
0x79: {  	_ =	shalt  }
0x7a: {  	_ =	shalt  }
0x7b: {  	_ =	shalt  }
0x7c: {  	_ =	shalt  }
0x7d: {  	_ =	shalt  }
0x7e: {  	_ =	shalt  }
0x7f: {  	_ =	shalt  }
0x80: {  	_ =	shalt  }
0x81: {  	_ =	shalt  }
0x82: {  	_ =	shalt  }
0x83: {  	_ =	shalt  }
0x84: {  	_ =	shalt  }
0x85: {  	_ =	shalt  }
0x86: {  	_ =	shalt  }
0x87: {  	_ =	shalt  }
.Lfunc_end0:
.L_simem_size_0:
called_computation_lowered:
.L_overlay_start_0:
0x88: {  	s2 =	sld [smem:$0x3FD9]  }
0x89: {  	s3 =	sld [smem:$0x3FFE];
	_ =	sdelay $0x1  }
0x8a: {  	s1 =	srdreg.scid  }
0x8b: {  	s0 =	sand.u32 $0x1, s1  }
0x8c: {  	s18 =	sshll.u32 s0, $0xA;
	s2 =	sadd.s32 s3, s2  }
0x8d: {  	s2 =	sadd.s32 s2, s18  }
0x8e: {  	[smem:$0x3FC5] =	sst s2  }
0x8f: {  	_ = 	snop  }
0x90: {  	s2 =	sld [smem:$0x3FC9]  }
0x91: {  	s19 =	sld [smem:$0x3FC8]  }
0x92: {  	s4 =	sld [smem:$0x3FC7]  }
0x93: {  	s5 =	sld [smem:$0x3FD0];
	(tm) =	ssettm $0x1  }
0x94: {  	s6 =	sld [smem:$0x3FFB];
	_ =	sdelay $0x3  }
0x95: {  	_ =	strace s6  }
0x96: {  	s6 =	sld [smem:$0x3FFC];
	_ =	sdelay $0x3  }
0x97: {  	_ =	strace s6  }
0x98: {  	s6 =	sld [smem:$0x3FFD];
	_ =	sdelay $0x3  }
0x99: {  	_ =	strace s6  }
0x9a: {  	_ =	strace $0x8FFFFFFF  }
0x9b: {  	s20 =	sld [smem:$0x3FDB];
	_ =	sdelay $0x1  }
0x9c: {  	s7 =	simm.s32 $_scs_section_size  }
0x9d: {  	s8 =	simm.s32 $_size__tile_overlayer_lowered;
	s9 =	simm.s32 $_tile_overlayer_lowered  }
0x9e: {  	s23 =	simm.s32 $0x1BFF;
	s22 =	sshll.u32 s9, $0x1;
	s6 =	sadd.s32 s7, s20  }
0x9f: {  	s10 =	simm.s32 $0x0;
	s21 =	sshll.u32 s8, $0x1;
	s8 =	sadd.s32 s22, s6  }
0xa0: {  	[timem:s10], [sflag:s23] =	dma.local [hbm:s8], s21  }
0xa1: {  	_ =	swait.ge [sflag:s23], s21  }
0xa2: {  	s7 =	ssub.s32 $0x0, s21;
	[sflag:s23] =	ssyncset.done $0x0  }
0xa3: {  	[sflag:s23] =	ssyncadd.s32 s7;
	_ =	sdelay $0x1  }
0xa4: {  	s24 =	simm.s32 $0x1B8B  }
0xa5: {  	_ =	swait.ge [sflag:s24], $0x1  }
0xa6: {  	[sflag:s24] =	ssyncset.done $0x0  }
0xa7: {  	s25 =	simm.s32 $0x1B8E;
	[sflag:s24] =	ssyncadd.s32 $0xFFFFFFFF  }
0xa8: {  	s26 =	simm.s32 $execute0_lowered;
	[smem:$0x3FD2] =	sst s25  }
0xa9: {  	s7 =	sshll.u32 s26, $0x1;
	_ =	strace $0x80000046;
	[dreg:$0x1] =	wrdreg $0xFFFFFFFF  }
0xaa: {  	s28 =	simm.s32 $_size_execute0_lowered;
	s6 =	sadd.s32 s6, s7;
	[dreg:$0x0] =	wrdreg $0x0  }
0xab: {  	s7 =	sshll.u32 s28, $0x1;
	[dreg:$0x2] =	wrdreg s6  }
0xac: {  	[dreg:$0x3] =	wrdreg s7  }
0xad: {  	[dreg:$0x4] =	wrdreg $0xC0  }
0xae: {  	_ =	task [dreg:s10], $0x5FFFF  }
0xaf: {  	[dreg:$0x1] =	wrdreg $0xFFFFFFFF  }
0xb0: {  	[dreg:$0x0] =	wrdreg $0x60  }
0xb1: {  	[dreg:$0x2] =	wrdreg s2  }
0xb2: {  	[dreg:$0x3] =	wrdreg s19  }
0xb3: {  	[dreg:$0x4] =	wrdreg s4  }
0xb4: {  	[dreg:$0x5] =	wrdreg s5  }
0xb5: {  	[dreg:$0x6] =	wrdreg $0x0  }
0xb6: {  	[dreg:$0x7] =	wrdreg $0x9  }
0xb7: {  	_ =	task.clear_ibuf [dreg:s10], $0x8FFFF;
	_ =	strace $0x90000046  }
0xb8: {  	s29 =	simm.s32 $0x9;
	_ =	strace $0x80000048  }
0xb9: {  	_ =	swait.ge [sflag:s29], $0x1  }
0xba: {  	[sflag:s29] =	ssyncadd.s32 $0xFFFFFFFF  }
0xbb: {  	_ =	strace $0x90000048  }
0xbc: {  	_ =	sfence  }
0xbd: {  	s30 =	sld [smem:$0x0];
	_ =	sdelay $0x2  }
0xbe: {  	s31 =	sshll.u32 s1, $0xD;
	s1 =	sshrl.u32 s1, $0x2  }
0xbf: {  	s3 =	sand.u32 $0x4000, s31;
	s1 =	sadd.s32 s1, s30  }
0xc0: {  	s0 =	sor.u32 s3, s0;
	s1 =	sshll.u32 s1, $0x11  }
0xc1: {  	s0 =	sor.u32 s1, s0  }
0xc2: {  	s0 =	sadd.s32 $0x8F2B, s0  }
0xc3: {  	[sflag:s0] =	ssyncadd.remote.s32 $0x1  }
0xc4: {  	_ =	sfence.sel $0xFFFF  }
0xc5: {  	[dreg:$0x0] =	wrdreg $0xFFFFFFFF;
	(pc) =	sbr.abs _section_cstart, $3  }
0xc6: {  	[dreg:$0x1] =	wrdreg $0xFFFFFFFF  }
0xc7: {  	_ =	task.clear_ibuf [dreg:s10], $0x2FFFF;
	_ =	strace $0x9FFFFFFF  }
0xc8: {  	(tm) =	ssettm $0x7FFFFFFF  }
0xc9: {  	_ =	shalt  }
tec
execute0_lowered:
.L_overlay_start_1:
0x0: {  	(tag) =	ssettag $0x1  }
0x1: {  	s3 =	rddreg [dreg:$0x0]  }
0x2: {  	s4 =	rddreg [dreg:$0x1]  }
0x3: {  	s0 =	rddreg [dreg:$0x2]  }
0x4: {  	s1 =	srdreg.scid;
	s6 =	rddreg [dreg:$0x3]  }
0x5: {  	s5 =	stileid.u32;
	s2 =	rddreg [dreg:$0x4]  }
0x6: {  	s29 =	rddreg [dreg:$0x5];
	s8 =	sand.u32 $0x1, s1;
	s21 =	sshll.u32 s5, $0x1  }
0x7: {  	p1 =	por $0x0, $0x0;
	[dreg:$0x6] =	wrdreg s0;
	s0 =	sor.u32 s8, s21  }
0x8: {  	s1 =	simm.s32 $0x0;
	p0 =	sne.s32 s5, $0x0;
	s7 =	smul.u32 $0x1900, s0  }
0x9: {  	s5 =	simm.s32 $0xA600;
	[smem:$0x7FF] =	sst s1;
	s0 =	smul.u32 $0x19000, s0  }
0xa: {  	s8 =	ssub.s32 $0x2, s8;
	_ =	strace $0x80000047;
	s9 =	sshrl.u32 s7, $0x3  }
0xb: {  	s22 =	sadd.s32 s3, s0;
	s10 =	sadd.s32 $0x140, s7;
	s11 =	sadd.s32 $0x280, s7  }
0xc: {  	s31 =	sadd.s32 $0x3C0, s7;
	s0 =	sadd.s32 s6, s0;
	[dreg:$0x8] =	wrdreg s22  }
0xd: {  	s9 =	sadd.s32 s4, s9;
	s23 =	sshrl.u32 s10, $0x3;
	[dreg:$0xd] =	wrdreg s0  }
0xe: {  	s10 =	sshll.u32 s10, $0x4;
	[dreg:$0x7] =	wrdreg s9;
	s9 =	sadd.s32 s4, s23  }
0xf: {  	s12 =	sshrl.u32 s11, $0x3;
	s24 =	sadd.s32 s3, s10;
	[dreg:$0x9] =	wrdreg s9  }
0x10: {  	s11 =	sshll.u32 s11, $0x4;
	s25 =	sadd.s32 s4, s12;
	[dreg:$0xa] =	wrdreg s24  }
0x11: {  	s13 =	sshrl.u32 s31, $0x3;
	s26 =	sadd.s32 s3, s11;
	[dreg:$0xb] =	wrdreg s25  }
0x12: {  	s15 =	sshll.u32 s31, $0x4;
	s14 =	sadd.s32 s4, s13;
	[dreg:$0xc] =	wrdreg s26  }
0x13: {  	s17 =	sadd.s32 $0x500, s7;
	s16 =	sadd.s32 s3, s15;
	[dreg:$0xe] =	wrdreg s14  }
0x14: {  	s19 =	sshrl.u32 s17, $0x3;
	s18 =	sadd.s32 s6, s10;
	[dreg:$0xf] =	wrdreg s16  }
0x15: {  	s21 =	sshll.u32 s17, $0x4;
	s20 =	sadd.s32 s4, s19;
	[dreg:$0x10] =	wrdreg s18  }
0x16: {  	s22 =	sadd.s32 s3, s21;
	s23 =	sadd.s32 $0x640, s7;
	[dreg:$0x11] =	wrdreg s20  }
0x17: {  	s13 =	sadd.s32 $0x780, s7;
	s19 =	sadd.s32 $0x8C0, s7;
	[dreg:$0x12] =	wrdreg s22  }
0x18: {  	s24 =	sadd.s32 s6, s11;
	s25 =	sshrl.u32 s23, $0x3;
	s31 =	sshll.u32 s23, $0x4  }
0x19: {  	s14 =	sadd.s32 s6, s15;
	s15 =	sshrl.u32 s13, $0x3;
	[dreg:$0x13] =	wrdreg s24  }
0x1a: {  	s17 =	sshll.u32 s13, $0x4;
	s20 =	sadd.s32 s6, s21;
	[dreg:$0x16] =	wrdreg s14  }
0x1b: {  	s21 =	sshrl.u32 s19, $0x3;
	s26 =	sadd.s32 s4, s25;
	[dreg:$0x19] =	wrdreg s20  }
0x1c: {  	s23 =	sshll.u32 s19, $0x4;
	s12 =	sadd.s32 s3, s31;
	[dreg:$0x14] =	wrdreg s26  }
0x1d: {  	s9 =	simm.s32 $0x9;
	s16 =	sadd.s32 s4, s15;
	[dreg:$0x15] =	wrdreg s12  }
0x1e: {  	s18 =	sadd.s32 s3, s17;
	s22 =	sadd.s32 s4, s21;
	[dreg:$0x17] =	wrdreg s16  }
0x1f: {  	s24 =	sadd.s32 s3, s23;
	s25 =	sadd.s32 $0xA00, s7;
	[dreg:$0x18] =	wrdreg s18  }
0x20: {  	s15 =	sadd.s32 $0xB40, s7;
	s21 =	sadd.s32 $0xC80, s7;
	[dreg:$0x1a] =	wrdreg s22  }
0x21: {  	[dreg:$0x1b] =	wrdreg s24;
	s26 =	sadd.s32 s6, s31;
	s31 =	sshrl.u32 s25, $0x3  }
0x22: {  	s13 =	sshll.u32 s25, $0x4;
	s16 =	sadd.s32 s6, s17;
	[dreg:$0x1c] =	wrdreg s26  }
0x23: {  	s17 =	sshrl.u32 s15, $0x3;
	s22 =	sadd.s32 s6, s23;
	[dreg:$0x1f] =	wrdreg s16  }
0x24: {  	s19 =	sshll.u32 s15, $0x4;
	s11 =	sadd.s32 s4, s31;
	[smem:$0x7E5] =	sst s22  }
0x25: {  	s23 =	sshrl.u32 s21, $0x3;
	s14 =	sadd.s32 s3, s13;
	[dreg:$0x1d] =	wrdreg s11  }
0x26: {  	s25 =	sshll.u32 s21, $0x4;
	s18 =	sadd.s32 s4, s17;
	[dreg:$0x1e] =	wrdreg s14  }
0x27: {  	s20 =	sadd.s32 s3, s19;
	s24 =	sadd.s32 s4, s23;
	[smem:$0x7E3] =	sst s18  }
0x28: {  	s26 =	sadd.s32 s3, s25;
	s31 =	sadd.s32 $0xDC0, s7;
	[smem:$0x7E4] =	sst s20  }
0x29: {  	s17 =	sadd.s32 $0xF00, s7;
	s23 =	sadd.s32 $0x1040, s7;
	[smem:$0x7E6] =	sst s24  }
0x2a: {  	[smem:$0x7E7] =	sst s26;
	s11 =	sadd.s32 s6, s13;
	s13 =	sshrl.u32 s31, $0x3  }
0x2b: {  	s15 =	sshll.u32 s31, $0x4;
	s18 =	sadd.s32 s6, s19;
	[smem:$0x7E8] =	sst s11  }
0x2c: {  	s19 =	sshrl.u32 s17, $0x3;
	s24 =	sadd.s32 s6, s25;
	[smem:$0x7EB] =	sst s18  }
0x2d: {  	s21 =	sshll.u32 s17, $0x4;
	s14 =	sadd.s32 s4, s13;
	[smem:$0x7EE] =	sst s24  }
0x2e: {  	s25 =	sshrl.u32 s23, $0x3;
	s16 =	sadd.s32 s3, s15;
	[smem:$0x7E9] =	sst s14  }
0x2f: {  	s31 =	sshll.u32 s23, $0x4;
	s20 =	sadd.s32 s4, s19;
	[smem:$0x7EA] =	sst s16  }
0x30: {  	s22 =	sadd.s32 s3, s21;
	s26 =	sadd.s32 s4, s25;
	[smem:$0x7EC] =	sst s20  }
0x31: {  	s12 =	sadd.s32 s3, s31;
	s13 =	sadd.s32 $0x1180, s7;
	[smem:$0x7ED] =	sst s22  }
0x32: {  	s19 =	sadd.s32 $0x12C0, s7;
	s25 =	sadd.s32 $0x1400, s7;
	[smem:$0x7EF] =	sst s26  }
0x33: {  	s11 =	simm.s32 $0x300;
	[smem:$0x7F0] =	sst s12;
	s14 =	sadd.s32 s6, s15  }
0x34: {  	s15 =	sshrl.u32 s13, $0x3;
	s20 =	sadd.s32 s6, s21;
	[smem:$0x7F1] =	sst s14  }
0x35: {  	s17 =	sshll.u32 s13, $0x4;
	s26 =	sadd.s32 s6, s31;
	[smem:$0x7F4] =	sst s20  }
0x36: {  	s21 =	sshrl.u32 s19, $0x3;
	s16 =	sadd.s32 s4, s15;
	[smem:$0x7F7] =	sst s26  }
0x37: {  	s23 =	sshll.u32 s19, $0x4;
	s18 =	sadd.s32 s3, s17;
	[smem:$0x7F2] =	sst s16  }
0x38: {  	s31 =	sshrl.u32 s25, $0x3;
	s22 =	sadd.s32 s4, s21;
	[smem:$0x7F3] =	sst s18  }
0x39: {  	s12 =	simm.s32 $0x140;
	s24 =	sadd.s32 s3, s23;
	[smem:$0x7F5] =	sst s22  }
0x3a: {  	s13 =	sadd.s32 s4, s31;
	s14 =	sshll.u32 s25, $0x4;
	[smem:$0x7F6] =	sst s24  }
0x3b: {  	s17 =	sadd.s32 s6, s17;
	s23 =	sadd.s32 s6, s23;
	[smem:$0x7F8] =	sst s13  }
0x3c: {  	s15 =	sadd.s32 s3, s14;
	s16 =	sadd.s32 $0x1540, s7;
	[smem:$0x7FA] =	sst s17  }
0x3d: {  	s22 =	sshrl.u32 s8, $0x1;
	[smem:$0x7FD] =	sst s23;
	s24 =	sadd.s32 $0x1680, s7  }
0x3e: {  	s7 =	sadd.s32 $0x17C0, s7;
	s17 =	simm.s32 $0x180;
	s13 =	simm.s32 $0x5  }
0x3f: {  	[smem:$0x7F9] =	sst s15;
	s18 =	sshrl.u32 s16, $0x3;
	s20 =	sshll.u32 s16, $0x4  }
0x40: {  	s8 =	ssub.s32 s8, s22;
	s25 =	sshrl.u32 s24, $0x3;
	s0 =	sshll.u32 s24, $0x4  }
0x41: {  	s26 =	sshrl.u32 s7, $0x3;
	s22 =	sadd.s32 s6, s14;
	s7 =	sshll.u32 s7, $0x4  }
0x42: {  	s15 =	simm.s32 $0x2;
	s14 =	simm.s32 $0x4;
	s24 =	simm.s32 $0x6  }
0x43: {  	s19 =	sadd.s32 s4, s18;
	s21 =	sadd.s32 s3, s20;
	s31 =	smax.u32 s8, $0x1  }
0x44: {  	s23 =	sadd.s32 s4, s25;
	s28 =	sadd.s32 s3, s0;
	s30 =	sadd.s32 $0xFFFFFFFF, s31  }
0x45: {  	s18 =	sadd.s32 s4, s26;
	s16 =	sadd.s32 s6, s20;
	p2 =	sne.s32 s30, $0x0  }
.Ltmp0:
0x46: {  	s10 =	sadd.s32 s6, s0;
	s25 =	simm.s32 $0x480;
	(pc) =	sbr.rel @!p2 .LBB2_1-.Ltmp0, $4  }
0x47: {  	s20 =	simm.s32 $0x14600;
	s26 =	simm.s32 $0x3;
	s0 =	rddreg [dreg:$0x7]  }
0x48: {  	s8 =	simm.s32 $0x8;
	s4 =	sshrl.u32 @!p0 s2, $0x3;
	[smem:$0x7FB] =	sst s19  }
0x49: {  	[smem:$0x7FC] =	sst s21;
	s19 =	sadd.s32 s3, s7;
	s3 =	sadd.s32 s6, s7  }
0x4a: {  	s6 =	simm.s32 $0x600;
	s21 =	simm.s32 $0x1;
	s7 =	simm.s32 $0x7  }
0x4b: {  	s29 =	rddreg [dreg:$0x6]  }
0x4c: {  	[tilespmem:s17], [sflag:$0x1] =	stream.linear.gather [hbm4b:s0+s1], $0x140, $0x38;
	[tilespmem:$0x1E600] =	vst v63  }
0x4d: {  	s0 =	rddreg [dreg:$0x9]  }
0x4e: {  	s31 =	rddreg [dreg:$0xa]  }
0x4f: {  	[smem:$0x7E0] =	sst s29  }
0x50: {  	s29 =	rddreg [dreg:$0x8]  }
0x51: {  	[tilespmem:s6], [sflag:$0x1] =	stream.linear.gather [hbm4b:s29+s1], $0xA000, $0x38;
	[tilespmem:$0x1E600] =	vst v63  }
0x52: {  	s29 =	smov.u32 s28;
	s28 =	sld [smem:$0x7E0]  }
0x53: {  	[tilespmem:s11], [sflag:$0x2] =	stream.linear.gather [hbm4b:s0+s1], $0x140, $0x38;
	[tilespmem:$0x1E600] =	vst v63  }
0x54: {  	[smem:$0x7E2] =	sst s30;
	s30 =	simm.s32 @!p0 $0xA;
	s0 =	simm.s32 @!p0 $0x1C0A  }
0x55: {  	[tilespmem:s5], [sflag:$0x2] =	stream.linear.gather [hbm4b:s31+s1], $0xA000, $0x38;
	[tilespmem:$0x1E600] =	vst v63  }
0x56: {  	[spmem:s4], [sflag:s0] =	dma.local @!p0 [hbm:s28], $0x300  }
0x57: {  	_ =	swait.ge @!p0 [sflag:s30], $0x300  }
0x58: {  	[sflag:s30] =	ssyncset.done @!p0 $0x0  }
0x59: {  	[sflag:s30] =	ssyncadd.s32 @!p0 $0xFFFFFD00  }
0x5a: {  	[bflag:$0x0] =	sbarrier.arrive $0xFFFF  }
0x5b: {  	_ =	swait.ge [sflag:s21], $0x140  }
0x5c: {  	[sflag:s21] =	ssyncset.done $0x0  }
0x5d: {  	[sflag:s21] =	ssyncadd.s32 $0xFFFFFEC0  }
0x5e: {  	_ =	swait.ge [sflag:s21], $0xA000  }
0x5f: {  	[sflag:s21] =	ssyncset.done $0x0  }
0x60: {  	[sflag:s21] =	ssyncadd.s32 $0xFFFF6000  }
0x61: {  	[tilespmem:s6], [sflag:$0x4] =	stream.indirect.gather.add.f32 [spmem:s2], $0x80, s17, s12, $0xb8;
	[tilespmem:$0x1E600] =	vst v63  }
0x62: {  	s0 =	rddreg [dreg:$0xb]  }
0x63: {  	[tilespmem:s25], [sflag:$0x3] =	stream.linear.gather [hbm4b:s0+s1], $0x140, $0x38;
	[tilespmem:$0x1E600] =	vst v63  }
0x64: {  	s31 =	rddreg [dreg:$0xc]  }
0x65: {  	[tilespmem:s20], [sflag:$0x3] =	stream.linear.gather [hbm4b:s31+s1], $0xA000, $0x38;
	[tilespmem:$0x1E600] =	vst v63  }
0x66: {  	_ =	swait.ge [sflag:s15], $0x140  }
0x67: {  	[sflag:s15] =	ssyncset.done $0x0  }
0x68: {  	[sflag:s15] =	ssyncadd.s32 $0xFFFFFEC0  }
0x69: {  	_ =	swait.ge [sflag:s15], $0xA000  }
0x6a: {  	[sflag:s15] =	ssyncset.done $0x0  }
0x6b: {  	[sflag:s15] =	ssyncadd.s32 $0xFFFF6000  }
0x6c: {  	[tilespmem:s5], [sflag:$0x5] =	stream.indirect.gather.add.f32 [spmem:s2], $0x80, s11, s12, $0xb8;
	[tilespmem:$0x1E600] =	vst v63  }
0x6d: {  	_ =	swait.ge [sflag:s14], $0xA000  }
0x6e: {  	[sflag:s14] =	ssyncset.done $0x0  }
0x6f: {  	s0 =	rddreg [dreg:$0xd];
	[sflag:s14] =	ssyncadd.s32 $0xFFFF6000  }
0x70: {  	[hbm4b:s0+s1] =	stream.linear.scatter [tilespmem:s6], [sflag:$0x7], $0xA000, $0x38;
	[tilespmem:$0x1E600] =	vst v63  }
0x71: {  	_ =	swait.ge [sflag:s7], $0xA000  }
0x72: {  	[sflag:s7] =	ssyncset.done $0x0  }
0x73: {  	s0 =	rddreg [dreg:$0xe];
	[sflag:s7] =	ssyncadd.s32 $0xFFFF6000  }
0x74: {  	[tilespmem:s17], [sflag:$0x1] =	stream.linear.gather [hbm4b:s0+s1], $0x140, $0x38;
	[tilespmem:$0x1E600] =	vst v63  }
0x75: {  	s31 =	rddreg [dreg:$0xf]  }
0x76: {  	[tilespmem:s6], [sflag:$0x1] =	stream.linear.gather [hbm4b:s31+s1], $0xA000, $0x38;
	[tilespmem:$0x1E600] =	vst v63  }
0x77: {  	_ =	swait.ge [sflag:s26], $0x140  }
0x78: {  	[sflag:s26] =	ssyncset.done $0x0  }
0x79: {  	[sflag:s26] =	ssyncadd.s32 $0xFFFFFEC0  }
0x7a: {  	_ =	swait.ge [sflag:s26], $0xA000  }
0x7b: {  	[sflag:s26] =	ssyncset.done $0x0  }
0x7c: {  	[sflag:s26] =	ssyncadd.s32 $0xFFFF6000  }
0x7d: {  	[tilespmem:s20], [sflag:$0x6] =	stream.indirect.gather.add.f32 [spmem:s2], $0x80, s25, s12, $0xb8;
	[tilespmem:$0x1E600] =	vst v63  }
0x7e: {  	_ =	swait.ge [sflag:s13], $0xA000  }
0x7f: {  	[sflag:s13] =	ssyncset.done $0x0  }
0x80: {  	s0 =	rddreg [dreg:$0x10];
	[sflag:s13] =	ssyncadd.s32 $0xFFFF6000  }
0x81: {  	[hbm4b:s0+s1] =	stream.linear.scatter [tilespmem:s5], [sflag:$0x8], $0xA000, $0x38;
	[tilespmem:$0x1E600] =	vst v63  }
0x82: {  	_ =	swait.ge [sflag:s8], $0xA000  }
0x83: {  	[sflag:s8] =	ssyncset.done $0x0  }
0x84: {  	s0 =	rddreg [dreg:$0x11];
	[sflag:s8] =	ssyncadd.s32 $0xFFFF6000  }
0x85: {  	[tilespmem:s11], [sflag:$0x2] =	stream.linear.gather [hbm4b:s0+s1], $0x140, $0x38;
	[tilespmem:$0x1E600] =	vst v63  }
0x86: {  	s31 =	rddreg [dreg:$0x12]  }
0x87: {  	[tilespmem:s5], [sflag:$0x2] =	stream.linear.gather [hbm4b:s31+s1], $0xA000, $0x38;
	[tilespmem:$0x1E600] =	vst v63  }
0x88: {  	_ =	swait.ge [sflag:s21], $0x140  }
0x89: {  	[sflag:s21] =	ssyncset.done $0x0  }
0x8a: {  	[sflag:s21] =	ssyncadd.s32 $0xFFFFFEC0  }
0x8b: {  	_ =	swait.ge [sflag:s21], $0xA000  }
0x8c: {  	[sflag:s21] =	ssyncset.done $0x0  }
0x8d: {  	[sflag:s21] =	ssyncadd.s32 $0xFFFF6000  }
0x8e: {  	[tilespmem:s6], [sflag:$0x4] =	stream.indirect.gather.add.f32 [spmem:s2], $0x80, s17, s12, $0xb8;
	[tilespmem:$0x1E600] =	vst v63  }
0x8f: {  	_ =	swait.ge [sflag:s24], $0xA000  }
0x90: {  	[sflag:s24] =	ssyncset.done $0x0  }
0x91: {  	s0 =	rddreg [dreg:$0x13];
	[sflag:s24] =	ssyncadd.s32 $0xFFFF6000  }
0x92: {  	[hbm4b:s0+s1] =	stream.linear.scatter [tilespmem:s20], [sflag:$0x9], $0xA000, $0x38;
	[tilespmem:$0x1E600] =	vst v63  }
0x93: {  	_ =	swait.ge [sflag:s9], $0xA000  }
0x94: {  	[sflag:s9] =	ssyncset.done $0x0  }
0x95: {  	s0 =	rddreg [dreg:$0x14];
	[sflag:s9] =	ssyncadd.s32 $0xFFFF6000  }
0x96: {  	[tilespmem:s25], [sflag:$0x3] =	stream.linear.gather [hbm4b:s0+s1], $0x140, $0x38;
	[tilespmem:$0x1E600] =	vst v63  }
0x97: {  	s31 =	rddreg [dreg:$0x15]  }
0x98: {  	[tilespmem:s20], [sflag:$0x3] =	stream.linear.gather [hbm4b:s31+s1], $0xA000, $0x38;
	[tilespmem:$0x1E600] =	vst v63  }
0x99: {  	_ =	swait.ge [sflag:s15], $0x140  }
0x9a: {  	[sflag:s15] =	ssyncset.done $0x0  }
0x9b: {  	[sflag:s15] =	ssyncadd.s32 $0xFFFFFEC0  }
0x9c: {  	_ =	swait.ge [sflag:s15], $0xA000  }
0x9d: {  	[sflag:s15] =	ssyncset.done $0x0  }
0x9e: {  	[sflag:s15] =	ssyncadd.s32 $0xFFFF6000  }
0x9f: {  	[tilespmem:s5], [sflag:$0x5] =	stream.indirect.gather.add.f32 [spmem:s2], $0x80, s11, s12, $0xb8;
	[tilespmem:$0x1E600] =	vst v63  }
0xa0: {  	_ =	swait.ge [sflag:s14], $0xA000  }
0xa1: {  	[sflag:s14] =	ssyncset.done $0x0  }
0xa2: {  	s0 =	rddreg [dreg:$0x16];
	[sflag:s14] =	ssyncadd.s32 $0xFFFF6000  }
0xa3: {  	[hbm4b:s0+s1] =	stream.linear.scatter [tilespmem:s6], [sflag:$0x7], $0xA000, $0x38;
	[tilespmem:$0x1E600] =	vst v63  }
0xa4: {  	_ =	swait.ge [sflag:s7], $0xA000  }
0xa5: {  	[sflag:s7] =	ssyncset.done $0x0  }
0xa6: {  	s0 =	rddreg [dreg:$0x17];
	[sflag:s7] =	ssyncadd.s32 $0xFFFF6000  }
0xa7: {  	[tilespmem:s17], [sflag:$0x1] =	stream.linear.gather [hbm4b:s0+s1], $0x140, $0x38;
	[tilespmem:$0x1E600] =	vst v63  }
0xa8: {  	s31 =	rddreg [dreg:$0x18]  }
0xa9: {  	[tilespmem:s6], [sflag:$0x1] =	stream.linear.gather [hbm4b:s31+s1], $0xA000, $0x38;
	[tilespmem:$0x1E600] =	vst v63  }
0xaa: {  	_ =	swait.ge [sflag:s26], $0x140  }
0xab: {  	[sflag:s26] =	ssyncset.done $0x0  }
0xac: {  	[sflag:s26] =	ssyncadd.s32 $0xFFFFFEC0  }
0xad: {  	_ =	swait.ge [sflag:s26], $0xA000  }
0xae: {  	[sflag:s26] =	ssyncset.done $0x0  }
0xaf: {  	[sflag:s26] =	ssyncadd.s32 $0xFFFF6000  }
0xb0: {  	[tilespmem:s20], [sflag:$0x6] =	stream.indirect.gather.add.f32 [spmem:s2], $0x80, s25, s12, $0xb8;
	[tilespmem:$0x1E600] =	vst v63  }
0xb1: {  	_ =	swait.ge [sflag:s13], $0xA000  }
0xb2: {  	[sflag:s13] =	ssyncset.done $0x0  }
0xb3: {  	s0 =	rddreg [dreg:$0x19];
	[sflag:s13] =	ssyncadd.s32 $0xFFFF6000  }
0xb4: {  	[hbm4b:s0+s1] =	stream.linear.scatter [tilespmem:s5], [sflag:$0x8], $0xA000, $0x38;
	[tilespmem:$0x1E600] =	vst v63  }
0xb5: {  	_ =	swait.ge [sflag:s8], $0xA000  }
0xb6: {  	[sflag:s8] =	ssyncset.done $0x0  }
0xb7: {  	s0 =	rddreg [dreg:$0x1a];
	[sflag:s8] =	ssyncadd.s32 $0xFFFF6000  }
0xb8: {  	[tilespmem:s11], [sflag:$0x2] =	stream.linear.gather [hbm4b:s0+s1], $0x140, $0x38;
	[tilespmem:$0x1E600] =	vst v63  }
0xb9: {  	s31 =	rddreg [dreg:$0x1b]  }
0xba: {  	[tilespmem:s5], [sflag:$0x2] =	stream.linear.gather [hbm4b:s31+s1], $0xA000, $0x38;
	[tilespmem:$0x1E600] =	vst v63  }
0xbb: {  	_ =	swait.ge [sflag:s21], $0x140  }
0xbc: {  	[sflag:s21] =	ssyncset.done $0x0  }
0xbd: {  	[sflag:s21] =	ssyncadd.s32 $0xFFFFFEC0  }
0xbe: {  	_ =	swait.ge [sflag:s21], $0xA000  }
0xbf: {  	[sflag:s21] =	ssyncset.done $0x0  }
0xc0: {  	[sflag:s21] =	ssyncadd.s32 $0xFFFF6000  }
0xc1: {  	[tilespmem:s6], [sflag:$0x4] =	stream.indirect.gather.add.f32 [spmem:s2], $0x80, s17, s12, $0xb8;
	[tilespmem:$0x1E600] =	vst v63  }
0xc2: {  	_ =	swait.ge [sflag:s24], $0xA000  }
0xc3: {  	[sflag:s24] =	ssyncset.done $0x0  }
0xc4: {  	s0 =	rddreg [dreg:$0x1c];
	[sflag:s24] =	ssyncadd.s32 $0xFFFF6000  }
0xc5: {  	[hbm4b:s0+s1] =	stream.linear.scatter [tilespmem:s20], [sflag:$0x9], $0xA000, $0x38;
	[tilespmem:$0x1E600] =	vst v63  }
0xc6: {  	_ =	swait.ge [sflag:s9], $0xA000  }
0xc7: {  	[sflag:s9] =	ssyncset.done $0x0  }
0xc8: {  	s0 =	rddreg [dreg:$0x1d];
	[sflag:s9] =	ssyncadd.s32 $0xFFFF6000  }
0xc9: {  	[tilespmem:s25], [sflag:$0x3] =	stream.linear.gather [hbm4b:s0+s1], $0x140, $0x38;
	[tilespmem:$0x1E600] =	vst v63  }
0xca: {  	s31 =	rddreg [dreg:$0x1e]  }
0xcb: {  	[tilespmem:s20], [sflag:$0x3] =	stream.linear.gather [hbm4b:s31+s1], $0xA000, $0x38;
	[tilespmem:$0x1E600] =	vst v63  }
0xcc: {  	_ =	swait.ge [sflag:s15], $0x140  }
0xcd: {  	[sflag:s15] =	ssyncset.done $0x0  }
0xce: {  	[sflag:s15] =	ssyncadd.s32 $0xFFFFFEC0  }
0xcf: {  	_ =	swait.ge [sflag:s15], $0xA000  }
0xd0: {  	[sflag:s15] =	ssyncset.done $0x0  }
0xd1: {  	[sflag:s15] =	ssyncadd.s32 $0xFFFF6000  }
0xd2: {  	[tilespmem:s5], [sflag:$0x5] =	stream.indirect.gather.add.f32 [spmem:s2], $0x80, s11, s12, $0xb8;
	[tilespmem:$0x1E600] =	vst v63  }
0xd3: {  	_ =	swait.ge [sflag:s14], $0xA000  }
0xd4: {  	[sflag:s14] =	ssyncset.done $0x0  }
0xd5: {  	s0 =	rddreg [dreg:$0x1f];
	[sflag:s14] =	ssyncadd.s32 $0xFFFF6000  }
0xd6: {  	[hbm4b:s0+s1] =	stream.linear.scatter [tilespmem:s6], [sflag:$0x7], $0xA000, $0x38;
	[tilespmem:$0x1E600] =	vst v63  }
0xd7: {  	_ =	swait.ge [sflag:s7], $0xA000  }
0xd8: {  	s0 =	sld [smem:$0x7E3]  }
0xd9: {  	[sflag:s7] =	ssyncset.done $0x0  }
0xda: {  	s31 =	sld [smem:$0x7E4];
	[sflag:s7] =	ssyncadd.s32 $0xFFFF6000  }
0xdb: {  	[tilespmem:s17], [sflag:$0x1] =	stream.linear.gather [hbm4b:s0+s1], $0x140, $0x38;
	[tilespmem:$0x1E600] =	vst v63  }
0xdc: {  	_ = 	snop  }
0xdd: {  	[tilespmem:s6], [sflag:$0x1] =	stream.linear.gather [hbm4b:s31+s1], $0xA000, $0x38;
	[tilespmem:$0x1E600] =	vst v63  }
0xde: {  	_ =	swait.ge [sflag:s26], $0x140  }
0xdf: {  	[sflag:s26] =	ssyncset.done $0x0  }
0xe0: {  	[sflag:s26] =	ssyncadd.s32 $0xFFFFFEC0  }
0xe1: {  	_ =	swait.ge [sflag:s26], $0xA000  }
0xe2: {  	[sflag:s26] =	ssyncset.done $0x0  }
0xe3: {  	[sflag:s26] =	ssyncadd.s32 $0xFFFF6000  }
0xe4: {  	[tilespmem:s20], [sflag:$0x6] =	stream.indirect.gather.add.f32 [spmem:s2], $0x80, s25, s12, $0xb8;
	[tilespmem:$0x1E600] =	vst v63  }
0xe5: {  	_ =	swait.ge [sflag:s13], $0xA000  }
0xe6: {  	s0 =	sld [smem:$0x7E5]  }
0xe7: {  	[sflag:s13] =	ssyncset.done $0x0  }
0xe8: {  	[sflag:s13] =	ssyncadd.s32 $0xFFFF6000  }
0xe9: {  	[hbm4b:s0+s1] =	stream.linear.scatter [tilespmem:s5], [sflag:$0x8], $0xA000, $0x38;
	[tilespmem:$0x1E600] =	vst v63  }
0xea: {  	_ =	swait.ge [sflag:s8], $0xA000  }
0xeb: {  	s0 =	sld [smem:$0x7E6]  }
0xec: {  	[sflag:s8] =	ssyncset.done $0x0  }
0xed: {  	s31 =	sld [smem:$0x7E7];
	[sflag:s8] =	ssyncadd.s32 $0xFFFF6000  }
0xee: {  	[tilespmem:s11], [sflag:$0x2] =	stream.linear.gather [hbm4b:s0+s1], $0x140, $0x38;
	[tilespmem:$0x1E600] =	vst v63  }
0xef: {  	_ = 	snop  }
0xf0: {  	[tilespmem:s5], [sflag:$0x2] =	stream.linear.gather [hbm4b:s31+s1], $0xA000, $0x38;
	[tilespmem:$0x1E600] =	vst v63  }
0xf1: {  	_ =	swait.ge [sflag:s21], $0x140  }
0xf2: {  	[sflag:s21] =	ssyncset.done $0x0  }
0xf3: {  	[sflag:s21] =	ssyncadd.s32 $0xFFFFFEC0  }
0xf4: {  	_ =	swait.ge [sflag:s21], $0xA000  }
0xf5: {  	[sflag:s21] =	ssyncset.done $0x0  }
0xf6: {  	[sflag:s21] =	ssyncadd.s32 $0xFFFF6000  }
0xf7: {  	[tilespmem:s6], [sflag:$0x4] =	stream.indirect.gather.add.f32 [spmem:s2], $0x80, s17, s12, $0xb8;
	[tilespmem:$0x1E600] =	vst v63  }
0xf8: {  	_ =	swait.ge [sflag:s24], $0xA000  }
0xf9: {  	s0 =	sld [smem:$0x7E8]  }
0xfa: {  	[sflag:s24] =	ssyncset.done $0x0  }
0xfb: {  	[sflag:s24] =	ssyncadd.s32 $0xFFFF6000  }
0xfc: {  	[hbm4b:s0+s1] =	stream.linear.scatter [tilespmem:s20], [sflag:$0x9], $0xA000, $0x38;
	[tilespmem:$0x1E600] =	vst v63  }
0xfd: {  	_ =	swait.ge [sflag:s9], $0xA000  }
0xfe: {  	s0 =	sld [smem:$0x7E9]  }
0xff: {  	[sflag:s9] =	ssyncset.done $0x0  }
0x100: {  	s31 =	sld [smem:$0x7EA];
	[sflag:s9] =	ssyncadd.s32 $0xFFFF6000  }
0x101: {  	[tilespmem:s25], [sflag:$0x3] =	stream.linear.gather [hbm4b:s0+s1], $0x140, $0x38;
	[tilespmem:$0x1E600] =	vst v63  }
0x102: {  	_ = 	snop  }
0x103: {  	[tilespmem:s20], [sflag:$0x3] =	stream.linear.gather [hbm4b:s31+s1], $0xA000, $0x38;
	[tilespmem:$0x1E600] =	vst v63  }
0x104: {  	_ =	swait.ge [sflag:s15], $0x140  }
0x105: {  	[sflag:s15] =	ssyncset.done $0x0  }
0x106: {  	[sflag:s15] =	ssyncadd.s32 $0xFFFFFEC0  }
0x107: {  	_ =	swait.ge [sflag:s15], $0xA000  }
0x108: {  	[sflag:s15] =	ssyncset.done $0x0  }
0x109: {  	[sflag:s15] =	ssyncadd.s32 $0xFFFF6000  }
0x10a: {  	[tilespmem:s5], [sflag:$0x5] =	stream.indirect.gather.add.f32 [spmem:s2], $0x80, s11, s12, $0xb8;
	[tilespmem:$0x1E600] =	vst v63  }
0x10b: {  	_ =	swait.ge [sflag:s14], $0xA000  }
0x10c: {  	s0 =	sld [smem:$0x7EB]  }
0x10d: {  	[sflag:s14] =	ssyncset.done $0x0  }
0x10e: {  	[sflag:s14] =	ssyncadd.s32 $0xFFFF6000  }
0x10f: {  	[hbm4b:s0+s1] =	stream.linear.scatter [tilespmem:s6], [sflag:$0x7], $0xA000, $0x38;
	[tilespmem:$0x1E600] =	vst v63  }
0x110: {  	_ =	swait.ge [sflag:s7], $0xA000  }
0x111: {  	s0 =	sld [smem:$0x7EC]  }
0x112: {  	[sflag:s7] =	ssyncset.done $0x0  }
0x113: {  	s31 =	sld [smem:$0x7ED];
	[sflag:s7] =	ssyncadd.s32 $0xFFFF6000  }
0x114: {  	[tilespmem:s17], [sflag:$0x1] =	stream.linear.gather [hbm4b:s0+s1], $0x140, $0x38;
	[tilespmem:$0x1E600] =	vst v63  }
0x115: {  	_ = 	snop  }
0x116: {  	[tilespmem:s6], [sflag:$0x1] =	stream.linear.gather [hbm4b:s31+s1], $0xA000, $0x38;
	[tilespmem:$0x1E600] =	vst v63  }
0x117: {  	_ =	swait.ge [sflag:s26], $0x140  }
0x118: {  	[sflag:s26] =	ssyncset.done $0x0  }
0x119: {  	[sflag:s26] =	ssyncadd.s32 $0xFFFFFEC0  }
0x11a: {  	_ =	swait.ge [sflag:s26], $0xA000  }
0x11b: {  	[sflag:s26] =	ssyncset.done $0x0  }
0x11c: {  	[sflag:s26] =	ssyncadd.s32 $0xFFFF6000  }
0x11d: {  	[tilespmem:s20], [sflag:$0x6] =	stream.indirect.gather.add.f32 [spmem:s2], $0x80, s25, s12, $0xb8;
	[tilespmem:$0x1E600] =	vst v63  }
0x11e: {  	_ =	swait.ge [sflag:s13], $0xA000  }
0x11f: {  	s0 =	sld [smem:$0x7EE]  }
0x120: {  	[sflag:s13] =	ssyncset.done $0x0  }
0x121: {  	[sflag:s13] =	ssyncadd.s32 $0xFFFF6000  }
0x122: {  	[hbm4b:s0+s1] =	stream.linear.scatter [tilespmem:s5], [sflag:$0x8], $0xA000, $0x38;
	[tilespmem:$0x1E600] =	vst v63  }
0x123: {  	_ =	swait.ge [sflag:s8], $0xA000  }
0x124: {  	s0 =	sld [smem:$0x7EF]  }
0x125: {  	[sflag:s8] =	ssyncset.done $0x0  }
0x126: {  	s31 =	sld [smem:$0x7F0];
	[sflag:s8] =	ssyncadd.s32 $0xFFFF6000  }
0x127: {  	[tilespmem:s11], [sflag:$0x2] =	stream.linear.gather [hbm4b:s0+s1], $0x140, $0x38;
	[tilespmem:$0x1E600] =	vst v63  }
0x128: {  	_ = 	snop  }
0x129: {  	[tilespmem:s5], [sflag:$0x2] =	stream.linear.gather [hbm4b:s31+s1], $0xA000, $0x38;
	[tilespmem:$0x1E600] =	vst v63  }
0x12a: {  	_ =	swait.ge [sflag:s21], $0x140  }
0x12b: {  	[sflag:s21] =	ssyncset.done $0x0  }
0x12c: {  	[sflag:s21] =	ssyncadd.s32 $0xFFFFFEC0  }
0x12d: {  	_ =	swait.ge [sflag:s21], $0xA000  }
0x12e: {  	[sflag:s21] =	ssyncset.done $0x0  }
0x12f: {  	[sflag:s21] =	ssyncadd.s32 $0xFFFF6000  }
0x130: {  	[tilespmem:s6], [sflag:$0x4] =	stream.indirect.gather.add.f32 [spmem:s2], $0x80, s17, s12, $0xb8;
	[tilespmem:$0x1E600] =	vst v63  }
0x131: {  	_ =	swait.ge [sflag:s24], $0xA000  }
0x132: {  	s0 =	sld [smem:$0x7F1]  }
0x133: {  	[sflag:s24] =	ssyncset.done $0x0  }
0x134: {  	[sflag:s24] =	ssyncadd.s32 $0xFFFF6000  }
0x135: {  	[hbm4b:s0+s1] =	stream.linear.scatter [tilespmem:s20], [sflag:$0x9], $0xA000, $0x38;
	[tilespmem:$0x1E600] =	vst v63  }
0x136: {  	_ =	swait.ge [sflag:s9], $0xA000  }
0x137: {  	s0 =	sld [smem:$0x7F2]  }
0x138: {  	[sflag:s9] =	ssyncset.done $0x0  }
0x139: {  	s31 =	sld [smem:$0x7F3];
	[sflag:s9] =	ssyncadd.s32 $0xFFFF6000  }
0x13a: {  	[tilespmem:s25], [sflag:$0x3] =	stream.linear.gather [hbm4b:s0+s1], $0x140, $0x38;
	[tilespmem:$0x1E600] =	vst v63  }
0x13b: {  	_ = 	snop  }
0x13c: {  	[tilespmem:s20], [sflag:$0x3] =	stream.linear.gather [hbm4b:s31+s1], $0xA000, $0x38;
	[tilespmem:$0x1E600] =	vst v63  }
0x13d: {  	_ =	swait.ge [sflag:s15], $0x140  }
0x13e: {  	[sflag:s15] =	ssyncset.done $0x0  }
0x13f: {  	[sflag:s15] =	ssyncadd.s32 $0xFFFFFEC0  }
0x140: {  	_ =	swait.ge [sflag:s15], $0xA000  }
0x141: {  	[sflag:s15] =	ssyncset.done $0x0  }
0x142: {  	[sflag:s15] =	ssyncadd.s32 $0xFFFF6000  }
0x143: {  	[tilespmem:s5], [sflag:$0x5] =	stream.indirect.gather.add.f32 [spmem:s2], $0x80, s11, s12, $0xb8;
	[tilespmem:$0x1E600] =	vst v63  }
0x144: {  	_ =	swait.ge [sflag:s14], $0xA000  }
0x145: {  	s0 =	sld [smem:$0x7F4]  }
0x146: {  	[sflag:s14] =	ssyncset.done $0x0  }
0x147: {  	[sflag:s14] =	ssyncadd.s32 $0xFFFF6000  }
0x148: {  	[hbm4b:s0+s1] =	stream.linear.scatter [tilespmem:s6], [sflag:$0x7], $0xA000, $0x38;
	[tilespmem:$0x1E600] =	vst v63  }
0x149: {  	_ =	swait.ge [sflag:s7], $0xA000  }
0x14a: {  	s0 =	sld [smem:$0x7F5]  }
0x14b: {  	[sflag:s7] =	ssyncset.done $0x0  }
0x14c: {  	s31 =	sld [smem:$0x7F6];
	[sflag:s7] =	ssyncadd.s32 $0xFFFF6000  }
0x14d: {  	[tilespmem:s17], [sflag:$0x1] =	stream.linear.gather [hbm4b:s0+s1], $0x140, $0x38;
	[tilespmem:$0x1E600] =	vst v63  }
0x14e: {  	_ = 	snop  }
0x14f: {  	[tilespmem:s6], [sflag:$0x1] =	stream.linear.gather [hbm4b:s31+s1], $0xA000, $0x38;
	[tilespmem:$0x1E600] =	vst v63  }
0x150: {  	_ =	swait.ge [sflag:s26], $0x140  }
0x151: {  	[sflag:s26] =	ssyncset.done $0x0  }
0x152: {  	[sflag:s26] =	ssyncadd.s32 $0xFFFFFEC0  }
0x153: {  	_ =	swait.ge [sflag:s26], $0xA000  }
0x154: {  	[sflag:s26] =	ssyncset.done $0x0  }
0x155: {  	[sflag:s26] =	ssyncadd.s32 $0xFFFF6000  }
0x156: {  	[tilespmem:s20], [sflag:$0x6] =	stream.indirect.gather.add.f32 [spmem:s2], $0x80, s25, s12, $0xb8;
	[tilespmem:$0x1E600] =	vst v63  }
0x157: {  	_ =	swait.ge [sflag:s13], $0xA000  }
0x158: {  	s0 =	sld [smem:$0x7F7]  }
0x159: {  	[sflag:s13] =	ssyncset.done $0x0  }
0x15a: {  	[sflag:s13] =	ssyncadd.s32 $0xFFFF6000  }
0x15b: {  	[hbm4b:s0+s1] =	stream.linear.scatter [tilespmem:s5], [sflag:$0x8], $0xA000, $0x38;
	[tilespmem:$0x1E600] =	vst v63  }
0x15c: {  	_ =	swait.ge [sflag:s8], $0xA000  }
0x15d: {  	s0 =	sld [smem:$0x7F8]  }
0x15e: {  	[sflag:s8] =	ssyncset.done $0x0  }
0x15f: {  	s31 =	sld [smem:$0x7F9];
	[sflag:s8] =	ssyncadd.s32 $0xFFFF6000  }
0x160: {  	[tilespmem:s11], [sflag:$0x2] =	stream.linear.gather [hbm4b:s0+s1], $0x140, $0x38;
	[tilespmem:$0x1E600] =	vst v63  }
0x161: {  	_ = 	snop  }
0x162: {  	[tilespmem:s5], [sflag:$0x2] =	stream.linear.gather [hbm4b:s31+s1], $0xA000, $0x38;
	[tilespmem:$0x1E600] =	vst v63  }
0x163: {  	_ =	swait.ge [sflag:s21], $0x140  }
0x164: {  	[sflag:s21] =	ssyncset.done $0x0  }
0x165: {  	[sflag:s21] =	ssyncadd.s32 $0xFFFFFEC0  }
0x166: {  	_ =	swait.ge [sflag:s21], $0xA000  }
0x167: {  	[sflag:s21] =	ssyncset.done $0x0  }
0x168: {  	[sflag:s21] =	ssyncadd.s32 $0xFFFF6000  }
0x169: {  	[tilespmem:s6], [sflag:$0x4] =	stream.indirect.gather.add.f32 [spmem:s2], $0x80, s17, s12, $0xb8;
	[tilespmem:$0x1E600] =	vst v63  }
0x16a: {  	_ =	swait.ge [sflag:s24], $0xA000  }
0x16b: {  	s0 =	sld [smem:$0x7FA]  }
0x16c: {  	[sflag:s24] =	ssyncset.done $0x0  }
0x16d: {  	[sflag:s24] =	ssyncadd.s32 $0xFFFF6000  }
0x16e: {  	[hbm4b:s0+s1] =	stream.linear.scatter [tilespmem:s20], [sflag:$0x9], $0xA000, $0x38;
	[tilespmem:$0x1E600] =	vst v63  }
0x16f: {  	_ =	swait.ge [sflag:s9], $0xA000  }
0x170: {  	s0 =	sld [smem:$0x7FB]  }
0x171: {  	[sflag:s9] =	ssyncset.done $0x0  }
0x172: {  	s31 =	sld [smem:$0x7FC];
	[sflag:s9] =	ssyncadd.s32 $0xFFFF6000  }
0x173: {  	[tilespmem:s25], [sflag:$0x3] =	stream.linear.gather [hbm4b:s0+s1], $0x140, $0x38;
	[tilespmem:$0x1E600] =	vst v63  }
0x174: {  	_ = 	snop  }
0x175: {  	[tilespmem:s20], [sflag:$0x3] =	stream.linear.gather [hbm4b:s31+s1], $0xA000, $0x38;
	[tilespmem:$0x1E600] =	vst v63  }
0x176: {  	_ =	swait.ge [sflag:s15], $0x140  }
0x177: {  	[sflag:s15] =	ssyncset.done $0x0  }
0x178: {  	[sflag:s15] =	ssyncadd.s32 $0xFFFFFEC0  }
0x179: {  	_ =	swait.ge [sflag:s15], $0xA000  }
0x17a: {  	[sflag:s15] =	ssyncset.done $0x0  }
0x17b: {  	[sflag:s15] =	ssyncadd.s32 $0xFFFF6000  }
0x17c: {  	[tilespmem:s5], [sflag:$0x5] =	stream.indirect.gather.add.f32 [spmem:s2], $0x80, s11, s12, $0xb8;
	[tilespmem:$0x1E600] =	vst v63  }
0x17d: {  	_ =	swait.ge [sflag:s14], $0xA000  }
0x17e: {  	s0 =	sld [smem:$0x7FD]  }
0x17f: {  	[sflag:s14] =	ssyncset.done $0x0  }
0x180: {  	[sflag:s14] =	ssyncadd.s32 $0xFFFF6000  }
0x181: {  	[hbm4b:s0+s1] =	stream.linear.scatter [tilespmem:s6], [sflag:$0x7], $0xA000, $0x38;
	[tilespmem:$0x1E600] =	vst v63  }
0x182: {  	_ =	swait.ge [sflag:s7], $0xA000  }
0x183: {  	[sflag:s7] =	ssyncset.done $0x0  }
0x184: {  	[sflag:s7] =	ssyncadd.s32 $0xFFFF6000  }
0x185: {  	[tilespmem:s17], [sflag:$0x1] =	stream.linear.gather [hbm4b:s23+s1], $0x140, $0x38;
	[tilespmem:$0x1E600] =	vst v63  }
0x186: {  	[smem:$0x7E1] =	sst s23  }
0x187: {  	[tilespmem:s6], [sflag:$0x1] =	stream.linear.gather [hbm4b:s29+s1], $0xA000, $0x38;
	[tilespmem:$0x1E600] =	vst v63  }
0x188: {  	_ =	swait.ge [sflag:s26], $0x140  }
0x189: {  	[sflag:s26] =	ssyncset.done $0x0  }
0x18a: {  	[sflag:s26] =	ssyncadd.s32 $0xFFFFFEC0  }
0x18b: {  	_ =	swait.ge [sflag:s26], $0xA000  }
0x18c: {  	[sflag:s26] =	ssyncset.done $0x0  }
0x18d: {  	[sflag:s26] =	ssyncadd.s32 $0xFFFF6000  }
0x18e: {  	[tilespmem:s20], [sflag:$0x6] =	stream.indirect.gather.add.f32 [spmem:s2], $0x80, s25, s12, $0xb8;
	[tilespmem:$0x1E600] =	vst v63  }
0x18f: {  	_ =	swait.ge [sflag:s13], $0xA000  }
0x190: {  	[sflag:s13] =	ssyncset.done $0x0  }
0x191: {  	[sflag:s13] =	ssyncadd.s32 $0xFFFF6000  }
0x192: {  	[hbm4b:s22+s1] =	stream.linear.scatter [tilespmem:s5], [sflag:$0x8], $0xA000, $0x38;
	[tilespmem:$0x1E600] =	vst v63  }
0x193: {  	_ =	swait.ge [sflag:s8], $0xA000  }
0x194: {  	[sflag:s8] =	ssyncset.done $0x0  }
0x195: {  	[sflag:s8] =	ssyncadd.s32 $0xFFFF6000  }
0x196: {  	[tilespmem:s11], [sflag:$0x2] =	stream.linear.gather [hbm4b:s18+s1], $0x140, $0x38;
	[tilespmem:$0x1E600] =	vst v63  }
0x197: {  	_ = 	snop  }
0x198: {  	[tilespmem:s5], [sflag:$0x2] =	stream.linear.gather [hbm4b:s19+s1], $0xA000, $0x38;
	[tilespmem:$0x1E600] =	vst v63  }
0x199: {  	_ =	swait.ge [sflag:s21], $0x140  }
0x19a: {  	[sflag:s21] =	ssyncset.done $0x0  }
0x19b: {  	[sflag:s21] =	ssyncadd.s32 $0xFFFFFEC0  }
0x19c: {  	_ =	swait.ge [sflag:s21], $0xA000  }
0x19d: {  	[sflag:s21] =	ssyncset.done $0x0  }
0x19e: {  	[sflag:s21] =	ssyncadd.s32 $0xFFFF6000  }
0x19f: {  	[tilespmem:s6], [sflag:$0x4] =	stream.indirect.gather.add.f32 [spmem:s2], $0x80, s17, s12, $0xb8;
	[tilespmem:$0x1E600] =	vst v63  }
0x1a0: {  	_ =	swait.ge [sflag:s24], $0xA000  }
0x1a1: {  	[sflag:s24] =	ssyncset.done $0x0  }
0x1a2: {  	[sflag:s24] =	ssyncadd.s32 $0xFFFF6000  }
0x1a3: {  	[hbm4b:s16+s1] =	stream.linear.scatter [tilespmem:s20], [sflag:$0x9], $0xA000, $0x38;
	[tilespmem:$0x1E600] =	vst v63  }
0x1a4: {  	_ =	swait.ge [sflag:s15], $0x140  }
0x1a5: {  	[sflag:s15] =	ssyncset.done $0x0  }
0x1a6: {  	[sflag:s15] =	ssyncadd.s32 $0xFFFFFEC0  }
0x1a7: {  	_ =	swait.ge [sflag:s15], $0xA000  }
0x1a8: {  	[sflag:s15] =	ssyncset.done $0x0  }
0x1a9: {  	[sflag:s15] =	ssyncadd.s32 $0xFFFF6000  }
0x1aa: {  	[tilespmem:s5], [sflag:$0x5] =	stream.indirect.gather.add.f32 [spmem:s2], $0x80, s11, s12, $0xb8;
	[tilespmem:$0x1E600] =	vst v63  }
0x1ab: {  	_ =	swait.ge [sflag:s14], $0xA000  }
0x1ac: {  	[sflag:s14] =	ssyncset.done $0x0  }
0x1ad: {  	[sflag:s14] =	ssyncadd.s32 $0xFFFF6000  }
0x1ae: {  	[hbm4b:s10+s1] =	stream.linear.scatter [tilespmem:s6], [sflag:$0x7], $0xA000, $0x38;
	[tilespmem:$0x1E600] =	vst v63  }
0x1af: {  	_ =	swait.ge [sflag:s13], $0xA000  }
0x1b0: {  	[sflag:s13] =	ssyncset.done $0x0  }
0x1b1: {  	[sflag:s13] =	ssyncadd.s32 $0xFFFF6000  }
0x1b2: {  	[hbm4b:s3+s1] =	stream.linear.scatter [tilespmem:s5], [sflag:$0x8], $0xA000, $0x38;
	[tilespmem:$0x1E600] =	vst v63  }
0x1b3: {  	_ =	swait.ge [sflag:s7], $0xA000  }
0x1b4: {  	[sflag:s7] =	ssyncset.done $0x0  }
0x1b5: {  	[sflag:s7] =	ssyncadd.s32 $0xFFFF6000  }
0x1b6: {  	_ =	swait.ge [sflag:s8], $0xA000  }
0x1b7: {  	s28 =	smov.u32 s29;
	s29 =	sld [smem:$0x7E2];
	_ =	sdelay $0x2  }
0x1b8: {  	s31 =	sadd.s32 $0xFFFFFFFF, s29  }
0x1b9: {  	p2 =	sne.s32 s31, $0x0  }
.Ltmp1:
0x1ba: {  	_ = 	snop;
	(pc) =	sbr.rel @!p2 .LBB2_3-.Ltmp1, $4  }
0x1bb: {  	[sflag:s8] =	ssyncset.done $0x0  }
0x1bc: {  	[sflag:s8] =	ssyncadd.s32 $0xFFFF6000  }
0x1bd: {  	p1 =	por $0x1, $0x1;
	s23 =	smov.u32 s22;
	_ =	swait.ge [sflag:s9], $0xA000  }
0x1be: {  	s22 =	smov.u32 s4;
	s0 =	rddreg [dreg:$0x7];
	[sflag:s9] =	ssyncset.done $0x0  }
.LBB2_4:
0x1bf: {  	s29 =	rddreg [dreg:$0x6];
	[sflag:s9] =	ssyncadd.s32 $0xFFFF6000  }
0x1c0: {  	[tilespmem:s17], [sflag:$0x1] =	stream.linear.gather [hbm4b:s0+s1], $0x140, $0x38;
	[tilespmem:$0x1E600] =	vst v63  }
0x1c1: {  	s4 =	smov.u32 s3;
	s3 =	rddreg [dreg:$0x8]  }
0x1c2: {  	[tilespmem:s6], [sflag:$0x1] =	stream.linear.gather [hbm4b:s3+s1], $0xA000, $0x38;
	[tilespmem:$0x1E600] =	vst v63  }
0x1c3: {  	s0 =	rddreg [dreg:$0x9]  }
0x1c4: {  	[tilespmem:s11], [sflag:$0x2] =	stream.linear.gather [hbm4b:s0+s1], $0x140, $0x38;
	[tilespmem:$0x1E600] =	vst v63  }
0x1c5: {  	s3 =	rddreg [dreg:$0xa];
	s0 =	simm.s32 @!p0 $0x1C0A  }
0x1c6: {  	[tilespmem:s5], [sflag:$0x2] =	stream.linear.gather [hbm4b:s3+s1], $0xA000, $0x38;
	[tilespmem:$0x1E600] =	vst v63  }
0x1c7: {  	[spmem:s22], [sflag:s0] =	dma.local @!p0 [hbm:s29], $0x300  }
0x1c8: {  	_ =	swait.ge @!p0 [sflag:s30], $0x300  }
0x1c9: {  	[sflag:s30] =	ssyncset.done @!p0 $0x0  }
0x1ca: {  	[sflag:s30] =	ssyncadd.s32 @!p0 $0xFFFFFD00  }
0x1cb: {  	[bflag:$0x0] =	sbarrier.arrive $0xFFFF  }
0x1cc: {  	_ =	swait.ge [sflag:s21], $0x140  }
0x1cd: {  	[sflag:s21] =	ssyncset.done $0x0  }
0x1ce: {  	[sflag:s21] =	ssyncadd.s32 $0xFFFFFEC0  }
0x1cf: {  	_ =	swait.ge [sflag:s21], $0xA000  }
0x1d0: {  	[sflag:s21] =	ssyncset.done $0x0  }
0x1d1: {  	[sflag:s21] =	ssyncadd.s32 $0xFFFF6000  }
0x1d2: {  	[tilespmem:s6], [sflag:$0x4] =	stream.indirect.gather.add.f32 [spmem:s2], $0x80, s17, s12, $0xb8;
	[tilespmem:$0x1E600] =	vst v63  }
0x1d3: {  	s3 =	rddreg [dreg:$0xb]  }
0x1d4: {  	[tilespmem:s25], [sflag:$0x3] =	stream.linear.gather [hbm4b:s3+s1], $0x140, $0x38;
	[tilespmem:$0x1E600] =	vst v63  }
0x1d5: {  	s29 =	rddreg [dreg:$0xc]  }
0x1d6: {  	[tilespmem:s20], [sflag:$0x3] =	stream.linear.gather [hbm4b:s29+s1], $0xA000, $0x38;
	[tilespmem:$0x1E600] =	vst v63  }
0x1d7: {  	_ =	swait.ge [sflag:s15], $0x140  }
0x1d8: {  	[sflag:s15] =	ssyncset.done $0x0  }
0x1d9: {  	[sflag:s15] =	ssyncadd.s32 $0xFFFFFEC0  }
0x1da: {  	_ =	swait.ge [sflag:s15], $0xA000  }
0x1db: {  	[sflag:s15] =	ssyncset.done $0x0  }
0x1dc: {  	[sflag:s15] =	ssyncadd.s32 $0xFFFF6000  }
0x1dd: {  	[tilespmem:s5], [sflag:$0x5] =	stream.indirect.gather.add.f32 [spmem:s2], $0x80, s11, s12, $0xb8;
	[tilespmem:$0x1E600] =	vst v63  }
0x1de: {  	_ =	swait.ge [sflag:s14], $0xA000  }
0x1df: {  	[sflag:s14] =	ssyncset.done $0x0  }
0x1e0: {  	s29 =	rddreg [dreg:$0xd];
	[sflag:s14] =	ssyncadd.s32 $0xFFFF6000  }
0x1e1: {  	[hbm4b:s29+s1] =	stream.linear.scatter [tilespmem:s6], [sflag:$0x7], $0xA000, $0x38;
	[tilespmem:$0x1E600] =	vst v63  }
0x1e2: {  	_ =	swait.ge [sflag:s7], $0xA000  }
0x1e3: {  	[sflag:s7] =	ssyncset.done $0x0  }
0x1e4: {  	s3 =	rddreg [dreg:$0xe];
	[sflag:s7] =	ssyncadd.s32 $0xFFFF6000  }
0x1e5: {  	[tilespmem:s17], [sflag:$0x1] =	stream.linear.gather [hbm4b:s3+s1], $0x140, $0x38;
	[tilespmem:$0x1E600] =	vst v63  }
0x1e6: {  	s29 =	rddreg [dreg:$0xf]  }
0x1e7: {  	[tilespmem:s6], [sflag:$0x1] =	stream.linear.gather [hbm4b:s29+s1], $0xA000, $0x38;
	[tilespmem:$0x1E600] =	vst v63  }
0x1e8: {  	_ =	swait.ge [sflag:s26], $0x140  }
0x1e9: {  	[sflag:s26] =	ssyncset.done $0x0  }
0x1ea: {  	[sflag:s26] =	ssyncadd.s32 $0xFFFFFEC0  }
0x1eb: {  	_ =	swait.ge [sflag:s26], $0xA000  }
0x1ec: {  	[sflag:s26] =	ssyncset.done $0x0  }
0x1ed: {  	[sflag:s26] =	ssyncadd.s32 $0xFFFF6000  }
0x1ee: {  	[tilespmem:s20], [sflag:$0x6] =	stream.indirect.gather.add.f32 [spmem:s2], $0x80, s25, s12, $0xb8;
	[tilespmem:$0x1E600] =	vst v63  }
0x1ef: {  	_ =	swait.ge [sflag:s13], $0xA000  }
0x1f0: {  	[sflag:s13] =	ssyncset.done $0x0  }
0x1f1: {  	s29 =	rddreg [dreg:$0x10];
	[sflag:s13] =	ssyncadd.s32 $0xFFFF6000  }
0x1f2: {  	[hbm4b:s29+s1] =	stream.linear.scatter [tilespmem:s5], [sflag:$0x8], $0xA000, $0x38;
	[tilespmem:$0x1E600] =	vst v63  }
0x1f3: {  	_ =	swait.ge [sflag:s8], $0xA000  }
0x1f4: {  	[sflag:s8] =	ssyncset.done $0x0  }
0x1f5: {  	s3 =	rddreg [dreg:$0x11];
	[sflag:s8] =	ssyncadd.s32 $0xFFFF6000  }
0x1f6: {  	[tilespmem:s11], [sflag:$0x2] =	stream.linear.gather [hbm4b:s3+s1], $0x140, $0x38;
	[tilespmem:$0x1E600] =	vst v63  }
0x1f7: {  	s29 =	rddreg [dreg:$0x12]  }
0x1f8: {  	[tilespmem:s5], [sflag:$0x2] =	stream.linear.gather [hbm4b:s29+s1], $0xA000, $0x38;
	[tilespmem:$0x1E600] =	vst v63  }
0x1f9: {  	_ =	swait.ge [sflag:s21], $0x140  }
0x1fa: {  	[sflag:s21] =	ssyncset.done $0x0  }
0x1fb: {  	[sflag:s21] =	ssyncadd.s32 $0xFFFFFEC0  }
0x1fc: {  	_ =	swait.ge [sflag:s21], $0xA000  }
0x1fd: {  	[sflag:s21] =	ssyncset.done $0x0  }
0x1fe: {  	[sflag:s21] =	ssyncadd.s32 $0xFFFF6000  }
0x1ff: {  	[tilespmem:s6], [sflag:$0x4] =	stream.indirect.gather.add.f32 [spmem:s2], $0x80, s17, s12, $0xb8;
	[tilespmem:$0x1E600] =	vst v63  }
0x200: {  	_ =	swait.ge [sflag:s24], $0xA000  }
0x201: {  	[sflag:s24] =	ssyncset.done $0x0  }
0x202: {  	s29 =	rddreg [dreg:$0x13];
	[sflag:s24] =	ssyncadd.s32 $0xFFFF6000  }
0x203: {  	[hbm4b:s29+s1] =	stream.linear.scatter [tilespmem:s20], [sflag:$0x9], $0xA000, $0x38;
	[tilespmem:$0x1E600] =	vst v63  }
0x204: {  	_ =	swait.ge [sflag:s9], $0xA000  }
0x205: {  	[sflag:s9] =	ssyncset.done $0x0  }
0x206: {  	s3 =	rddreg [dreg:$0x14];
	[sflag:s9] =	ssyncadd.s32 $0xFFFF6000  }
0x207: {  	[tilespmem:s25], [sflag:$0x3] =	stream.linear.gather [hbm4b:s3+s1], $0x140, $0x38;
	[tilespmem:$0x1E600] =	vst v63  }
0x208: {  	s29 =	rddreg [dreg:$0x15]  }
0x209: {  	[tilespmem:s20], [sflag:$0x3] =	stream.linear.gather [hbm4b:s29+s1], $0xA000, $0x38;
	[tilespmem:$0x1E600] =	vst v63  }
0x20a: {  	_ =	swait.ge [sflag:s15], $0x140  }
0x20b: {  	[sflag:s15] =	ssyncset.done $0x0  }
0x20c: {  	[sflag:s15] =	ssyncadd.s32 $0xFFFFFEC0  }
0x20d: {  	_ =	swait.ge [sflag:s15], $0xA000  }
0x20e: {  	[sflag:s15] =	ssyncset.done $0x0  }
0x20f: {  	[sflag:s15] =	ssyncadd.s32 $0xFFFF6000  }
0x210: {  	[tilespmem:s5], [sflag:$0x5] =	stream.indirect.gather.add.f32 [spmem:s2], $0x80, s11, s12, $0xb8;
	[tilespmem:$0x1E600] =	vst v63  }
0x211: {  	_ =	swait.ge [sflag:s14], $0xA000  }
0x212: {  	[sflag:s14] =	ssyncset.done $0x0  }
0x213: {  	s29 =	rddreg [dreg:$0x16];
	[sflag:s14] =	ssyncadd.s32 $0xFFFF6000  }
0x214: {  	[hbm4b:s29+s1] =	stream.linear.scatter [tilespmem:s6], [sflag:$0x7], $0xA000, $0x38;
	[tilespmem:$0x1E600] =	vst v63  }
0x215: {  	_ =	swait.ge [sflag:s7], $0xA000  }
0x216: {  	[sflag:s7] =	ssyncset.done $0x0  }
0x217: {  	s3 =	rddreg [dreg:$0x17];
	[sflag:s7] =	ssyncadd.s32 $0xFFFF6000  }
0x218: {  	[tilespmem:s17], [sflag:$0x1] =	stream.linear.gather [hbm4b:s3+s1], $0x140, $0x38;
	[tilespmem:$0x1E600] =	vst v63  }
0x219: {  	s29 =	rddreg [dreg:$0x18]  }
0x21a: {  	[tilespmem:s6], [sflag:$0x1] =	stream.linear.gather [hbm4b:s29+s1], $0xA000, $0x38;
	[tilespmem:$0x1E600] =	vst v63  }
0x21b: {  	_ =	swait.ge [sflag:s26], $0x140  }
0x21c: {  	[sflag:s26] =	ssyncset.done $0x0  }
0x21d: {  	[sflag:s26] =	ssyncadd.s32 $0xFFFFFEC0  }
0x21e: {  	_ =	swait.ge [sflag:s26], $0xA000  }
0x21f: {  	[sflag:s26] =	ssyncset.done $0x0  }
0x220: {  	[sflag:s26] =	ssyncadd.s32 $0xFFFF6000  }
0x221: {  	[tilespmem:s20], [sflag:$0x6] =	stream.indirect.gather.add.f32 [spmem:s2], $0x80, s25, s12, $0xb8;
	[tilespmem:$0x1E600] =	vst v63  }
0x222: {  	_ =	swait.ge [sflag:s13], $0xA000  }
0x223: {  	[sflag:s13] =	ssyncset.done $0x0  }
0x224: {  	s29 =	rddreg [dreg:$0x19];
	[sflag:s13] =	ssyncadd.s32 $0xFFFF6000  }
0x225: {  	[hbm4b:s29+s1] =	stream.linear.scatter [tilespmem:s5], [sflag:$0x8], $0xA000, $0x38;
	[tilespmem:$0x1E600] =	vst v63  }
0x226: {  	_ =	swait.ge [sflag:s8], $0xA000  }
0x227: {  	[sflag:s8] =	ssyncset.done $0x0  }
0x228: {  	s3 =	rddreg [dreg:$0x1a];
	[sflag:s8] =	ssyncadd.s32 $0xFFFF6000  }
0x229: {  	[tilespmem:s11], [sflag:$0x2] =	stream.linear.gather [hbm4b:s3+s1], $0x140, $0x38;
	[tilespmem:$0x1E600] =	vst v63  }
0x22a: {  	s29 =	rddreg [dreg:$0x1b]  }
0x22b: {  	[tilespmem:s5], [sflag:$0x2] =	stream.linear.gather [hbm4b:s29+s1], $0xA000, $0x38;
	[tilespmem:$0x1E600] =	vst v63  }
0x22c: {  	_ =	swait.ge [sflag:s21], $0x140  }
0x22d: {  	[sflag:s21] =	ssyncset.done $0x0  }
0x22e: {  	[sflag:s21] =	ssyncadd.s32 $0xFFFFFEC0  }
0x22f: {  	_ =	swait.ge [sflag:s21], $0xA000  }
0x230: {  	[sflag:s21] =	ssyncset.done $0x0  }
0x231: {  	[sflag:s21] =	ssyncadd.s32 $0xFFFF6000  }
0x232: {  	[tilespmem:s6], [sflag:$0x4] =	stream.indirect.gather.add.f32 [spmem:s2], $0x80, s17, s12, $0xb8;
	[tilespmem:$0x1E600] =	vst v63  }
0x233: {  	_ =	swait.ge [sflag:s24], $0xA000  }
0x234: {  	[sflag:s24] =	ssyncset.done $0x0  }
0x235: {  	s29 =	rddreg [dreg:$0x1c];
	[sflag:s24] =	ssyncadd.s32 $0xFFFF6000  }
0x236: {  	[hbm4b:s29+s1] =	stream.linear.scatter [tilespmem:s20], [sflag:$0x9], $0xA000, $0x38;
	[tilespmem:$0x1E600] =	vst v63  }
0x237: {  	_ =	swait.ge [sflag:s9], $0xA000  }
0x238: {  	[sflag:s9] =	ssyncset.done $0x0  }
0x239: {  	s3 =	rddreg [dreg:$0x1d];
	[sflag:s9] =	ssyncadd.s32 $0xFFFF6000  }
0x23a: {  	[tilespmem:s25], [sflag:$0x3] =	stream.linear.gather [hbm4b:s3+s1], $0x140, $0x38;
	[tilespmem:$0x1E600] =	vst v63  }
0x23b: {  	s29 =	rddreg [dreg:$0x1e]  }
0x23c: {  	[tilespmem:s20], [sflag:$0x3] =	stream.linear.gather [hbm4b:s29+s1], $0xA000, $0x38;
	[tilespmem:$0x1E600] =	vst v63  }
0x23d: {  	_ =	swait.ge [sflag:s15], $0x140  }
0x23e: {  	[sflag:s15] =	ssyncset.done $0x0  }
0x23f: {  	[sflag:s15] =	ssyncadd.s32 $0xFFFFFEC0  }
0x240: {  	_ =	swait.ge [sflag:s15], $0xA000  }
0x241: {  	[sflag:s15] =	ssyncset.done $0x0  }
0x242: {  	[sflag:s15] =	ssyncadd.s32 $0xFFFF6000  }
0x243: {  	[tilespmem:s5], [sflag:$0x5] =	stream.indirect.gather.add.f32 [spmem:s2], $0x80, s11, s12, $0xb8;
	[tilespmem:$0x1E600] =	vst v63  }
0x244: {  	_ =	swait.ge [sflag:s14], $0xA000  }
0x245: {  	[sflag:s14] =	ssyncset.done $0x0  }
0x246: {  	s29 =	rddreg [dreg:$0x1f];
	[sflag:s14] =	ssyncadd.s32 $0xFFFF6000  }
0x247: {  	[hbm4b:s29+s1] =	stream.linear.scatter [tilespmem:s6], [sflag:$0x7], $0xA000, $0x38;
	[tilespmem:$0x1E600] =	vst v63  }
0x248: {  	_ =	swait.ge [sflag:s7], $0xA000  }
0x249: {  	s3 =	sld [smem:$0x7E3]  }
0x24a: {  	[sflag:s7] =	ssyncset.done $0x0  }
0x24b: {  	s29 =	sld [smem:$0x7E4];
	[sflag:s7] =	ssyncadd.s32 $0xFFFF6000  }
0x24c: {  	[tilespmem:s17], [sflag:$0x1] =	stream.linear.gather [hbm4b:s3+s1], $0x140, $0x38;
	[tilespmem:$0x1E600] =	vst v63  }
0x24d: {  	_ = 	snop  }
0x24e: {  	[tilespmem:s6], [sflag:$0x1] =	stream.linear.gather [hbm4b:s29+s1], $0xA000, $0x38;
	[tilespmem:$0x1E600] =	vst v63  }
0x24f: {  	_ =	swait.ge [sflag:s26], $0x140  }
0x250: {  	[sflag:s26] =	ssyncset.done $0x0  }
0x251: {  	[sflag:s26] =	ssyncadd.s32 $0xFFFFFEC0  }
0x252: {  	_ =	swait.ge [sflag:s26], $0xA000  }
0x253: {  	[sflag:s26] =	ssyncset.done $0x0  }
0x254: {  	[sflag:s26] =	ssyncadd.s32 $0xFFFF6000  }
0x255: {  	[tilespmem:s20], [sflag:$0x6] =	stream.indirect.gather.add.f32 [spmem:s2], $0x80, s25, s12, $0xb8;
	[tilespmem:$0x1E600] =	vst v63  }
0x256: {  	_ =	swait.ge [sflag:s13], $0xA000  }
0x257: {  	s29 =	sld [smem:$0x7E5]  }
0x258: {  	[sflag:s13] =	ssyncset.done $0x0  }
0x259: {  	[sflag:s13] =	ssyncadd.s32 $0xFFFF6000  }
0x25a: {  	[hbm4b:s29+s1] =	stream.linear.scatter [tilespmem:s5], [sflag:$0x8], $0xA000, $0x38;
	[tilespmem:$0x1E600] =	vst v63  }
0x25b: {  	_ =	swait.ge [sflag:s8], $0xA000  }
0x25c: {  	s3 =	sld [smem:$0x7E6]  }
0x25d: {  	[sflag:s8] =	ssyncset.done $0x0  }
0x25e: {  	s29 =	sld [smem:$0x7E7];
	[sflag:s8] =	ssyncadd.s32 $0xFFFF6000  }
0x25f: {  	[tilespmem:s11], [sflag:$0x2] =	stream.linear.gather [hbm4b:s3+s1], $0x140, $0x38;
	[tilespmem:$0x1E600] =	vst v63  }
0x260: {  	_ = 	snop  }
0x261: {  	[tilespmem:s5], [sflag:$0x2] =	stream.linear.gather [hbm4b:s29+s1], $0xA000, $0x38;
	[tilespmem:$0x1E600] =	vst v63  }
0x262: {  	_ =	swait.ge [sflag:s21], $0x140  }
0x263: {  	[sflag:s21] =	ssyncset.done $0x0  }
0x264: {  	[sflag:s21] =	ssyncadd.s32 $0xFFFFFEC0  }
0x265: {  	_ =	swait.ge [sflag:s21], $0xA000  }
0x266: {  	[sflag:s21] =	ssyncset.done $0x0  }
0x267: {  	[sflag:s21] =	ssyncadd.s32 $0xFFFF6000  }
0x268: {  	[tilespmem:s6], [sflag:$0x4] =	stream.indirect.gather.add.f32 [spmem:s2], $0x80, s17, s12, $0xb8;
	[tilespmem:$0x1E600] =	vst v63  }
0x269: {  	_ =	swait.ge [sflag:s24], $0xA000  }
0x26a: {  	s29 =	sld [smem:$0x7E8]  }
0x26b: {  	[sflag:s24] =	ssyncset.done $0x0  }
0x26c: {  	[sflag:s24] =	ssyncadd.s32 $0xFFFF6000  }
0x26d: {  	[hbm4b:s29+s1] =	stream.linear.scatter [tilespmem:s20], [sflag:$0x9], $0xA000, $0x38;
	[tilespmem:$0x1E600] =	vst v63  }
0x26e: {  	_ =	swait.ge [sflag:s9], $0xA000  }
0x26f: {  	s3 =	sld [smem:$0x7E9]  }
0x270: {  	[sflag:s9] =	ssyncset.done $0x0  }
0x271: {  	s29 =	sld [smem:$0x7EA];
	[sflag:s9] =	ssyncadd.s32 $0xFFFF6000  }
0x272: {  	[tilespmem:s25], [sflag:$0x3] =	stream.linear.gather [hbm4b:s3+s1], $0x140, $0x38;
	[tilespmem:$0x1E600] =	vst v63  }
0x273: {  	_ = 	snop  }
0x274: {  	[tilespmem:s20], [sflag:$0x3] =	stream.linear.gather [hbm4b:s29+s1], $0xA000, $0x38;
	[tilespmem:$0x1E600] =	vst v63  }
0x275: {  	_ =	swait.ge [sflag:s15], $0x140  }
0x276: {  	[sflag:s15] =	ssyncset.done $0x0  }
0x277: {  	[sflag:s15] =	ssyncadd.s32 $0xFFFFFEC0  }
0x278: {  	_ =	swait.ge [sflag:s15], $0xA000  }
0x279: {  	[sflag:s15] =	ssyncset.done $0x0  }
0x27a: {  	[sflag:s15] =	ssyncadd.s32 $0xFFFF6000  }
0x27b: {  	[tilespmem:s5], [sflag:$0x5] =	stream.indirect.gather.add.f32 [spmem:s2], $0x80, s11, s12, $0xb8;
	[tilespmem:$0x1E600] =	vst v63  }
0x27c: {  	_ =	swait.ge [sflag:s14], $0xA000  }
0x27d: {  	s29 =	sld [smem:$0x7EB]  }
0x27e: {  	[sflag:s14] =	ssyncset.done $0x0  }
0x27f: {  	[sflag:s14] =	ssyncadd.s32 $0xFFFF6000  }
0x280: {  	[hbm4b:s29+s1] =	stream.linear.scatter [tilespmem:s6], [sflag:$0x7], $0xA000, $0x38;
	[tilespmem:$0x1E600] =	vst v63  }
0x281: {  	_ =	swait.ge [sflag:s7], $0xA000  }
0x282: {  	s3 =	sld [smem:$0x7EC]  }
0x283: {  	[sflag:s7] =	ssyncset.done $0x0  }
0x284: {  	s29 =	sld [smem:$0x7ED];
	[sflag:s7] =	ssyncadd.s32 $0xFFFF6000  }
0x285: {  	[tilespmem:s17], [sflag:$0x1] =	stream.linear.gather [hbm4b:s3+s1], $0x140, $0x38;
	[tilespmem:$0x1E600] =	vst v63  }
0x286: {  	_ = 	snop  }
0x287: {  	[tilespmem:s6], [sflag:$0x1] =	stream.linear.gather [hbm4b:s29+s1], $0xA000, $0x38;
	[tilespmem:$0x1E600] =	vst v63  }
0x288: {  	_ =	swait.ge [sflag:s26], $0x140  }
0x289: {  	[sflag:s26] =	ssyncset.done $0x0  }
0x28a: {  	[sflag:s26] =	ssyncadd.s32 $0xFFFFFEC0  }
0x28b: {  	_ =	swait.ge [sflag:s26], $0xA000  }
0x28c: {  	[sflag:s26] =	ssyncset.done $0x0  }
0x28d: {  	[sflag:s26] =	ssyncadd.s32 $0xFFFF6000  }
0x28e: {  	[tilespmem:s20], [sflag:$0x6] =	stream.indirect.gather.add.f32 [spmem:s2], $0x80, s25, s12, $0xb8;
	[tilespmem:$0x1E600] =	vst v63  }
0x28f: {  	_ =	swait.ge [sflag:s13], $0xA000  }
0x290: {  	s29 =	sld [smem:$0x7EE]  }
0x291: {  	[sflag:s13] =	ssyncset.done $0x0  }
0x292: {  	[sflag:s13] =	ssyncadd.s32 $0xFFFF6000  }
0x293: {  	[hbm4b:s29+s1] =	stream.linear.scatter [tilespmem:s5], [sflag:$0x8], $0xA000, $0x38;
	[tilespmem:$0x1E600] =	vst v63  }
0x294: {  	_ =	swait.ge [sflag:s8], $0xA000  }
0x295: {  	s3 =	sld [smem:$0x7EF]  }
0x296: {  	[sflag:s8] =	ssyncset.done $0x0  }
0x297: {  	s29 =	sld [smem:$0x7F0];
	[sflag:s8] =	ssyncadd.s32 $0xFFFF6000  }
0x298: {  	[tilespmem:s11], [sflag:$0x2] =	stream.linear.gather [hbm4b:s3+s1], $0x140, $0x38;
	[tilespmem:$0x1E600] =	vst v63  }
0x299: {  	_ = 	snop  }
0x29a: {  	[tilespmem:s5], [sflag:$0x2] =	stream.linear.gather [hbm4b:s29+s1], $0xA000, $0x38;
	[tilespmem:$0x1E600] =	vst v63  }
0x29b: {  	_ =	swait.ge [sflag:s21], $0x140  }
0x29c: {  	[sflag:s21] =	ssyncset.done $0x0  }
0x29d: {  	[sflag:s21] =	ssyncadd.s32 $0xFFFFFEC0  }
0x29e: {  	_ =	swait.ge [sflag:s21], $0xA000  }
0x29f: {  	[sflag:s21] =	ssyncset.done $0x0  }
0x2a0: {  	[sflag:s21] =	ssyncadd.s32 $0xFFFF6000  }
0x2a1: {  	[tilespmem:s6], [sflag:$0x4] =	stream.indirect.gather.add.f32 [spmem:s2], $0x80, s17, s12, $0xb8;
	[tilespmem:$0x1E600] =	vst v63  }
0x2a2: {  	_ =	swait.ge [sflag:s24], $0xA000  }
0x2a3: {  	s29 =	sld [smem:$0x7F1]  }
0x2a4: {  	[sflag:s24] =	ssyncset.done $0x0  }
0x2a5: {  	[sflag:s24] =	ssyncadd.s32 $0xFFFF6000  }
0x2a6: {  	[hbm4b:s29+s1] =	stream.linear.scatter [tilespmem:s20], [sflag:$0x9], $0xA000, $0x38;
	[tilespmem:$0x1E600] =	vst v63  }
0x2a7: {  	_ =	swait.ge [sflag:s9], $0xA000  }
0x2a8: {  	s3 =	sld [smem:$0x7F2]  }
0x2a9: {  	[sflag:s9] =	ssyncset.done $0x0  }
0x2aa: {  	s29 =	sld [smem:$0x7F3];
	[sflag:s9] =	ssyncadd.s32 $0xFFFF6000  }
0x2ab: {  	[tilespmem:s25], [sflag:$0x3] =	stream.linear.gather [hbm4b:s3+s1], $0x140, $0x38;
	[tilespmem:$0x1E600] =	vst v63  }
0x2ac: {  	_ = 	snop  }
0x2ad: {  	[tilespmem:s20], [sflag:$0x3] =	stream.linear.gather [hbm4b:s29+s1], $0xA000, $0x38;
	[tilespmem:$0x1E600] =	vst v63  }
0x2ae: {  	_ =	swait.ge [sflag:s15], $0x140  }
0x2af: {  	[sflag:s15] =	ssyncset.done $0x0  }
0x2b0: {  	[sflag:s15] =	ssyncadd.s32 $0xFFFFFEC0  }
0x2b1: {  	_ =	swait.ge [sflag:s15], $0xA000  }
0x2b2: {  	[sflag:s15] =	ssyncset.done $0x0  }
0x2b3: {  	[sflag:s15] =	ssyncadd.s32 $0xFFFF6000  }
0x2b4: {  	[tilespmem:s5], [sflag:$0x5] =	stream.indirect.gather.add.f32 [spmem:s2], $0x80, s11, s12, $0xb8;
	[tilespmem:$0x1E600] =	vst v63  }
0x2b5: {  	_ =	swait.ge [sflag:s14], $0xA000  }
0x2b6: {  	s29 =	sld [smem:$0x7F4]  }
0x2b7: {  	[sflag:s14] =	ssyncset.done $0x0  }
0x2b8: {  	[sflag:s14] =	ssyncadd.s32 $0xFFFF6000  }
0x2b9: {  	[hbm4b:s29+s1] =	stream.linear.scatter [tilespmem:s6], [sflag:$0x7], $0xA000, $0x38;
	[tilespmem:$0x1E600] =	vst v63  }
0x2ba: {  	_ =	swait.ge [sflag:s7], $0xA000  }
0x2bb: {  	s3 =	sld [smem:$0x7F5]  }
0x2bc: {  	[sflag:s7] =	ssyncset.done $0x0  }
0x2bd: {  	s29 =	sld [smem:$0x7F6];
	[sflag:s7] =	ssyncadd.s32 $0xFFFF6000  }
0x2be: {  	[tilespmem:s17], [sflag:$0x1] =	stream.linear.gather [hbm4b:s3+s1], $0x140, $0x38;
	[tilespmem:$0x1E600] =	vst v63  }
0x2bf: {  	_ = 	snop  }
0x2c0: {  	[tilespmem:s6], [sflag:$0x1] =	stream.linear.gather [hbm4b:s29+s1], $0xA000, $0x38;
	[tilespmem:$0x1E600] =	vst v63  }
0x2c1: {  	_ =	swait.ge [sflag:s26], $0x140  }
0x2c2: {  	[sflag:s26] =	ssyncset.done $0x0  }
0x2c3: {  	[sflag:s26] =	ssyncadd.s32 $0xFFFFFEC0  }
0x2c4: {  	_ =	swait.ge [sflag:s26], $0xA000  }
0x2c5: {  	[sflag:s26] =	ssyncset.done $0x0  }
0x2c6: {  	[sflag:s26] =	ssyncadd.s32 $0xFFFF6000  }
0x2c7: {  	[tilespmem:s20], [sflag:$0x6] =	stream.indirect.gather.add.f32 [spmem:s2], $0x80, s25, s12, $0xb8;
	[tilespmem:$0x1E600] =	vst v63  }
0x2c8: {  	_ =	swait.ge [sflag:s13], $0xA000  }
0x2c9: {  	s29 =	sld [smem:$0x7F7]  }
0x2ca: {  	[sflag:s13] =	ssyncset.done $0x0  }
0x2cb: {  	[sflag:s13] =	ssyncadd.s32 $0xFFFF6000  }
0x2cc: {  	[hbm4b:s29+s1] =	stream.linear.scatter [tilespmem:s5], [sflag:$0x8], $0xA000, $0x38;
	[tilespmem:$0x1E600] =	vst v63  }
0x2cd: {  	_ =	swait.ge [sflag:s8], $0xA000  }
0x2ce: {  	s3 =	sld [smem:$0x7F8]  }
0x2cf: {  	[sflag:s8] =	ssyncset.done $0x0  }
0x2d0: {  	s29 =	sld [smem:$0x7F9];
	[sflag:s8] =	ssyncadd.s32 $0xFFFF6000  }
0x2d1: {  	[tilespmem:s11], [sflag:$0x2] =	stream.linear.gather [hbm4b:s3+s1], $0x140, $0x38;
	[tilespmem:$0x1E600] =	vst v63  }
0x2d2: {  	_ = 	snop  }
0x2d3: {  	[tilespmem:s5], [sflag:$0x2] =	stream.linear.gather [hbm4b:s29+s1], $0xA000, $0x38;
	[tilespmem:$0x1E600] =	vst v63  }
0x2d4: {  	_ =	swait.ge [sflag:s21], $0x140  }
0x2d5: {  	[sflag:s21] =	ssyncset.done $0x0  }
0x2d6: {  	[sflag:s21] =	ssyncadd.s32 $0xFFFFFEC0  }
0x2d7: {  	_ =	swait.ge [sflag:s21], $0xA000  }
0x2d8: {  	[sflag:s21] =	ssyncset.done $0x0  }
0x2d9: {  	[sflag:s21] =	ssyncadd.s32 $0xFFFF6000  }
0x2da: {  	[tilespmem:s6], [sflag:$0x4] =	stream.indirect.gather.add.f32 [spmem:s2], $0x80, s17, s12, $0xb8;
	[tilespmem:$0x1E600] =	vst v63  }
0x2db: {  	_ =	swait.ge [sflag:s24], $0xA000  }
0x2dc: {  	s29 =	sld [smem:$0x7FA]  }
0x2dd: {  	[sflag:s24] =	ssyncset.done $0x0  }
0x2de: {  	[sflag:s24] =	ssyncadd.s32 $0xFFFF6000  }
0x2df: {  	[hbm4b:s29+s1] =	stream.linear.scatter [tilespmem:s20], [sflag:$0x9], $0xA000, $0x38;
	[tilespmem:$0x1E600] =	vst v63  }
0x2e0: {  	_ =	swait.ge [sflag:s9], $0xA000  }
0x2e1: {  	s3 =	sld [smem:$0x7FB]  }
0x2e2: {  	[sflag:s9] =	ssyncset.done $0x0  }
0x2e3: {  	s29 =	sld [smem:$0x7FC];
	[sflag:s9] =	ssyncadd.s32 $0xFFFF6000  }
0x2e4: {  	[tilespmem:s25], [sflag:$0x3] =	stream.linear.gather [hbm4b:s3+s1], $0x140, $0x38;
	[tilespmem:$0x1E600] =	vst v63  }
0x2e5: {  	_ = 	snop  }
0x2e6: {  	[tilespmem:s20], [sflag:$0x3] =	stream.linear.gather [hbm4b:s29+s1], $0xA000, $0x38;
	[tilespmem:$0x1E600] =	vst v63  }
0x2e7: {  	_ =	swait.ge [sflag:s15], $0x140  }
0x2e8: {  	[sflag:s15] =	ssyncset.done $0x0  }
0x2e9: {  	[sflag:s15] =	ssyncadd.s32 $0xFFFFFEC0  }
0x2ea: {  	_ =	swait.ge [sflag:s15], $0xA000  }
0x2eb: {  	[sflag:s15] =	ssyncset.done $0x0  }
0x2ec: {  	[sflag:s15] =	ssyncadd.s32 $0xFFFF6000  }
0x2ed: {  	[tilespmem:s5], [sflag:$0x5] =	stream.indirect.gather.add.f32 [spmem:s2], $0x80, s11, s12, $0xb8;
	[tilespmem:$0x1E600] =	vst v63  }
0x2ee: {  	_ =	swait.ge [sflag:s14], $0xA000  }
0x2ef: {  	s29 =	sld [smem:$0x7FD]  }
0x2f0: {  	[sflag:s14] =	ssyncset.done $0x0  }
0x2f1: {  	[sflag:s14] =	ssyncadd.s32 $0xFFFF6000  }
0x2f2: {  	[hbm4b:s29+s1] =	stream.linear.scatter [tilespmem:s6], [sflag:$0x7], $0xA000, $0x38;
	[tilespmem:$0x1E600] =	vst v63  }
0x2f3: {  	_ =	swait.ge [sflag:s7], $0xA000  }
0x2f4: {  	s29 =	sld [smem:$0x7E1]  }
0x2f5: {  	[sflag:s7] =	ssyncset.done $0x0  }
0x2f6: {  	[sflag:s7] =	ssyncadd.s32 $0xFFFF6000  }
0x2f7: {  	[tilespmem:s17], [sflag:$0x1] =	stream.linear.gather [hbm4b:s29+s1], $0x140, $0x38;
	[tilespmem:$0x1E600] =	vst v63  }
0x2f8: {  	_ = 	snop  }
0x2f9: {  	[tilespmem:s6], [sflag:$0x1] =	stream.linear.gather [hbm4b:s28+s1], $0xA000, $0x38;
	[tilespmem:$0x1E600] =	vst v63  }
0x2fa: {  	_ =	swait.ge [sflag:s26], $0x140  }
0x2fb: {  	[sflag:s26] =	ssyncset.done $0x0  }
0x2fc: {  	[sflag:s26] =	ssyncadd.s32 $0xFFFFFEC0  }
0x2fd: {  	_ =	swait.ge [sflag:s26], $0xA000  }
0x2fe: {  	[sflag:s26] =	ssyncset.done $0x0  }
0x2ff: {  	[sflag:s26] =	ssyncadd.s32 $0xFFFF6000  }
0x300: {  	[tilespmem:s20], [sflag:$0x6] =	stream.indirect.gather.add.f32 [spmem:s2], $0x80, s25, s12, $0xb8;
	[tilespmem:$0x1E600] =	vst v63  }
0x301: {  	_ =	swait.ge [sflag:s13], $0xA000  }
0x302: {  	[sflag:s13] =	ssyncset.done $0x0  }
0x303: {  	[sflag:s13] =	ssyncadd.s32 $0xFFFF6000  }
0x304: {  	[hbm4b:s23+s1] =	stream.linear.scatter [tilespmem:s5], [sflag:$0x8], $0xA000, $0x38;
	[tilespmem:$0x1E600] =	vst v63  }
0x305: {  	_ =	swait.ge [sflag:s8], $0xA000  }
0x306: {  	[sflag:s8] =	ssyncset.done $0x0  }
0x307: {  	[sflag:s8] =	ssyncadd.s32 $0xFFFF6000  }
0x308: {  	[tilespmem:s11], [sflag:$0x2] =	stream.linear.gather [hbm4b:s18+s1], $0x140, $0x38;
	[tilespmem:$0x1E600] =	vst v63  }
0x309: {  	_ = 	snop  }
0x30a: {  	[tilespmem:s5], [sflag:$0x2] =	stream.linear.gather [hbm4b:s19+s1], $0xA000, $0x38;
	[tilespmem:$0x1E600] =	vst v63  }
0x30b: {  	_ =	swait.ge [sflag:s21], $0x140  }
0x30c: {  	[sflag:s21] =	ssyncset.done $0x0  }
0x30d: {  	[sflag:s21] =	ssyncadd.s32 $0xFFFFFEC0  }
0x30e: {  	_ =	swait.ge [sflag:s21], $0xA000  }
0x30f: {  	[sflag:s21] =	ssyncset.done $0x0  }
0x310: {  	[sflag:s21] =	ssyncadd.s32 $0xFFFF6000  }
0x311: {  	[tilespmem:s6], [sflag:$0x4] =	stream.indirect.gather.add.f32 [spmem:s2], $0x80, s17, s12, $0xb8;
	[tilespmem:$0x1E600] =	vst v63  }
0x312: {  	_ =	swait.ge [sflag:s24], $0xA000  }
0x313: {  	[sflag:s24] =	ssyncset.done $0x0  }
0x314: {  	[sflag:s24] =	ssyncadd.s32 $0xFFFF6000  }
0x315: {  	[hbm4b:s16+s1] =	stream.linear.scatter [tilespmem:s20], [sflag:$0x9], $0xA000, $0x38;
	[tilespmem:$0x1E600] =	vst v63  }
0x316: {  	_ =	swait.ge [sflag:s15], $0x140  }
0x317: {  	[sflag:s15] =	ssyncset.done $0x0  }
0x318: {  	[sflag:s15] =	ssyncadd.s32 $0xFFFFFEC0  }
0x319: {  	_ =	swait.ge [sflag:s15], $0xA000  }
0x31a: {  	[sflag:s15] =	ssyncset.done $0x0  }
0x31b: {  	[sflag:s15] =	ssyncadd.s32 $0xFFFF6000  }
0x31c: {  	[tilespmem:s5], [sflag:$0x5] =	stream.indirect.gather.add.f32 [spmem:s2], $0x80, s11, s12, $0xb8;
	[tilespmem:$0x1E600] =	vst v63  }
0x31d: {  	_ =	swait.ge [sflag:s14], $0xA000  }
0x31e: {  	[sflag:s14] =	ssyncset.done $0x0  }
0x31f: {  	[sflag:s14] =	ssyncadd.s32 $0xFFFF6000  }
0x320: {  	[hbm4b:s10+s1] =	stream.linear.scatter [tilespmem:s6], [sflag:$0x7], $0xA000, $0x38;
	[tilespmem:$0x1E600] =	vst v63  }
0x321: {  	_ =	swait.ge [sflag:s13], $0xA000  }
0x322: {  	[sflag:s13] =	ssyncset.done $0x0  }
0x323: {  	[sflag:s13] =	ssyncadd.s32 $0xFFFF6000  }
0x324: {  	[hbm4b:s4+s1] =	stream.linear.scatter [tilespmem:s5], [sflag:$0x8], $0xA000, $0x38;
	[tilespmem:$0x1E600] =	vst v63  }
0x325: {  	_ =	swait.ge [sflag:s7], $0xA000  }
0x326: {  	s31 =	sadd.s32 $0xFFFFFFFF, s31;
	[sflag:s7] =	ssyncset.done $0x0  }
0x327: {  	p2 =	sne.s32 s31, $0x0;
	[sflag:s7] =	ssyncadd.s32 $0xFFFF6000  }
.Ltmp2:
0x328: {  	_ =	swait.ge [sflag:s8], $0xA000;
	(pc) =	sbr.rel @p2 .LBB2_4-.Ltmp2, $4  }
0x329: {  	[sflag:s8] =	ssyncset.done $0x0  }
0x32a: {  	[sflag:s8] =	ssyncadd.s32 $0xFFFF6000  }
0x32b: {  	_ =	swait.ge [sflag:s9], $0xA000  }
0x32c: {  	s3 =	smov.u32 s4;
	s0 =	rddreg [dreg:$0x7];
	[sflag:s9] =	ssyncset.done $0x0  }
0x32d: {  	s29 =	rddreg [dreg:$0x5]  }
0x32e: {  	s30 =	smov.u32 s22;
	s22 =	smov.u32 s23;
	s23 =	sld [smem:$0x7E1]  }
.LBB2_6:
0x32f: {  	[sflag:s9] =	ssyncadd.s32 @p1 $0xFFFF6000;
	s3 =	rddreg [dreg:$0x8]  }
0x330: {  	[tilespmem:s17], [sflag:$0x1] =	stream.linear.gather [hbm4b:s0+s1], $0x140, $0x38;
	[tilespmem:$0x1E600] =	vst v63  }
0x331: {  	s31 =	rddreg [dreg:$0xa]  }
0x332: {  	[tilespmem:s6], [sflag:$0x1] =	stream.linear.gather [hbm4b:s3+s1], $0xA000, $0x38;
	[tilespmem:$0x1E600] =	vst v63  }
0x333: {  	s0 =	rddreg [dreg:$0x9]  }
0x334: {  	[tilespmem:s11], [sflag:$0x2] =	stream.linear.gather [hbm4b:s0+s1], $0x140, $0x38;
	[tilespmem:$0x1E600] =	vst v63  }
0x335: {  	s3 =	simm.s32 @!p0 $0x1C0A;
	s0 =	rddreg [dreg:$0x6]  }
0x336: {  	[tilespmem:s5], [sflag:$0x2] =	stream.linear.gather [hbm4b:s31+s1], $0xA000, $0x38;
	[tilespmem:$0x1E600] =	vst v63  }
0x337: {  	[spmem:s30], [sflag:s3] =	dma.local @!p0 [hbm:s0], $0x300  }
0x338: {  	s0 =	simm.s32 @!p0 $0xA  }
0x339: {  	_ =	swait.ge @!p0 [sflag:s0], $0x300  }
0x33a: {  	[sflag:s0] =	ssyncset.done @!p0 $0x0  }
0x33b: {  	[sflag:s0] =	ssyncadd.s32 @!p0 $0xFFFFFD00  }
0x33c: {  	[bflag:$0x0] =	sbarrier.arrive $0xFFFF  }
0x33d: {  	_ =	swait.ge [sflag:s21], $0x140  }
0x33e: {  	[sflag:s21] =	ssyncset.done $0x0  }
0x33f: {  	[sflag:s21] =	ssyncadd.s32 $0xFFFFFEC0  }
0x340: {  	_ =	swait.ge [sflag:s21], $0xA000  }
0x341: {  	[sflag:s21] =	ssyncset.done $0x0  }
0x342: {  	[sflag:s21] =	ssyncadd.s32 $0xFFFF6000  }
0x343: {  	[tilespmem:s6], [sflag:$0x4] =	stream.indirect.gather.add.f32 [spmem:s2], $0x80, s17, s12, $0xb8;
	[tilespmem:$0x1E600] =	vst v63  }
0x344: {  	s3 =	rddreg [dreg:$0xb]  }
0x345: {  	[tilespmem:s25], [sflag:$0x3] =	stream.linear.gather [hbm4b:s3+s1], $0x140, $0x38;
	[tilespmem:$0x1E600] =	vst v63  }
0x346: {  	s30 =	rddreg [dreg:$0xc]  }
0x347: {  	[tilespmem:s20], [sflag:$0x3] =	stream.linear.gather [hbm4b:s30+s1], $0xA000, $0x38;
	[tilespmem:$0x1E600] =	vst v63  }
0x348: {  	_ =	swait.ge [sflag:s15], $0x140  }
0x349: {  	[sflag:s15] =	ssyncset.done $0x0  }
0x34a: {  	[sflag:s15] =	ssyncadd.s32 $0xFFFFFEC0  }
0x34b: {  	_ =	swait.ge [sflag:s15], $0xA000  }
0x34c: {  	[sflag:s15] =	ssyncset.done $0x0  }
0x34d: {  	[sflag:s15] =	ssyncadd.s32 $0xFFFF6000  }
0x34e: {  	[tilespmem:s5], [sflag:$0x5] =	stream.indirect.gather.add.f32 [spmem:s2], $0x80, s11, s12, $0xb8;
	[tilespmem:$0x1E600] =	vst v63  }
0x34f: {  	_ =	swait.ge [sflag:s14], $0xA000  }
0x350: {  	[sflag:s14] =	ssyncset.done $0x0  }
0x351: {  	s31 =	rddreg [dreg:$0xd];
	[sflag:s14] =	ssyncadd.s32 $0xFFFF6000  }
0x352: {  	[hbm4b:s31+s1] =	stream.linear.scatter [tilespmem:s6], [sflag:$0x7], $0xA000, $0x38;
	[tilespmem:$0x1E600] =	vst v63  }
0x353: {  	_ =	swait.ge [sflag:s7], $0xA000  }
0x354: {  	[sflag:s7] =	ssyncset.done $0x0  }
0x355: {  	s3 =	rddreg [dreg:$0xe];
	[sflag:s7] =	ssyncadd.s32 $0xFFFF6000  }
0x356: {  	[tilespmem:s17], [sflag:$0x1] =	stream.linear.gather [hbm4b:s3+s1], $0x140, $0x38;
	[tilespmem:$0x1E600] =	vst v63  }
0x357: {  	s30 =	rddreg [dreg:$0xf]  }
0x358: {  	[tilespmem:s6], [sflag:$0x1] =	stream.linear.gather [hbm4b:s30+s1], $0xA000, $0x38;
	[tilespmem:$0x1E600] =	vst v63  }
0x359: {  	_ =	swait.ge [sflag:s26], $0x140  }
0x35a: {  	[sflag:s26] =	ssyncset.done $0x0  }
0x35b: {  	[sflag:s26] =	ssyncadd.s32 $0xFFFFFEC0  }
0x35c: {  	_ =	swait.ge [sflag:s26], $0xA000  }
0x35d: {  	[sflag:s26] =	ssyncset.done $0x0  }
0x35e: {  	[sflag:s26] =	ssyncadd.s32 $0xFFFF6000  }
0x35f: {  	[tilespmem:s20], [sflag:$0x6] =	stream.indirect.gather.add.f32 [spmem:s2], $0x80, s25, s12, $0xb8;
	[tilespmem:$0x1E600] =	vst v63  }
0x360: {  	_ =	swait.ge [sflag:s13], $0xA000  }
0x361: {  	[sflag:s13] =	ssyncset.done $0x0  }
0x362: {  	s31 =	rddreg [dreg:$0x10];
	[sflag:s13] =	ssyncadd.s32 $0xFFFF6000  }
0x363: {  	[hbm4b:s31+s1] =	stream.linear.scatter [tilespmem:s5], [sflag:$0x8], $0xA000, $0x38;
	[tilespmem:$0x1E600] =	vst v63  }
0x364: {  	_ =	swait.ge [sflag:s8], $0xA000  }
0x365: {  	[sflag:s8] =	ssyncset.done $0x0  }
0x366: {  	s3 =	rddreg [dreg:$0x11];
	[sflag:s8] =	ssyncadd.s32 $0xFFFF6000  }
0x367: {  	[tilespmem:s11], [sflag:$0x2] =	stream.linear.gather [hbm4b:s3+s1], $0x140, $0x38;
	[tilespmem:$0x1E600] =	vst v63  }
0x368: {  	s30 =	rddreg [dreg:$0x12]  }
0x369: {  	[tilespmem:s5], [sflag:$0x2] =	stream.linear.gather [hbm4b:s30+s1], $0xA000, $0x38;
	[tilespmem:$0x1E600] =	vst v63  }
0x36a: {  	_ =	swait.ge [sflag:s21], $0x140  }
0x36b: {  	[sflag:s21] =	ssyncset.done $0x0  }
0x36c: {  	[sflag:s21] =	ssyncadd.s32 $0xFFFFFEC0  }
0x36d: {  	_ =	swait.ge [sflag:s21], $0xA000  }
0x36e: {  	[sflag:s21] =	ssyncset.done $0x0  }
0x36f: {  	[sflag:s21] =	ssyncadd.s32 $0xFFFF6000  }
0x370: {  	[tilespmem:s6], [sflag:$0x4] =	stream.indirect.gather.add.f32 [spmem:s2], $0x80, s17, s12, $0xb8;
	[tilespmem:$0x1E600] =	vst v63  }
0x371: {  	_ =	swait.ge [sflag:s24], $0xA000  }
0x372: {  	[sflag:s24] =	ssyncset.done $0x0  }
0x373: {  	s31 =	rddreg [dreg:$0x13];
	[sflag:s24] =	ssyncadd.s32 $0xFFFF6000  }
0x374: {  	[hbm4b:s31+s1] =	stream.linear.scatter [tilespmem:s20], [sflag:$0x9], $0xA000, $0x38;
	[tilespmem:$0x1E600] =	vst v63  }
0x375: {  	_ =	swait.ge [sflag:s9], $0xA000  }
0x376: {  	[sflag:s9] =	ssyncset.done $0x0  }
0x377: {  	s3 =	rddreg [dreg:$0x14];
	[sflag:s9] =	ssyncadd.s32 $0xFFFF6000  }
0x378: {  	[tilespmem:s25], [sflag:$0x3] =	stream.linear.gather [hbm4b:s3+s1], $0x140, $0x38;
	[tilespmem:$0x1E600] =	vst v63  }
0x379: {  	s30 =	rddreg [dreg:$0x15]  }
0x37a: {  	[tilespmem:s20], [sflag:$0x3] =	stream.linear.gather [hbm4b:s30+s1], $0xA000, $0x38;
	[tilespmem:$0x1E600] =	vst v63  }
0x37b: {  	_ =	swait.ge [sflag:s15], $0x140  }
0x37c: {  	[sflag:s15] =	ssyncset.done $0x0  }
0x37d: {  	[sflag:s15] =	ssyncadd.s32 $0xFFFFFEC0  }
0x37e: {  	_ =	swait.ge [sflag:s15], $0xA000  }
0x37f: {  	[sflag:s15] =	ssyncset.done $0x0  }
0x380: {  	[sflag:s15] =	ssyncadd.s32 $0xFFFF6000  }
0x381: {  	[tilespmem:s5], [sflag:$0x5] =	stream.indirect.gather.add.f32 [spmem:s2], $0x80, s11, s12, $0xb8;
	[tilespmem:$0x1E600] =	vst v63  }
0x382: {  	_ =	swait.ge [sflag:s14], $0xA000  }
0x383: {  	[sflag:s14] =	ssyncset.done $0x0  }
0x384: {  	s31 =	rddreg [dreg:$0x16];
	[sflag:s14] =	ssyncadd.s32 $0xFFFF6000  }
0x385: {  	[hbm4b:s31+s1] =	stream.linear.scatter [tilespmem:s6], [sflag:$0x7], $0xA000, $0x38;
	[tilespmem:$0x1E600] =	vst v63  }
0x386: {  	_ =	swait.ge [sflag:s7], $0xA000  }
0x387: {  	[sflag:s7] =	ssyncset.done $0x0  }
0x388: {  	s3 =	rddreg [dreg:$0x17];
	[sflag:s7] =	ssyncadd.s32 $0xFFFF6000  }
0x389: {  	[tilespmem:s17], [sflag:$0x1] =	stream.linear.gather [hbm4b:s3+s1], $0x140, $0x38;
	[tilespmem:$0x1E600] =	vst v63  }
0x38a: {  	s30 =	rddreg [dreg:$0x18]  }
0x38b: {  	[tilespmem:s6], [sflag:$0x1] =	stream.linear.gather [hbm4b:s30+s1], $0xA000, $0x38;
	[tilespmem:$0x1E600] =	vst v63  }
0x38c: {  	_ =	swait.ge [sflag:s26], $0x140  }
0x38d: {  	[sflag:s26] =	ssyncset.done $0x0  }
0x38e: {  	[sflag:s26] =	ssyncadd.s32 $0xFFFFFEC0  }
0x38f: {  	_ =	swait.ge [sflag:s26], $0xA000  }
0x390: {  	[sflag:s26] =	ssyncset.done $0x0  }
0x391: {  	[sflag:s26] =	ssyncadd.s32 $0xFFFF6000  }
0x392: {  	[tilespmem:s20], [sflag:$0x6] =	stream.indirect.gather.add.f32 [spmem:s2], $0x80, s25, s12, $0xb8;
	[tilespmem:$0x1E600] =	vst v63  }
0x393: {  	_ =	swait.ge [sflag:s13], $0xA000  }
0x394: {  	[sflag:s13] =	ssyncset.done $0x0  }
0x395: {  	s31 =	rddreg [dreg:$0x19];
	[sflag:s13] =	ssyncadd.s32 $0xFFFF6000  }
0x396: {  	[hbm4b:s31+s1] =	stream.linear.scatter [tilespmem:s5], [sflag:$0x8], $0xA000, $0x38;
	[tilespmem:$0x1E600] =	vst v63  }
0x397: {  	_ =	swait.ge [sflag:s8], $0xA000  }
0x398: {  	[sflag:s8] =	ssyncset.done $0x0  }
0x399: {  	s3 =	rddreg [dreg:$0x1a];
	[sflag:s8] =	ssyncadd.s32 $0xFFFF6000  }
0x39a: {  	[tilespmem:s11], [sflag:$0x2] =	stream.linear.gather [hbm4b:s3+s1], $0x140, $0x38;
	[tilespmem:$0x1E600] =	vst v63  }
0x39b: {  	s30 =	rddreg [dreg:$0x1b]  }
0x39c: {  	[tilespmem:s5], [sflag:$0x2] =	stream.linear.gather [hbm4b:s30+s1], $0xA000, $0x38;
	[tilespmem:$0x1E600] =	vst v63  }
0x39d: {  	_ =	swait.ge [sflag:s21], $0x140  }
0x39e: {  	[sflag:s21] =	ssyncset.done $0x0  }
0x39f: {  	[sflag:s21] =	ssyncadd.s32 $0xFFFFFEC0  }
0x3a0: {  	_ =	swait.ge [sflag:s21], $0xA000  }
0x3a1: {  	[sflag:s21] =	ssyncset.done $0x0  }
0x3a2: {  	[sflag:s21] =	ssyncadd.s32 $0xFFFF6000  }
0x3a3: {  	[tilespmem:s6], [sflag:$0x4] =	stream.indirect.gather.add.f32 [spmem:s2], $0x80, s17, s12, $0xb8;
	[tilespmem:$0x1E600] =	vst v63  }
0x3a4: {  	_ =	swait.ge [sflag:s24], $0xA000  }
0x3a5: {  	[sflag:s24] =	ssyncset.done $0x0  }
0x3a6: {  	s31 =	rddreg [dreg:$0x1c];
	[sflag:s24] =	ssyncadd.s32 $0xFFFF6000  }
0x3a7: {  	[hbm4b:s31+s1] =	stream.linear.scatter [tilespmem:s20], [sflag:$0x9], $0xA000, $0x38;
	[tilespmem:$0x1E600] =	vst v63  }
0x3a8: {  	_ =	swait.ge [sflag:s9], $0xA000  }
0x3a9: {  	[sflag:s9] =	ssyncset.done $0x0  }
0x3aa: {  	s3 =	rddreg [dreg:$0x1d];
	[sflag:s9] =	ssyncadd.s32 $0xFFFF6000  }
0x3ab: {  	[tilespmem:s25], [sflag:$0x3] =	stream.linear.gather [hbm4b:s3+s1], $0x140, $0x38;
	[tilespmem:$0x1E600] =	vst v63  }
0x3ac: {  	s30 =	rddreg [dreg:$0x1e]  }
0x3ad: {  	[tilespmem:s20], [sflag:$0x3] =	stream.linear.gather [hbm4b:s30+s1], $0xA000, $0x38;
	[tilespmem:$0x1E600] =	vst v63  }
0x3ae: {  	_ =	swait.ge [sflag:s15], $0x140  }
0x3af: {  	[sflag:s15] =	ssyncset.done $0x0  }
0x3b0: {  	[sflag:s15] =	ssyncadd.s32 $0xFFFFFEC0  }
0x3b1: {  	_ =	swait.ge [sflag:s15], $0xA000  }
0x3b2: {  	[sflag:s15] =	ssyncset.done $0x0  }
0x3b3: {  	[sflag:s15] =	ssyncadd.s32 $0xFFFF6000  }
0x3b4: {  	[tilespmem:s5], [sflag:$0x5] =	stream.indirect.gather.add.f32 [spmem:s2], $0x80, s11, s12, $0xb8;
	[tilespmem:$0x1E600] =	vst v63  }
0x3b5: {  	_ =	swait.ge [sflag:s14], $0xA000  }
0x3b6: {  	[sflag:s14] =	ssyncset.done $0x0  }
0x3b7: {  	s31 =	rddreg [dreg:$0x1f];
	[sflag:s14] =	ssyncadd.s32 $0xFFFF6000  }
0x3b8: {  	[hbm4b:s31+s1] =	stream.linear.scatter [tilespmem:s6], [sflag:$0x7], $0xA000, $0x38;
	[tilespmem:$0x1E600] =	vst v63  }
0x3b9: {  	_ =	swait.ge [sflag:s7], $0xA000  }
0x3ba: {  	s3 =	sld [smem:$0x7E3]  }
0x3bb: {  	[sflag:s7] =	ssyncset.done $0x0  }
0x3bc: {  	s30 =	sld [smem:$0x7E4];
	[sflag:s7] =	ssyncadd.s32 $0xFFFF6000  }
0x3bd: {  	[tilespmem:s17], [sflag:$0x1] =	stream.linear.gather [hbm4b:s3+s1], $0x140, $0x38;
	[tilespmem:$0x1E600] =	vst v63  }
0x3be: {  	_ = 	snop  }
0x3bf: {  	[tilespmem:s6], [sflag:$0x1] =	stream.linear.gather [hbm4b:s30+s1], $0xA000, $0x38;
	[tilespmem:$0x1E600] =	vst v63  }
0x3c0: {  	_ =	swait.ge [sflag:s26], $0x140  }
0x3c1: {  	[sflag:s26] =	ssyncset.done $0x0  }
0x3c2: {  	[sflag:s26] =	ssyncadd.s32 $0xFFFFFEC0  }
0x3c3: {  	_ =	swait.ge [sflag:s26], $0xA000  }
0x3c4: {  	[sflag:s26] =	ssyncset.done $0x0  }
0x3c5: {  	[sflag:s26] =	ssyncadd.s32 $0xFFFF6000  }
0x3c6: {  	[tilespmem:s20], [sflag:$0x6] =	stream.indirect.gather.add.f32 [spmem:s2], $0x80, s25, s12, $0xb8;
	[tilespmem:$0x1E600] =	vst v63  }
0x3c7: {  	_ =	swait.ge [sflag:s13], $0xA000  }
0x3c8: {  	s31 =	sld [smem:$0x7E5]  }
0x3c9: {  	[sflag:s13] =	ssyncset.done $0x0  }
0x3ca: {  	[sflag:s13] =	ssyncadd.s32 $0xFFFF6000  }
0x3cb: {  	[hbm4b:s31+s1] =	stream.linear.scatter [tilespmem:s5], [sflag:$0x8], $0xA000, $0x38;
	[tilespmem:$0x1E600] =	vst v63  }
0x3cc: {  	_ =	swait.ge [sflag:s8], $0xA000  }
0x3cd: {  	s3 =	sld [smem:$0x7E6]  }
0x3ce: {  	[sflag:s8] =	ssyncset.done $0x0  }
0x3cf: {  	s30 =	sld [smem:$0x7E7];
	[sflag:s8] =	ssyncadd.s32 $0xFFFF6000  }
0x3d0: {  	[tilespmem:s11], [sflag:$0x2] =	stream.linear.gather [hbm4b:s3+s1], $0x140, $0x38;
	[tilespmem:$0x1E600] =	vst v63  }
0x3d1: {  	_ = 	snop  }
0x3d2: {  	[tilespmem:s5], [sflag:$0x2] =	stream.linear.gather [hbm4b:s30+s1], $0xA000, $0x38;
	[tilespmem:$0x1E600] =	vst v63  }
0x3d3: {  	_ =	swait.ge [sflag:s21], $0x140  }
0x3d4: {  	[sflag:s21] =	ssyncset.done $0x0  }
0x3d5: {  	[sflag:s21] =	ssyncadd.s32 $0xFFFFFEC0  }
0x3d6: {  	_ =	swait.ge [sflag:s21], $0xA000  }
0x3d7: {  	[sflag:s21] =	ssyncset.done $0x0  }
0x3d8: {  	[sflag:s21] =	ssyncadd.s32 $0xFFFF6000  }
0x3d9: {  	[tilespmem:s6], [sflag:$0x4] =	stream.indirect.gather.add.f32 [spmem:s2], $0x80, s17, s12, $0xb8;
	[tilespmem:$0x1E600] =	vst v63  }
0x3da: {  	_ =	swait.ge [sflag:s24], $0xA000  }
0x3db: {  	s31 =	sld [smem:$0x7E8]  }
0x3dc: {  	[sflag:s24] =	ssyncset.done $0x0  }
0x3dd: {  	[sflag:s24] =	ssyncadd.s32 $0xFFFF6000  }
0x3de: {  	[hbm4b:s31+s1] =	stream.linear.scatter [tilespmem:s20], [sflag:$0x9], $0xA000, $0x38;
	[tilespmem:$0x1E600] =	vst v63  }
0x3df: {  	_ =	swait.ge [sflag:s9], $0xA000  }
0x3e0: {  	s3 =	sld [smem:$0x7E9]  }
0x3e1: {  	[sflag:s9] =	ssyncset.done $0x0  }
0x3e2: {  	s30 =	sld [smem:$0x7EA];
	[sflag:s9] =	ssyncadd.s32 $0xFFFF6000  }
0x3e3: {  	[tilespmem:s25], [sflag:$0x3] =	stream.linear.gather [hbm4b:s3+s1], $0x140, $0x38;
	[tilespmem:$0x1E600] =	vst v63  }
0x3e4: {  	_ = 	snop  }
0x3e5: {  	[tilespmem:s20], [sflag:$0x3] =	stream.linear.gather [hbm4b:s30+s1], $0xA000, $0x38;
	[tilespmem:$0x1E600] =	vst v63  }
0x3e6: {  	_ =	swait.ge [sflag:s15], $0x140  }
0x3e7: {  	[sflag:s15] =	ssyncset.done $0x0  }
0x3e8: {  	[sflag:s15] =	ssyncadd.s32 $0xFFFFFEC0  }
0x3e9: {  	_ =	swait.ge [sflag:s15], $0xA000  }
0x3ea: {  	[sflag:s15] =	ssyncset.done $0x0  }
0x3eb: {  	[sflag:s15] =	ssyncadd.s32 $0xFFFF6000  }
0x3ec: {  	[tilespmem:s5], [sflag:$0x5] =	stream.indirect.gather.add.f32 [spmem:s2], $0x80, s11, s12, $0xb8;
	[tilespmem:$0x1E600] =	vst v63  }
0x3ed: {  	_ =	swait.ge [sflag:s14], $0xA000  }
0x3ee: {  	s31 =	sld [smem:$0x7EB]  }
0x3ef: {  	[sflag:s14] =	ssyncset.done $0x0  }
0x3f0: {  	[sflag:s14] =	ssyncadd.s32 $0xFFFF6000  }
0x3f1: {  	[hbm4b:s31+s1] =	stream.linear.scatter [tilespmem:s6], [sflag:$0x7], $0xA000, $0x38;
	[tilespmem:$0x1E600] =	vst v63  }
0x3f2: {  	_ =	swait.ge [sflag:s7], $0xA000  }
0x3f3: {  	s3 =	sld [smem:$0x7EC]  }
0x3f4: {  	[sflag:s7] =	ssyncset.done $0x0  }
0x3f5: {  	s30 =	sld [smem:$0x7ED];
	[sflag:s7] =	ssyncadd.s32 $0xFFFF6000  }
0x3f6: {  	[tilespmem:s17], [sflag:$0x1] =	stream.linear.gather [hbm4b:s3+s1], $0x140, $0x38;
	[tilespmem:$0x1E600] =	vst v63  }
0x3f7: {  	_ = 	snop  }
0x3f8: {  	[tilespmem:s6], [sflag:$0x1] =	stream.linear.gather [hbm4b:s30+s1], $0xA000, $0x38;
	[tilespmem:$0x1E600] =	vst v63  }
0x3f9: {  	_ =	swait.ge [sflag:s26], $0x140  }
0x3fa: {  	[sflag:s26] =	ssyncset.done $0x0  }
0x3fb: {  	[sflag:s26] =	ssyncadd.s32 $0xFFFFFEC0  }
0x3fc: {  	_ =	swait.ge [sflag:s26], $0xA000  }
0x3fd: {  	[sflag:s26] =	ssyncset.done $0x0  }
0x3fe: {  	[sflag:s26] =	ssyncadd.s32 $0xFFFF6000  }
0x3ff: {  	[tilespmem:s20], [sflag:$0x6] =	stream.indirect.gather.add.f32 [spmem:s2], $0x80, s25, s12, $0xb8;
	[tilespmem:$0x1E600] =	vst v63  }
0x400: {  	_ =	swait.ge [sflag:s13], $0xA000  }
0x401: {  	s31 =	sld [smem:$0x7EE]  }
0x402: {  	[sflag:s13] =	ssyncset.done $0x0  }
0x403: {  	[sflag:s13] =	ssyncadd.s32 $0xFFFF6000  }
0x404: {  	[hbm4b:s31+s1] =	stream.linear.scatter [tilespmem:s5], [sflag:$0x8], $0xA000, $0x38;
	[tilespmem:$0x1E600] =	vst v63  }
0x405: {  	_ =	swait.ge [sflag:s8], $0xA000  }
0x406: {  	s3 =	sld [smem:$0x7EF]  }
0x407: {  	[sflag:s8] =	ssyncset.done $0x0  }
0x408: {  	s30 =	sld [smem:$0x7F0];
	[sflag:s8] =	ssyncadd.s32 $0xFFFF6000  }
0x409: {  	[tilespmem:s11], [sflag:$0x2] =	stream.linear.gather [hbm4b:s3+s1], $0x140, $0x38;
	[tilespmem:$0x1E600] =	vst v63  }
0x40a: {  	_ = 	snop  }
0x40b: {  	[tilespmem:s5], [sflag:$0x2] =	stream.linear.gather [hbm4b:s30+s1], $0xA000, $0x38;
	[tilespmem:$0x1E600] =	vst v63  }
0x40c: {  	_ =	swait.ge [sflag:s21], $0x140  }
0x40d: {  	[sflag:s21] =	ssyncset.done $0x0  }
0x40e: {  	[sflag:s21] =	ssyncadd.s32 $0xFFFFFEC0  }
0x40f: {  	_ =	swait.ge [sflag:s21], $0xA000  }
0x410: {  	[sflag:s21] =	ssyncset.done $0x0  }
0x411: {  	[sflag:s21] =	ssyncadd.s32 $0xFFFF6000  }
0x412: {  	[tilespmem:s6], [sflag:$0x4] =	stream.indirect.gather.add.f32 [spmem:s2], $0x80, s17, s12, $0xb8;
	[tilespmem:$0x1E600] =	vst v63  }
0x413: {  	_ =	swait.ge [sflag:s24], $0xA000  }
0x414: {  	s31 =	sld [smem:$0x7F1]  }
0x415: {  	[sflag:s24] =	ssyncset.done $0x0  }
0x416: {  	[sflag:s24] =	ssyncadd.s32 $0xFFFF6000  }
0x417: {  	[hbm4b:s31+s1] =	stream.linear.scatter [tilespmem:s20], [sflag:$0x9], $0xA000, $0x38;
	[tilespmem:$0x1E600] =	vst v63  }
0x418: {  	_ =	swait.ge [sflag:s9], $0xA000  }
0x419: {  	s3 =	sld [smem:$0x7F2]  }
0x41a: {  	[sflag:s9] =	ssyncset.done $0x0  }
0x41b: {  	s30 =	sld [smem:$0x7F3];
	[sflag:s9] =	ssyncadd.s32 $0xFFFF6000  }
0x41c: {  	[tilespmem:s25], [sflag:$0x3] =	stream.linear.gather [hbm4b:s3+s1], $0x140, $0x38;
	[tilespmem:$0x1E600] =	vst v63  }
0x41d: {  	_ = 	snop  }
0x41e: {  	[tilespmem:s20], [sflag:$0x3] =	stream.linear.gather [hbm4b:s30+s1], $0xA000, $0x38;
	[tilespmem:$0x1E600] =	vst v63  }
0x41f: {  	_ =	swait.ge [sflag:s15], $0x140  }
0x420: {  	[sflag:s15] =	ssyncset.done $0x0  }
0x421: {  	[sflag:s15] =	ssyncadd.s32 $0xFFFFFEC0  }
0x422: {  	_ =	swait.ge [sflag:s15], $0xA000  }
0x423: {  	[sflag:s15] =	ssyncset.done $0x0  }
0x424: {  	[sflag:s15] =	ssyncadd.s32 $0xFFFF6000  }
0x425: {  	[tilespmem:s5], [sflag:$0x5] =	stream.indirect.gather.add.f32 [spmem:s2], $0x80, s11, s12, $0xb8;
	[tilespmem:$0x1E600] =	vst v63  }
0x426: {  	_ =	swait.ge [sflag:s14], $0xA000  }
0x427: {  	s31 =	sld [smem:$0x7F4]  }
0x428: {  	[sflag:s14] =	ssyncset.done $0x0  }
0x429: {  	[sflag:s14] =	ssyncadd.s32 $0xFFFF6000  }
0x42a: {  	[hbm4b:s31+s1] =	stream.linear.scatter [tilespmem:s6], [sflag:$0x7], $0xA000, $0x38;
	[tilespmem:$0x1E600] =	vst v63  }
0x42b: {  	_ =	swait.ge [sflag:s7], $0xA000  }
0x42c: {  	s3 =	sld [smem:$0x7F5]  }
0x42d: {  	[sflag:s7] =	ssyncset.done $0x0  }
0x42e: {  	s30 =	sld [smem:$0x7F6];
	[sflag:s7] =	ssyncadd.s32 $0xFFFF6000  }
0x42f: {  	[tilespmem:s17], [sflag:$0x1] =	stream.linear.gather [hbm4b:s3+s1], $0x140, $0x38;
	[tilespmem:$0x1E600] =	vst v63  }
0x430: {  	_ = 	snop  }
0x431: {  	[tilespmem:s6], [sflag:$0x1] =	stream.linear.gather [hbm4b:s30+s1], $0xA000, $0x38;
	[tilespmem:$0x1E600] =	vst v63  }
0x432: {  	_ =	swait.ge [sflag:s26], $0x140  }
0x433: {  	[sflag:s26] =	ssyncset.done $0x0  }
0x434: {  	[sflag:s26] =	ssyncadd.s32 $0xFFFFFEC0  }
0x435: {  	_ =	swait.ge [sflag:s26], $0xA000  }
0x436: {  	[sflag:s26] =	ssyncset.done $0x0  }
0x437: {  	[sflag:s26] =	ssyncadd.s32 $0xFFFF6000  }
0x438: {  	[tilespmem:s20], [sflag:$0x6] =	stream.indirect.gather.add.f32 [spmem:s2], $0x80, s25, s12, $0xb8;
	[tilespmem:$0x1E600] =	vst v63  }
0x439: {  	_ =	swait.ge [sflag:s13], $0xA000  }
0x43a: {  	s31 =	sld [smem:$0x7F7]  }
0x43b: {  	[sflag:s13] =	ssyncset.done $0x0  }
0x43c: {  	[sflag:s13] =	ssyncadd.s32 $0xFFFF6000  }
0x43d: {  	[hbm4b:s31+s1] =	stream.linear.scatter [tilespmem:s5], [sflag:$0x8], $0xA000, $0x38;
	[tilespmem:$0x1E600] =	vst v63  }
0x43e: {  	_ =	swait.ge [sflag:s8], $0xA000  }
0x43f: {  	s3 =	sld [smem:$0x7F8]  }
0x440: {  	[sflag:s8] =	ssyncset.done $0x0  }
0x441: {  	s30 =	sld [smem:$0x7F9];
	[sflag:s8] =	ssyncadd.s32 $0xFFFF6000  }
0x442: {  	[tilespmem:s11], [sflag:$0x2] =	stream.linear.gather [hbm4b:s3+s1], $0x140, $0x38;
	[tilespmem:$0x1E600] =	vst v63  }
0x443: {  	_ = 	snop  }
0x444: {  	[tilespmem:s5], [sflag:$0x2] =	stream.linear.gather [hbm4b:s30+s1], $0xA000, $0x38;
	[tilespmem:$0x1E600] =	vst v63  }
0x445: {  	_ =	swait.ge [sflag:s21], $0x140  }
0x446: {  	[sflag:s21] =	ssyncset.done $0x0  }
0x447: {  	[sflag:s21] =	ssyncadd.s32 $0xFFFFFEC0  }
0x448: {  	_ =	swait.ge [sflag:s21], $0xA000  }
0x449: {  	[sflag:s21] =	ssyncset.done $0x0  }
0x44a: {  	[sflag:s21] =	ssyncadd.s32 $0xFFFF6000  }
0x44b: {  	[tilespmem:s6], [sflag:$0x4] =	stream.indirect.gather.add.f32 [spmem:s2], $0x80, s17, s12, $0xb8;
	[tilespmem:$0x1E600] =	vst v63  }
0x44c: {  	_ =	swait.ge [sflag:s24], $0xA000  }
0x44d: {  	s31 =	sld [smem:$0x7FA]  }
0x44e: {  	[sflag:s24] =	ssyncset.done $0x0  }
0x44f: {  	[sflag:s24] =	ssyncadd.s32 $0xFFFF6000  }
0x450: {  	[hbm4b:s31+s1] =	stream.linear.scatter [tilespmem:s20], [sflag:$0x9], $0xA000, $0x38;
	[tilespmem:$0x1E600] =	vst v63  }
0x451: {  	_ =	swait.ge [sflag:s9], $0xA000  }
0x452: {  	s3 =	sld [smem:$0x7FB]  }
0x453: {  	[sflag:s9] =	ssyncset.done $0x0  }
0x454: {  	s30 =	sld [smem:$0x7FC];
	[sflag:s9] =	ssyncadd.s32 $0xFFFF6000  }
0x455: {  	[tilespmem:s25], [sflag:$0x3] =	stream.linear.gather [hbm4b:s3+s1], $0x140, $0x38;
	[tilespmem:$0x1E600] =	vst v63  }
0x456: {  	_ = 	snop  }
0x457: {  	[tilespmem:s20], [sflag:$0x3] =	stream.linear.gather [hbm4b:s30+s1], $0xA000, $0x38;
	[tilespmem:$0x1E600] =	vst v63  }
0x458: {  	_ =	swait.ge [sflag:s15], $0x140  }
0x459: {  	[sflag:s15] =	ssyncset.done $0x0  }
0x45a: {  	[sflag:s15] =	ssyncadd.s32 $0xFFFFFEC0  }
0x45b: {  	_ =	swait.ge [sflag:s15], $0xA000  }
0x45c: {  	[sflag:s15] =	ssyncset.done $0x0  }
0x45d: {  	[sflag:s15] =	ssyncadd.s32 $0xFFFF6000  }
0x45e: {  	[tilespmem:s5], [sflag:$0x5] =	stream.indirect.gather.add.f32 [spmem:s2], $0x80, s11, s12, $0xb8;
	[tilespmem:$0x1E600] =	vst v63  }
0x45f: {  	_ =	swait.ge [sflag:s14], $0xA000  }
0x460: {  	s31 =	sld [smem:$0x7FD]  }
0x461: {  	[sflag:s14] =	ssyncset.done $0x0  }
0x462: {  	[sflag:s14] =	ssyncadd.s32 $0xFFFF6000  }
0x463: {  	[hbm4b:s31+s1] =	stream.linear.scatter [tilespmem:s6], [sflag:$0x7], $0xA000, $0x38;
	[tilespmem:$0x1E600] =	vst v63  }
0x464: {  	_ =	swait.ge [sflag:s7], $0xA000  }
0x465: {  	[sflag:s7] =	ssyncset.done $0x0  }
0x466: {  	[sflag:s7] =	ssyncadd.s32 $0xFFFF6000  }
0x467: {  	[tilespmem:s17], [sflag:$0x1] =	stream.linear.gather [hbm4b:s23+s1], $0x140, $0x38;
	[tilespmem:$0x1E600] =	vst v63  }
0x468: {  	_ = 	snop  }
0x469: {  	[tilespmem:s6], [sflag:$0x1] =	stream.linear.gather [hbm4b:s28+s1], $0xA000, $0x38;
	[tilespmem:$0x1E600] =	vst v63  }
0x46a: {  	_ =	swait.ge [sflag:s26], $0x140  }
0x46b: {  	[sflag:s26] =	ssyncset.done $0x0  }
0x46c: {  	[sflag:s26] =	ssyncadd.s32 $0xFFFFFEC0  }
0x46d: {  	_ =	swait.ge [sflag:s26], $0xA000  }
0x46e: {  	[sflag:s26] =	ssyncset.done $0x0  }
0x46f: {  	[sflag:s26] =	ssyncadd.s32 $0xFFFF6000  }
0x470: {  	[tilespmem:s20], [sflag:$0x6] =	stream.indirect.gather.add.f32 [spmem:s2], $0x80, s25, s12, $0xb8;
	[tilespmem:$0x1E600] =	vst v63  }
0x471: {  	_ =	swait.ge [sflag:s13], $0xA000  }
0x472: {  	[sflag:s13] =	ssyncset.done $0x0  }
0x473: {  	[sflag:s13] =	ssyncadd.s32 $0xFFFF6000  }
0x474: {  	[hbm4b:s22+s1] =	stream.linear.scatter [tilespmem:s5], [sflag:$0x8], $0xA000, $0x38;
	[tilespmem:$0x1E600] =	vst v63  }
0x475: {  	_ =	swait.ge [sflag:s8], $0xA000  }
0x476: {  	[sflag:s8] =	ssyncset.done $0x0  }
0x477: {  	[sflag:s8] =	ssyncadd.s32 $0xFFFF6000  }
0x478: {  	[tilespmem:s11], [sflag:$0x2] =	stream.linear.gather [hbm4b:s18+s1], $0x140, $0x38;
	[tilespmem:$0x1E600] =	vst v63  }
0x479: {  	_ = 	snop  }
0x47a: {  	[tilespmem:s5], [sflag:$0x2] =	stream.linear.gather [hbm4b:s19+s1], $0xA000, $0x38;
	[tilespmem:$0x1E600] =	vst v63  }
0x47b: {  	_ =	swait.ge [sflag:s21], $0x140  }
0x47c: {  	[sflag:s21] =	ssyncset.done $0x0  }
0x47d: {  	[sflag:s21] =	ssyncadd.s32 $0xFFFFFEC0  }
0x47e: {  	_ =	swait.ge [sflag:s21], $0xA000  }
0x47f: {  	[sflag:s21] =	ssyncset.done $0x0  }
0x480: {  	[sflag:s21] =	ssyncadd.s32 $0xFFFF6000  }
0x481: {  	[tilespmem:s6], [sflag:$0x4] =	stream.indirect.gather.add.f32 [spmem:s2], $0x80, s17, s12, $0xb8;
	[tilespmem:$0x1E600] =	vst v63  }
0x482: {  	_ =	swait.ge [sflag:s24], $0xA000  }
0x483: {  	[sflag:s24] =	ssyncset.done $0x0  }
0x484: {  	[sflag:s24] =	ssyncadd.s32 $0xFFFF6000  }
0x485: {  	[hbm4b:s16+s1] =	stream.linear.scatter [tilespmem:s20], [sflag:$0x9], $0xA000, $0x38;
	[tilespmem:$0x1E600] =	vst v63  }
0x486: {  	_ =	swait.ge [sflag:s15], $0x140  }
0x487: {  	[sflag:s15] =	ssyncset.done $0x0  }
0x488: {  	[sflag:s15] =	ssyncadd.s32 $0xFFFFFEC0  }
0x489: {  	_ =	swait.ge [sflag:s15], $0xA000  }
0x48a: {  	[sflag:s15] =	ssyncset.done $0x0  }
0x48b: {  	[sflag:s15] =	ssyncadd.s32 $0xFFFF6000  }
0x48c: {  	[tilespmem:s5], [sflag:$0x5] =	stream.indirect.gather.add.f32 [spmem:s2], $0x80, s11, s12, $0xb8;
	[tilespmem:$0x1E600] =	vst v63  }
0x48d: {  	_ =	swait.ge [sflag:s14], $0xA000  }
0x48e: {  	[sflag:s14] =	ssyncset.done $0x0  }
0x48f: {  	[sflag:s14] =	ssyncadd.s32 $0xFFFF6000  }
0x490: {  	[hbm4b:s10+s1] =	stream.linear.scatter [tilespmem:s6], [sflag:$0x7], $0xA000, $0x38;
	[tilespmem:$0x1E600] =	vst v63  }
0x491: {  	_ =	swait.ge [sflag:s13], $0xA000  }
0x492: {  	[sflag:s13] =	ssyncset.done $0x0  }
0x493: {  	[sflag:s13] =	ssyncadd.s32 $0xFFFF6000  }
0x494: {  	[hbm4b:s4+s1] =	stream.linear.scatter [tilespmem:s5], [sflag:$0x8], $0xA000, $0x38;
	[tilespmem:$0x1E600] =	vst v63  }
0x495: {  	_ =	swait.ge [sflag:s7], $0xA000  }
0x496: {  	[sflag:s7] =	ssyncset.done $0x0  }
0x497: {  	[sflag:s7] =	ssyncadd.s32 $0xFFFF6000  }
0x498: {  	_ =	swait.ge [sflag:s8], $0xA000  }
0x499: {  	[sflag:s8] =	ssyncset.done $0x0  }
0x49a: {  	[sflag:s8] =	ssyncadd.s32 $0xFFFF6000  }
0x49b: {  	_ =	swait.ge [sflag:s9], $0xA000  }
0x49c: {  	[sflag:s9] =	ssyncset.done $0x0  }
0x49d: {  	[sflag:s9] =	ssyncadd.s32 $0xFFFF6000  }
0x49e: {  	_ =	sfence.sel $0x180000  }
0x49f: {  	[bflag:$0x0] =	sbarrier.arrive $0xFFFF  }
0x4a0: {  	_ =	strace $0x90000047  }
0x4a1: {  	s0 =	sadd.s32 @!p0 $0x100000, s29;
	[bflag:$0x2] =	sbarrier.arrive $0xFFFF  }
0x4a2: {  	[sflag:s0] =	ssyncadd.tile.s32 @!p0 $0x1;
	_ =	shalt  }
.LBB2_1:
.Ltmp3:
0x4a3: {  	(pc) =	sbr.rel .LBB2_6-.Ltmp3, $2  }
0x4a4: {  	_ =	sdelay $0x2  }
0x4a5: {  	s30 =	smov.u32 s4;
	s4 =	smov.u32 s3  }
.LBB2_3:
.Ltmp4:
0x4a6: {  	(pc) =	sbr.rel .LBB2_6-.Ltmp4, $3  }
0x4a7: {  	_ =	sdelay $0x1  }
0x4a8: {  	s30 =	smov.u32 s22;
	s29 =	rddreg [dreg:$0x5]  }
0x4a9: {  	s4 =	smov.u32 s3;
	s22 =	smov.u32 s23;
	s23 =	sld [smem:$0x7E1]  }
.Lfunc_end2:
_tile_overlayer_lowered:
.L_overlay_start_2:
0x4aa: {  	(tag) =	ssettag $0x2  }
0x4ab: {  	s0 =	rddreg [dreg:$0x0];
	s2 =	stileid.u32  }
0x4ac: {  	s1 =	rddreg [dreg:$0x1];
	p0 =	sne.s32 s2, $0x0  }
0x4ad: {  	s3 =	rddreg [dreg:$0x2];
	[bflag:$0x3] =	sbarrier.arrive $0xFFFF;
	s2 =	simm.s32 @!p0 $0x1C0A  }
0x4ae: {  	[timem:s3], [sflag:s2] =	dma.local @!p0 [hbm:s0], s1  }
0x4af: {  	s0 =	simm.s32 @!p0 $0xA  }
0x4b0: {  	_ =	swait.ge @!p0 [sflag:s0], s1  }
0x4b1: {  	s1 =	ssub.s32 @!p0 $0x0, s1;
	[sflag:s0] =	ssyncset.done @!p0 $0x0  }
0x4b2: {  	[sflag:s0] =	ssyncadd.s32 @!p0 s1  }
0x4b3: {  	[bflag:$0x3] =	sbarrier.arrive $0xFFFF  }
0x4b4: {  	_ =	shalt  }

</sc_bundles>
